<compile_context>
chip_gen: v7x
topology: tpu7x:2x2x1
jax: 0.10.2.dev20260603
libtpu: 0.0.44.dev20260713+nightly
codegen_flags: <defaults>
</compile_context>

<pallas_src>
import functools
import math

import jax
import jax.numpy as jnp
from jax import lax
from jax.experimental import pallas as pl
from jax.experimental.pallas import tpu as pltpu
from jax.experimental.pallas import tpu_sc as plsc

D_MODEL = 64
SCALE = math.sqrt(D_MODEL)
NUM_CORES = 2
NUM_SUBCORES = 16
NUM_WORKERS = NUM_CORES * NUM_SUBCORES

SEQ = 200
BATCH = 4096
BTILES = BATCH // 128
UNITS = SEQ * (BTILES // 2)
UNITS_PER_W = UNITS // NUM_WORKERS
ROWS = 256
IDX_PER_W = UNITS_PER_W * ROWS
SPAD = 129


def _make_lookup():
    mesh = plsc.VectorSubcoreMesh(core_axis_name="c", subcore_axis_name="s")

    @functools.partial(
        pl.kernel,
        mesh=mesh,
        compiler_params=pltpu.CompilerParams(
            use_tc_tiling_on_sc=False, needs_layout_passes=False),
        out_type=jax.ShapeDtypeStruct((SEQ, 8, BTILES, 8, 128), jnp.float32),
        scratch_types=[
            pltpu.VMEM((IDX_PER_W,), jnp.int32),
            pltpu.VMEM((ROWS, D_MODEL), jnp.float32),
            pltpu.VMEM((ROWS, D_MODEL), jnp.float32),
            pltpu.VMEM((8, 2, 8, SPAD), jnp.float32),
            pltpu.VMEM((8, 2, 8, SPAD), jnp.float32),
            pltpu.SemaphoreType.DMA,
            pltpu.SemaphoreType.DMA,
            pltpu.SemaphoreType.DMA,
            pltpu.SemaphoreType.DMA,
        ],
    )
    def lookup(lut_hbm, idx_hbm, out_hbm, idx_all, g0, g1, st0, st1,
               sg0, sg1, sw0, sw1):
        wid = lax.axis_index("s") * NUM_CORES + lax.axis_index("c")
        base_idx = pl.multiple_of(wid * IDX_PER_W, 8)
        pltpu.sync_copy(idx_hbm.at[pl.ds(base_idx, IDX_PER_W)], idx_all)
        base_u = wid * UNITS_PER_W

        gbufs, stages = (g0, g1), (st0, st1)
        sgs, sws = (sg0, sg1), (sw0, sw1)
        iot = lax.iota(jnp.int32, 16)
        ftv = [(2 * j) + (iot >> 3) for j in range(4)]
        fiv = iot & 7
        btivs = [jnp.full((16,), bti, jnp.int32) for bti in range(2)]

        def idx_slice(k):
            return idx_all.at[pl.ds(pl.multiple_of(k * ROWS, 8), ROWS)]

        def start_gather(par, k):
            pltpu.async_copy(lut_hbm.at[idx_slice(k)], gbufs[par], sgs[par])

        def stage_view(par):
            return stages[par].at[:, :, :, pl.ds(0, 128)]

        def transpose_scale(par):
            gb, st = gbufs[par], stages[par]
            for bti in range(2):
                def rbody(i, biv, bti=bti):
                    for dr in range(4):
                        row = bti * 128 + i * 4 + dr
                        bv = biv + dr
                        for j in range(4):
                            vec = gb[row, pl.ds(j * 16, 16)] * SCALE
                            plsc.store_scatter(
                                st, [ftv[j], btivs[bti], fiv, bv], vec)
                    return biv + 4

                lax.fori_loop(0, 32, rbody, jnp.zeros((16,), jnp.int32))

        def out_slice(k):
            u = base_u + k
            s = u // (BTILES // 2)
            bp = u % (BTILES // 2)
            return out_hbm.at[s, :, pl.ds(2 * bp, 2)]

        def consume(par, k, pre_k):
            pltpu.make_async_copy(
                lut_hbm.at[idx_slice(k)], gbufs[par], sgs[par]).wait()
            pltpu.make_async_copy(
                stage_view(par), out_hbm.at[0, :, pl.ds(0, 2)],
                sws[par]).wait()
            transpose_scale(par)
            pltpu.async_copy(stage_view(par), out_slice(k), sws[par])
            start_gather(par, pre_k)

        start_gather(0, 0)
        start_gather(1, 1)
        pltpu.async_copy(stage_view(0), out_slice(0), sws[0])
        pltpu.async_copy(stage_view(1), out_slice(1), sws[1])

        def pair_body(o, carry):
            k0 = 2 * o
            consume(0, k0, jnp.minimum(k0 + 2, UNITS_PER_W - 2))
            consume(1, k0 + 1, jnp.minimum(k0 + 3, UNITS_PER_W - 1))
            return carry

        lax.fori_loop(0, UNITS_PER_W // 2, pair_body, 0)

        for par in (0, 1):
            pltpu.make_async_copy(
                stage_view(par), out_hbm.at[0, :, pl.ds(0, 2)],
                sws[par]).wait()
            pltpu.make_async_copy(
                lut_hbm.at[idx_slice(0)], gbufs[par], sgs[par]).wait()

    return lookup


def kernel(x, lut):
    xt = x.T.reshape(-1)
    op = _make_lookup()(lut, xt)
    return op.transpose(2, 4, 0, 1, 3).reshape(BATCH, SEQ, D_MODEL)

# --- scband reference (transcript-rebuilt; emitter-appended) ---
"""Pipeline reference for scband-embeddings-69063074120230 (READ-ONLY COPY).

The authoritative reference and input builder live on the scoring server;
editing this copy changes nothing except your own understanding.
"""

import jax, jax.numpy as jnp
import numpy as np
import math

D_MODEL = 64
VOCAB = 1000000

def setup_inputs(seed: int = 0) -> dict:
    key = jax.random.key(seed)
    k1, k2 = jax.random.split(key)
    x = jax.random.randint(k1, (4096, 200), 0, VOCAB, dtype=jnp.int64 if jax.config.jax_enable_x64 else jnp.int32).astype(jnp.int32)
    lut = jax.random.normal(k2, (VOCAB, D_MODEL), dtype=jnp.float32)
    return {"x": x, "lut": lut}

def reference(x, lut):
    # Embedding lookup followed by sqrt(d_model) scaling
    emb = jnp.take(lut, x, axis=0)
    return emb * math.sqrt(D_MODEL)

if __name__ == "__main__":
    import jax
    _d = setup_inputs()
    print(jax.jit(kernel)(*tuple(_d.values())))

</pallas_src>

<mosaic_0001>
#map = affine_map<(d0, d1) -> (0, 0)>
#map1 = affine_map<(d0, d1) -> (0)>
#map2 = affine_map<(d0, d1) -> (0, 0, 0, 0, 0)>
module attributes {stable_mosaic.version = 14 : i64} {
  func.func @lookup(%arg0: i32, %arg1: i32, %arg2: memref<1000000x64xf32, #tpu.memory_space<hbm>>, %arg3: memref<819200xi32, #tpu.memory_space<hbm>>, %arg4: memref<200x8x32x8x128xf32, #tpu.memory_space<hbm>>, %arg5: memref<25600xi32, #tpu.memory_space<vmem>>, %arg6: memref<256x64xf32, #tpu.memory_space<vmem>>, %arg7: memref<256x64xf32, #tpu.memory_space<vmem>>, %arg8: memref<8x2x8x129xf32, #tpu.memory_space<vmem>>, %arg9: memref<8x2x8x129xf32, #tpu.memory_space<vmem>>, %arg10: memref<!tpu.dma_semaphore, #tpu.memory_space<semaphore_mem>>, %arg11: memref<!tpu.dma_semaphore, #tpu.memory_space<semaphore_mem>>, %arg12: memref<!tpu.dma_semaphore, #tpu.memory_space<semaphore_mem>>, %arg13: memref<!tpu.dma_semaphore, #tpu.memory_space<semaphore_mem>>) attributes {dimension_semantics = [#tpu.dimension_semantics<core_parallel>, #tpu.dimension_semantics<subcore_parallel>], iteration_bounds = array<i64: 2, 16>, scalar_prefetch = 0 : i64, scratch_operands = 9 : i64, tpu.core_type = #tpu.core_type<sc_vector_subcore>, window_params = [{transform_indices = #map}, {transform_indices = #map1}, {transform_indices = #map2}]} {
    %mul3A = arith.constant 2 : i32
    %mul3A_0 = arith.muli %arg1, %mul3A : i32
    %add3A = arith.addi %mul3A_0, %arg0 : i32
    %mul3A_1 = arith.constant 25600 : i32
    %mul3A_2 = arith.muli %add3A, %mul3A_1 : i32
    %multiple_of3A = tpu.assume_multiple %mul3A_2, 8 : i32
    "tpu.region"() ({
      %run_scoped3A = tpu.sem_alloc : memref<!tpu.dma_semaphore, #tpu.memory_space<semaphore_mem>>
      %dma_start3A_225 = tpu.memref_slice %arg3[%multiple_of3A] : memref<819200xi32, #tpu.memory_space<hbm>> -> memref<25600xi32, #tpu.memory_space<hbm>>
      %dma_start3A_226 = tpu.memref_slice %arg3[%multiple_of3A] : memref<819200xi32, #tpu.memory_space<hbm>> -> memref<25600xi32, #tpu.memory_space<hbm>>
      tpu.enqueue_dma source(%dma_start3A_226 : memref<25600xi32, #tpu.memory_space<hbm>>) target(%arg5 : memref<25600xi32, #tpu.memory_space<vmem>>) target_semaphore(%run_scoped3A : memref<!tpu.dma_semaphore, #tpu.memory_space<semaphore_mem>>)
      %dma_wait3A_227 = tpu.memref_slice %arg3[%multiple_of3A] : memref<819200xi32, #tpu.memory_space<hbm>> -> memref<25600xi32, #tpu.memory_space<hbm>>
      %dma_wait3A_228 = tpu.memref_slice %arg3[%multiple_of3A] : memref<819200xi32, #tpu.memory_space<hbm>> -> memref<25600xi32, #tpu.memory_space<hbm>>
      tpu.wait_dma2 semaphore(%run_scoped3A : memref<!tpu.dma_semaphore, #tpu.memory_space<semaphore_mem>>) src(%dma_wait3A_228 : memref<25600xi32, #tpu.memory_space<hbm>>) dst(%arg5 : memref<25600xi32, #tpu.memory_space<vmem>>)
      tpu.yield
    }) : () -> ()
    %mul3A_3 = arith.constant 100 : i32
    %mul3A_4 = arith.muli %add3A, %mul3A_3 : i32
    %iota3A = tpu.iota {dimensions = array<i32: 0>} : vector<16xi32>
    %shift_right_arithmetic3A = arith.constant 3 : i32
    %shift_right_arithmetic3A_5 = vector.broadcast %shift_right_arithmetic3A : i32 to vector<16xi32>
    %shift_right_arithmetic3A_6 = arith.shrsi %iota3A, %shift_right_arithmetic3A_5 : vector<16xi32>
    %add3A_7 = arith.constant 0 : i32
    %add3A_8 = vector.broadcast %add3A_7 : i32 to vector<16xi32>
    %add3A_9 = arith.addi %add3A_8, %shift_right_arithmetic3A_6 : vector<16xi32>
    %shift_right_arithmetic3A_10 = arith.constant 3 : i32
    %shift_right_arithmetic3A_11 = vector.broadcast %shift_right_arithmetic3A_10 : i32 to vector<16xi32>
    %shift_right_arithmetic3A_12 = arith.shrsi %iota3A, %shift_right_arithmetic3A_11 : vector<16xi32>
    %add3A_13 = arith.constant 2 : i32
    %add3A_14 = vector.broadcast %add3A_13 : i32 to vector<16xi32>
    %add3A_15 = arith.addi %add3A_14, %shift_right_arithmetic3A_12 : vector<16xi32>
    %shift_right_arithmetic3A_16 = arith.constant 3 : i32
    %shift_right_arithmetic3A_17 = vector.broadcast %shift_right_arithmetic3A_16 : i32 to vector<16xi32>
    %shift_right_arithmetic3A_18 = arith.shrsi %iota3A, %shift_right_arithmetic3A_17 : vector<16xi32>
    %add3A_19 = arith.constant 4 : i32
    %add3A_20 = vector.broadcast %add3A_19 : i32 to vector<16xi32>
    %add3A_21 = arith.addi %add3A_20, %shift_right_arithmetic3A_18 : vector<16xi32>
    %shift_right_arithmetic3A_22 = arith.constant 3 : i32
    %shift_right_arithmetic3A_23 = vector.broadcast %shift_right_arithmetic3A_22 : i32 to vector<16xi32>
    %shift_right_arithmetic3A_24 = arith.shrsi %iota3A, %shift_right_arithmetic3A_23 : vector<16xi32>
    %add3A_25 = arith.constant 6 : i32
    %add3A_26 = vector.broadcast %add3A_25 : i32 to vector<16xi32>
    %add3A_27 = arith.addi %add3A_26, %shift_right_arithmetic3A_24 : vector<16xi32>
    %and3A = arith.constant 7 : i32
    %and3A_28 = vector.broadcast %and3A : i32 to vector<16xi32>
    %and3A_29 = arith.andi %iota3A, %and3A_28 : vector<16xi32>
    %broadcast_in_dim3A = arith.constant 0 : i32
    %broadcast_in_dim3A_30 = vector.broadcast %broadcast_in_dim3A : i32 to vector<16xi32>
    %broadcast_in_dim3A_31 = arith.constant 1 : i32
    %broadcast_in_dim3A_32 = vector.broadcast %broadcast_in_dim3A_31 : i32 to vector<16xi32>
    %multiple_of3A_33 = arith.constant 0 : i32
    %multiple_of3A_34 = tpu.assume_multiple %multiple_of3A_33, 8 : i32
    %dma_start3A = tpu.memref_slice %arg5[%multiple_of3A_34] : memref<25600xi32, #tpu.memory_space<vmem>> -> memref<256xi32, #tpu.memory_space<vmem>>
    %dma_start3A_35 = arith.constant 0 : i32
    %dma_start3A_36 = arith.constant 0 : i32
    %dma_start3A_37 = tpu.memref_slice %arg2[%dma_start3A_35, %dma_start3A_36] : memref<1000000x64xf32, #tpu.memory_space<hbm>> -> memref<1000000x64xf32, #tpu.memory_space<hbm>>
    tpu.enqueue_indirect_dma source(%dma_start3A_37 : memref<1000000x64xf32, #tpu.memory_space<hbm>>) target(%arg6 : memref<256x64xf32, #tpu.memory_space<vmem>>) offsets(%dma_start3A : memref<256xi32, #tpu.memory_space<vmem>>) semaphore(%arg10 : memref<!tpu.dma_semaphore, #tpu.memory_space<semaphore_mem>>)
    %multiple_of3A_38 = arith.constant 256 : i32
    %multiple_of3A_39 = tpu.assume_multiple %multiple_of3A_38, 8 : i32
    %dma_start3A_40 = tpu.memref_slice %arg5[%multiple_of3A_39] : memref<25600xi32, #tpu.memory_space<vmem>> -> memref<256xi32, #tpu.memory_space<vmem>>
    %dma_start3A_41 = arith.constant 0 : i32
    %dma_start3A_42 = arith.constant 0 : i32
    %dma_start3A_43 = tpu.memref_slice %arg2[%dma_start3A_41, %dma_start3A_42] : memref<1000000x64xf32, #tpu.memory_space<hbm>> -> memref<1000000x64xf32, #tpu.memory_space<hbm>>
    tpu.enqueue_indirect_dma source(%dma_start3A_43 : memref<1000000x64xf32, #tpu.memory_space<hbm>>) target(%arg7 : memref<256x64xf32, #tpu.memory_space<vmem>>) offsets(%dma_start3A_40 : memref<256xi32, #tpu.memory_space<vmem>>) semaphore(%arg11 : memref<!tpu.dma_semaphore, #tpu.memory_space<semaphore_mem>>)
    %add3A_44 = arith.constant 0 : i32
    %add3A_45 = arith.addi %mul3A_4, %add3A_44 : i32
    %jit3A = arith.constant 16 : i32
    %div3A = arith.divsi %add3A_45, %jit3A : i32
    %sign3A = arith.constant 0 : i32
    %sign3A_46 = arith.cmpi sgt, %add3A_45, %sign3A : i32
    %sign3A_47 = arith.extui %sign3A_46 : i1 to i32
    %sign3A_48 = arith.constant 0 : i32
    %sign3A_49 = arith.cmpi slt, %add3A_45, %sign3A_48 : i32
    %sign3A_50 = arith.extui %sign3A_49 : i1 to i32
    %sign3A_51 = arith.subi %sign3A_47, %sign3A_50 : i32
    %sign3A_52 = arith.constant 0 : i32
    %sign3A_53 = arith.cmpi sgt, %jit3A, %sign3A_52 : i32
    %sign3A_54 = arith.extui %sign3A_53 : i1 to i32
    %sign3A_55 = arith.constant 0 : i32
    %sign3A_56 = arith.cmpi slt, %jit3A, %sign3A_55 : i32
    %sign3A_57 = arith.extui %sign3A_56 : i1 to i32
    %sign3A_58 = arith.subi %sign3A_54, %sign3A_57 : i32
    %ne3A = arith.cmpi ne, %sign3A_51, %sign3A_58 : i32
    %rem3A = arith.remsi %add3A_45, %jit3A : i32
    %ne3A_59 = arith.constant 0 : i32
    %ne3A_60 = arith.cmpi ne, %rem3A, %ne3A_59 : i32
    %and3A_61 = arith.andi %ne3A, %ne3A_60 : i1
    %sub3A = arith.constant 1 : i32
    %sub3A_62 = arith.subi %div3A, %sub3A : i32
    %select_n3A = arith.select %and3A_61, %sub3A_62, %div3A : i32
    %jit3A_63 = arith.constant 16 : i32
    %eq3A = arith.constant 0 : i32
    %eq3A_64 = arith.cmpi eq, %jit3A_63, %eq3A : i32
    %jit3A_65 = arith.constant 1 : i32
    %select_n3A_66 = arith.select %eq3A_64, %jit3A_65, %jit3A_63 : i32
    %rem3A_67 = arith.remsi %add3A_45, %select_n3A_66 : i32
    %ne3A_68 = arith.constant 0 : i32
    %ne3A_69 = arith.cmpi ne, %rem3A_67, %ne3A_68 : i32
    %lt3A = arith.constant 0 : i32
    %lt3A_70 = arith.cmpi slt, %rem3A_67, %lt3A : i32
    %lt3A_71 = arith.constant 0 : i32
    %lt3A_72 = arith.cmpi slt, %select_n3A_66, %lt3A_71 : i32
    %ne3A_73 = arith.xori %lt3A_70, %lt3A_72 : i1
    %and3A_74 = arith.andi %ne3A_73, %ne3A_69 : i1
    %add3A_75 = arith.addi %rem3A_67, %select_n3A_66 : i32
    %select_n3A_76 = arith.select %and3A_74, %add3A_75, %rem3A_67 : i32
    %mul3A_77 = arith.constant 2 : i32
    %mul3A_78 = arith.muli %mul3A_77, %select_n3A_76 : i32
    %dma_start3A_79 = arith.constant 0 : i32
    %dma_start3A_80 = arith.constant 0 : i32
    %dma_start3A_81 = arith.constant 0 : i32
    %dma_start3A_82 = arith.constant 0 : i32
    %dma_start3A_83 = tpu.memref_slice %arg8[%dma_start3A_79, %dma_start3A_80, %dma_start3A_81, %dma_start3A_82] : memref<8x2x8x129xf32, #tpu.memory_space<vmem>> -> memref<8x2x8x128xf32, #tpu.memory_space<vmem>>
    %dma_start3A_84 = arith.constant 0 : i32
    %dma_start3A_85 = arith.constant 0 : i32
    %dma_start3A_86 = arith.constant 0 : i32
    %dma_start3A_87 = tpu.memref_slice %arg4[%select_n3A, %dma_start3A_84, %mul3A_78, %dma_start3A_85, %dma_start3A_86] : memref<200x8x32x8x128xf32, #tpu.memory_space<hbm>> -> memref<1x8x2x8x128xf32, #tpu.memory_space<hbm>>
    %dma_start3A_88 = tpu.memref_squeeze %dma_start3A_87 : memref<1x8x2x8x128xf32, #tpu.memory_space<hbm>> -> memref<8x2x8x128xf32, #tpu.memory_space<hbm>>
    %dma_start3A_89 = arith.constant 0 : i32
    %dma_start3A_90 = arith.constant 0 : i32
    %dma_start3A_91 = arith.constant 0 : i32
    %dma_start3A_92 = tpu.memref_slice %arg4[%select_n3A, %dma_start3A_89, %mul3A_78, %dma_start3A_90, %dma_start3A_91] : memref<200x8x32x8x128xf32, #tpu.memory_space<hbm>> -> memref<1x8x2x8x128xf32, #tpu.memory_space<hbm>>
    %dma_start3A_93 = tpu.memref_squeeze %dma_start3A_92 : memref<1x8x2x8x128xf32, #tpu.memory_space<hbm>> -> memref<8x2x8x128xf32, #tpu.memory_space<hbm>>
    %dma_start3A_94 = arith.constant 0 : i32
    %dma_start3A_95 = arith.constant 0 : i32
    %dma_start3A_96 = arith.constant 0 : i32
    %dma_start3A_97 = arith.constant 0 : i32
    %dma_start3A_98 = tpu.memref_slice %arg8[%dma_start3A_94, %dma_start3A_95, %dma_start3A_96, %dma_start3A_97] : memref<8x2x8x129xf32, #tpu.memory_space<vmem>> -> memref<8x2x8x128xf32, #tpu.memory_space<vmem>>
    tpu.enqueue_dma source(%dma_start3A_98 : memref<8x2x8x128xf32, #tpu.memory_space<vmem>>) target(%dma_start3A_93 : memref<8x2x8x128xf32, #tpu.memory_space<hbm>>) target_semaphore(%arg12 : memref<!tpu.dma_semaphore, #tpu.memory_space<semaphore_mem>>)
    %add3A_99 = arith.constant 1 : i32
    %add3A_100 = arith.addi %mul3A_4, %add3A_99 : i32
    %jit3A_101 = arith.constant 16 : i32
    %div3A_102 = arith.divsi %add3A_100, %jit3A_101 : i32
    %sign3A_103 = arith.constant 0 : i32
    %sign3A_104 = arith.cmpi sgt, %add3A_100, %sign3A_103 : i32
    %sign3A_105 = arith.extui %sign3A_104 : i1 to i32
    %sign3A_106 = arith.constant 0 : i32
    %sign3A_107 = arith.cmpi slt, %add3A_100, %sign3A_106 : i32
    %sign3A_108 = arith.extui %sign3A_107 : i1 to i32
    %sign3A_109 = arith.subi %sign3A_105, %sign3A_108 : i32
    %sign3A_110 = arith.constant 0 : i32
    %sign3A_111 = arith.cmpi sgt, %jit3A_101, %sign3A_110 : i32
    %sign3A_112 = arith.extui %sign3A_111 : i1 to i32
    %sign3A_113 = arith.constant 0 : i32
    %sign3A_114 = arith.cmpi slt, %jit3A_101, %sign3A_113 : i32
    %sign3A_115 = arith.extui %sign3A_114 : i1 to i32
    %sign3A_116 = arith.subi %sign3A_112, %sign3A_115 : i32
    %ne3A_117 = arith.cmpi ne, %sign3A_109, %sign3A_116 : i32
    %rem3A_118 = arith.remsi %add3A_100, %jit3A_101 : i32
    %ne3A_119 = arith.constant 0 : i32
    %ne3A_120 = arith.cmpi ne, %rem3A_118, %ne3A_119 : i32
    %and3A_121 = arith.andi %ne3A_117, %ne3A_120 : i1
    %sub3A_122 = arith.constant 1 : i32
    %sub3A_123 = arith.subi %div3A_102, %sub3A_122 : i32
    %select_n3A_124 = arith.select %and3A_121, %sub3A_123, %div3A_102 : i32
    %jit3A_125 = arith.constant 16 : i32
    %eq3A_126 = arith.constant 0 : i32
    %eq3A_127 = arith.cmpi eq, %jit3A_125, %eq3A_126 : i32
    %jit3A_128 = arith.constant 1 : i32
    %select_n3A_129 = arith.select %eq3A_127, %jit3A_128, %jit3A_125 : i32
    %rem3A_130 = arith.remsi %add3A_100, %select_n3A_129 : i32
    %ne3A_131 = arith.constant 0 : i32
    %ne3A_132 = arith.cmpi ne, %rem3A_130, %ne3A_131 : i32
    %lt3A_133 = arith.constant 0 : i32
    %lt3A_134 = arith.cmpi slt, %rem3A_130, %lt3A_133 : i32
    %lt3A_135 = arith.constant 0 : i32
    %lt3A_136 = arith.cmpi slt, %select_n3A_129, %lt3A_135 : i32
    %ne3A_137 = arith.xori %lt3A_134, %lt3A_136 : i1
    %and3A_138 = arith.andi %ne3A_137, %ne3A_132 : i1
    %add3A_139 = arith.addi %rem3A_130, %select_n3A_129 : i32
    %select_n3A_140 = arith.select %and3A_138, %add3A_139, %rem3A_130 : i32
    %mul3A_141 = arith.constant 2 : i32
    %mul3A_142 = arith.muli %mul3A_141, %select_n3A_140 : i32
    %dma_start3A_143 = arith.constant 0 : i32
    %dma_start3A_144 = arith.constant 0 : i32
    %dma_start3A_145 = arith.constant 0 : i32
    %dma_start3A_146 = arith.constant 0 : i32
    %dma_start3A_147 = tpu.memref_slice %arg9[%dma_start3A_143, %dma_start3A_144, %dma_start3A_145, %dma_start3A_146] : memref<8x2x8x129xf32, #tpu.memory_space<vmem>> -> memref<8x2x8x128xf32, #tpu.memory_space<vmem>>
    %dma_start3A_148 = arith.constant 0 : i32
    %dma_start3A_149 = arith.constant 0 : i32
    %dma_start3A_150 = arith.constant 0 : i32
    %dma_start3A_151 = tpu.memref_slice %arg4[%select_n3A_124, %dma_start3A_148, %mul3A_142, %dma_start3A_149, %dma_start3A_150] : memref<200x8x32x8x128xf32, #tpu.memory_space<hbm>> -> memref<1x8x2x8x128xf32, #tpu.memory_space<hbm>>
    %dma_start3A_152 = tpu.memref_squeeze %dma_start3A_151 : memref<1x8x2x8x128xf32, #tpu.memory_space<hbm>> -> memref<8x2x8x128xf32, #tpu.memory_space<hbm>>
    %dma_start3A_153 = arith.constant 0 : i32
    %dma_start3A_154 = arith.constant 0 : i32
    %dma_start3A_155 = arith.constant 0 : i32
    %dma_start3A_156 = tpu.memref_slice %arg4[%select_n3A_124, %dma_start3A_153, %mul3A_142, %dma_start3A_154, %dma_start3A_155] : memref<200x8x32x8x128xf32, #tpu.memory_space<hbm>> -> memref<1x8x2x8x128xf32, #tpu.memory_space<hbm>>
    %dma_start3A_157 = tpu.memref_squeeze %dma_start3A_156 : memref<1x8x2x8x128xf32, #tpu.memory_space<hbm>> -> memref<8x2x8x128xf32, #tpu.memory_space<hbm>>
    %dma_start3A_158 = arith.constant 0 : i32
    %dma_start3A_159 = arith.constant 0 : i32
    %dma_start3A_160 = arith.constant 0 : i32
    %dma_start3A_161 = arith.constant 0 : i32
    %dma_start3A_162 = tpu.memref_slice %arg9[%dma_start3A_158, %dma_start3A_159, %dma_start3A_160, %dma_start3A_161] : memref<8x2x8x129xf32, #tpu.memory_space<vmem>> -> memref<8x2x8x128xf32, #tpu.memory_space<vmem>>
    tpu.enqueue_dma source(%dma_start3A_162 : memref<8x2x8x128xf32, #tpu.memory_space<vmem>>) target(%dma_start3A_157 : memref<8x2x8x128xf32, #tpu.memory_space<hbm>>) target_semaphore(%arg13 : memref<!tpu.dma_semaphore, #tpu.memory_space<semaphore_mem>>)
    %scan3A = arith.constant 0 : i32
    %scan3A_163 = arith.constant 0 : i32
    %scan3A_164 = arith.constant 50 : i32
    %scan3A_165 = arith.addi %scan3A_163, %scan3A_164 : i32
    %scan3A_166 = arith.constant 1 : i32
    scf.for %scan3A_225 = %scan3A_163 to %scan3A_165 step %scan3A_166  : i32 {
      %mul3A_226 = arith.constant 2 : i32
      %mul3A_227 = arith.muli %mul3A_226, %scan3A_225 : i32
      %add3A_228 = arith.constant 2 : i32
      %add3A_229 = arith.addi %mul3A_227, %add3A_228 : i32
      %min3A = arith.constant 98 : i32
      %min3A_230 = arith.minsi %add3A_229, %min3A : i32
      %mul3A_231 = arith.constant 256 : i32
      %mul3A_232 = arith.muli %mul3A_227, %mul3A_231 : i32
      %multiple_of3A_233 = tpu.assume_multiple %mul3A_232, 8 : i32
      %dma_wait3A_234 = tpu.memref_slice %arg5[%multiple_of3A_233] : memref<25600xi32, #tpu.memory_space<vmem>> -> memref<256xi32, #tpu.memory_space<vmem>>
      %dma_wait3A_235 = arith.constant 0 : i32
      %dma_wait3A_236 = arith.constant 0 : i32
      %dma_wait3A_237 = tpu.memref_slice %arg2[%dma_wait3A_235, %dma_wait3A_236] : memref<1000000x64xf32, #tpu.memory_space<hbm>> -> memref<1000000x64xf32, #tpu.memory_space<hbm>>
      tpu.wait_indirect_dma semaphore(%arg10 : memref<!tpu.dma_semaphore, #tpu.memory_space<semaphore_mem>>) src(%dma_wait3A_237 : memref<1000000x64xf32, #tpu.memory_space<hbm>>) dst(%arg6 : memref<256x64xf32, #tpu.memory_space<vmem>>)
      %dma_wait3A_238 = arith.constant 0 : i32
      %dma_wait3A_239 = arith.constant 0 : i32
      %dma_wait3A_240 = arith.constant 0 : i32
      %dma_wait3A_241 = arith.constant 0 : i32
      %dma_wait3A_242 = arith.constant 0 : i32
      %dma_wait3A_243 = tpu.memref_slice %arg8[%dma_wait3A_239, %dma_wait3A_240, %dma_wait3A_241, %dma_wait3A_242] : memref<8x2x8x129xf32, #tpu.memory_space<vmem>> -> memref<8x2x8x128xf32, #tpu.memory_space<vmem>>
      %dma_wait3A_244 = arith.constant 0 : i32
      %dma_wait3A_245 = arith.constant 0 : i32
      %dma_wait3A_246 = arith.constant 0 : i32
      %dma_wait3A_247 = arith.constant 0 : i32
      %dma_wait3A_248 = tpu.memref_slice %arg4[%dma_wait3A_238, %dma_wait3A_244, %dma_wait3A_245, %dma_wait3A_246, %dma_wait3A_247] : memref<200x8x32x8x128xf32, #tpu.memory_space<hbm>> -> memref<1x8x2x8x128xf32, #tpu.memory_space<hbm>>
      %dma_wait3A_249 = tpu.memref_squeeze %dma_wait3A_248 : memref<1x8x2x8x128xf32, #tpu.memory_space<hbm>> -> memref<8x2x8x128xf32, #tpu.memory_space<hbm>>
      %dma_wait3A_250 = arith.constant 0 : i32
      %dma_wait3A_251 = arith.constant 0 : i32
      %dma_wait3A_252 = arith.constant 0 : i32
      %dma_wait3A_253 = arith.constant 0 : i32
      %dma_wait3A_254 = tpu.memref_slice %arg4[%dma_wait3A_238, %dma_wait3A_250, %dma_wait3A_251, %dma_wait3A_252, %dma_wait3A_253] : memref<200x8x32x8x128xf32, #tpu.memory_space<hbm>> -> memref<1x8x2x8x128xf32, #tpu.memory_space<hbm>>
      %dma_wait3A_255 = tpu.memref_squeeze %dma_wait3A_254 : memref<1x8x2x8x128xf32, #tpu.memory_space<hbm>> -> memref<8x2x8x128xf32, #tpu.memory_space<hbm>>
      %dma_wait3A_256 = arith.constant 0 : i32
      %dma_wait3A_257 = arith.constant 0 : i32
      %dma_wait3A_258 = arith.constant 0 : i32
      %dma_wait3A_259 = arith.constant 0 : i32
      %dma_wait3A_260 = tpu.memref_slice %arg8[%dma_wait3A_256, %dma_wait3A_257, %dma_wait3A_258, %dma_wait3A_259] : memref<8x2x8x129xf32, #tpu.memory_space<vmem>> -> memref<8x2x8x128xf32, #tpu.memory_space<vmem>>
      tpu.wait_dma2 semaphore(%arg12 : memref<!tpu.dma_semaphore, #tpu.memory_space<semaphore_mem>>) src(%dma_wait3A_260 : memref<8x2x8x128xf32, #tpu.memory_space<vmem>>) dst(%dma_wait3A_255 : memref<8x2x8x128xf32, #tpu.memory_space<hbm>>)
      %broadcast_in_dim3A_261 = arith.constant 0 : i32
      %broadcast_in_dim3A_262 = vector.broadcast %broadcast_in_dim3A_261 : i32 to vector<16xi32>
      %scan3A_263 = arith.constant 0 : i32
      %scan3A_264 = arith.constant 32 : i32
      %scan3A_265 = arith.addi %scan3A_263, %scan3A_264 : i32
      %scan3A_266 = arith.constant 1 : i32
      %scan3A_267 = scf.for %scan3A_469 = %scan3A_263 to %scan3A_265 step %scan3A_266 iter_args(%scan3A_470 = %broadcast_in_dim3A_262) -> (vector<16xi32>)  : i32 {
        %mul3A_471 = arith.constant 4 : i32
        %mul3A_472 = arith.muli %scan3A_469, %mul3A_471 : i32
        %add3A_473 = arith.constant 0 : i32
        %add3A_474 = arith.addi %add3A_473, %mul3A_472 : i32
        %add3A_475 = arith.constant 0 : i32
        %add3A_476 = arith.addi %add3A_474, %add3A_475 : i32
        %add3A_477 = arith.constant 0 : i32
        %add3A_478 = vector.broadcast %add3A_477 : i32 to vector<16xi32>
        %add3A_479 = arith.addi %scan3A_470, %add3A_478 : vector<16xi32>
        %get3A = arith.index_cast %add3A_476 : i32 to index
        %get3A_480 = arith.constant 0 : index
        %get3A_481 = tpu.vector_load %arg6[%get3A, %get3A_480] {strides = array<i32>} : memref<256x64xf32, #tpu.memory_space<vmem>>, vector<16xf32>,
        %mul3A_482 = arith.constant 8.000000e+00 : f32
        %mul3A_483 = vector.broadcast %mul3A_482 : f32 to vector<16xf32>
        %mul3A_484 = arith.mulf %get3A_481, %mul3A_483 : vector<16xf32>
        tpu.vector_store_idx %arg8[%add3A_9, %broadcast_in_dim3A_30, %and3A_29, %add3A_479], %mul3A_484 : memref<8x2x8x129xf32, #tpu.memory_space<vmem>>[vector<16xi32>, vector<16xi32>, vector<16xi32>, vector<16xi32>], vector<16xf32>,
        %get3A_485 = arith.index_cast %add3A_476 : i32 to index
        %get3A_486 = arith.constant 16 : index
        %get3A_487 = tpu.vector_load %arg6[%get3A_485, %get3A_486] {strides = array<i32>} : memref<256x64xf32, #tpu.memory_space<vmem>>, vector<16xf32>,
        %mul3A_488 = arith.constant 8.000000e+00 : f32
        %mul3A_489 = vector.broadcast %mul3A_488 : f32 to vector<16xf32>
        %mul3A_490 = arith.mulf %get3A_487, %mul3A_489 : vector<16xf32>
        tpu.vector_store_idx %arg8[%add3A_15, %broadcast_in_dim3A_30, %and3A_29, %add3A_479], %mul3A_490 : memref<8x2x8x129xf32, #tpu.memory_space<vmem>>[vector<16xi32>, vector<16xi32>, vector<16xi32>, vector<16xi32>], vector<16xf32>,
        %get3A_491 = arith.index_cast %add3A_476 : i32 to index
        %get3A_492 = arith.constant 32 : index
        %get3A_493 = tpu.vector_load %arg6[%get3A_491, %get3A_492] {strides = array<i32>} : memref<256x64xf32, #tpu.memory_space<vmem>>, vector<16xf32>,
        %mul3A_494 = arith.constant 8.000000e+00 : f32
        %mul3A_495 = vector.broadcast %mul3A_494 : f32 to vector<16xf32>
        %mul3A_496 = arith.mulf %get3A_493, %mul3A_495 : vector<16xf32>
        tpu.vector_store_idx %arg8[%add3A_21, %broadcast_in_dim3A_30, %and3A_29, %add3A_479], %mul3A_496 : memref<8x2x8x129xf32, #tpu.memory_space<vmem>>[vector<16xi32>, vector<16xi32>, vector<16xi32>, vector<16xi32>], vector<16xf32>,
        %get3A_497 = arith.index_cast %add3A_476 : i32 to index
        %get3A_498 = arith.constant 48 : index
        %get3A_499 = tpu.vector_load %arg6[%get3A_497, %get3A_498] {strides = array<i32>} : memref<256x64xf32, #tpu.memory_space<vmem>>, vector<16xf32>,
        %mul3A_500 = arith.constant 8.000000e+00 : f32
        %mul3A_501 = vector.broadcast %mul3A_500 : f32 to vector<16xf32>
        %mul3A_502 = arith.mulf %get3A_499, %mul3A_501 : vector<16xf32>
        tpu.vector_store_idx %arg8[%add3A_27, %broadcast_in_dim3A_30, %and3A_29, %add3A_479], %mul3A_502 : memref<8x2x8x129xf32, #tpu.memory_space<vmem>>[vector<16xi32>, vector<16xi32>, vector<16xi32>, vector<16xi32>], vector<16xf32>,
        %mul3A_503 = arith.constant 4 : i32
        %mul3A_504 = arith.muli %scan3A_469, %mul3A_503 : i32
        %add3A_505 = arith.constant 0 : i32
        %add3A_506 = arith.addi %add3A_505, %mul3A_504 : i32
        %add3A_507 = arith.constant 1 : i32
        %add3A_508 = arith.addi %add3A_506, %add3A_507 : i32
        %add3A_509 = arith.constant 1 : i32
        %add3A_510 = vector.broadcast %add3A_509 : i32 to vector<16xi32>
        %add3A_511 = arith.addi %scan3A_470, %add3A_510 : vector<16xi32>
        %get3A_512 = arith.index_cast %add3A_508 : i32 to index
        %get3A_513 = arith.constant 0 : index
        %get3A_514 = tpu.vector_load %arg6[%get3A_512, %get3A_513] {strides = array<i32>} : memref<256x64xf32, #tpu.memory_space<vmem>>, vector<16xf32>,
        %mul3A_515 = arith.constant 8.000000e+00 : f32
        %mul3A_516 = vector.broadcast %mul3A_515 : f32 to vector<16xf32>
        %mul3A_517 = arith.mulf %get3A_514, %mul3A_516 : vector<16xf32>
        tpu.vector_store_idx %arg8[%add3A_9, %broadcast_in_dim3A_30, %and3A_29, %add3A_511], %mul3A_517 : memref<8x2x8x129xf32, #tpu.memory_space<vmem>>[vector<16xi32>, vector<16xi32>, vector<16xi32>, vector<16xi32>], vector<16xf32>,
        %get3A_518 = arith.index_cast %add3A_508 : i32 to index
        %get3A_519 = arith.constant 16 : index
        %get3A_520 = tpu.vector_load %arg6[%get3A_518, %get3A_519] {strides = array<i32>} : memref<256x64xf32, #tpu.memory_space<vmem>>, vector<16xf32>,
        %mul3A_521 = arith.constant 8.000000e+00 : f32
        %mul3A_522 = vector.broadcast %mul3A_521 : f32 to vector<16xf32>
        %mul3A_523 = arith.mulf %get3A_520, %mul3A_522 : vector<16xf32>
        tpu.vector_store_idx %arg8[%add3A_15, %broadcast_in_dim3A_30, %and3A_29, %add3A_511], %mul3A_523 : memref<8x2x8x129xf32, #tpu.memory_space<vmem>>[vector<16xi32>, vector<16xi32>, vector<16xi32>, vector<16xi32>], vector<16xf32>,
        %get3A_524 = arith.index_cast %add3A_508 : i32 to index
        %get3A_525 = arith.constant 32 : index
        %get3A_526 = tpu.vector_load %arg6[%get3A_524, %get3A_525] {strides = array<i32>} : memref<256x64xf32, #tpu.memory_space<vmem>>, vector<16xf32>,
        %mul3A_527 = arith.constant 8.000000e+00 : f32
        %mul3A_528 = vector.broadcast %mul3A_527 : f32 to vector<16xf32>
        %mul3A_529 = arith.mulf %get3A_526, %mul3A_528 : vector<16xf32>
        tpu.vector_store_idx %arg8[%add3A_21, %broadcast_in_dim3A_30, %and3A_29, %add3A_511], %mul3A_529 : memref<8x2x8x129xf32, #tpu.memory_space<vmem>>[vector<16xi32>, vector<16xi32>, vector<16xi32>, vector<16xi32>], vector<16xf32>,
        %get3A_530 = arith.index_cast %add3A_508 : i32 to index
        %get3A_531 = arith.constant 48 : index
        %get3A_532 = tpu.vector_load %arg6[%get3A_530, %get3A_531] {strides = array<i32>} : memref<256x64xf32, #tpu.memory_space<vmem>>, vector<16xf32>,
        %mul3A_533 = arith.constant 8.000000e+00 : f32
        %mul3A_534 = vector.broadcast %mul3A_533 : f32 to vector<16xf32>
        %mul3A_535 = arith.mulf %get3A_532, %mul3A_534 : vector<16xf32>
        tpu.vector_store_idx %arg8[%add3A_27, %broadcast_in_dim3A_30, %and3A_29, %add3A_511], %mul3A_535 : memref<8x2x8x129xf32, #tpu.memory_space<vmem>>[vector<16xi32>, vector<16xi32>, vector<16xi32>, vector<16xi32>], vector<16xf32>,
        %mul3A_536 = arith.constant 4 : i32
        %mul3A_537 = arith.muli %scan3A_469, %mul3A_536 : i32
        %add3A_538 = arith.constant 0 : i32
        %add3A_539 = arith.addi %add3A_538, %mul3A_537 : i32
        %add3A_540 = arith.constant 2 : i32
        %add3A_541 = arith.addi %add3A_539, %add3A_540 : i32
        %add3A_542 = arith.constant 2 : i32
        %add3A_543 = vector.broadcast %add3A_542 : i32 to vector<16xi32>
        %add3A_544 = arith.addi %scan3A_470, %add3A_543 : vector<16xi32>
        %get3A_545 = arith.index_cast %add3A_541 : i32 to index
        %get3A_546 = arith.constant 0 : index
        %get3A_547 = tpu.vector_load %arg6[%get3A_545, %get3A_546] {strides = array<i32>} : memref<256x64xf32, #tpu.memory_space<vmem>>, vector<16xf32>,
        %mul3A_548 = arith.constant 8.000000e+00 : f32
        %mul3A_549 = vector.broadcast %mul3A_548 : f32 to vector<16xf32>
        %mul3A_550 = arith.mulf %get3A_547, %mul3A_549 : vector<16xf32>
        tpu.vector_store_idx %arg8[%add3A_9, %broadcast_in_dim3A_30, %and3A_29, %add3A_544], %mul3A_550 : memref<8x2x8x129xf32, #tpu.memory_space<vmem>>[vector<16xi32>, vector<16xi32>, vector<16xi32>, vector<16xi32>], vector<16xf32>,
        %get3A_551 = arith.index_cast %add3A_541 : i32 to index
        %get3A_552 = arith.constant 16 : index
        %get3A_553 = tpu.vector_load %arg6[%get3A_551, %get3A_552] {strides = array<i32>} : memref<256x64xf32, #tpu.memory_space<vmem>>, vector<16xf32>,
        %mul3A_554 = arith.constant 8.000000e+00 : f32
        %mul3A_555 = vector.broadcast %mul3A_554 : f32 to vector<16xf32>
        %mul3A_556 = arith.mulf %get3A_553, %mul3A_555 : vector<16xf32>
        tpu.vector_store_idx %arg8[%add3A_15, %broadcast_in_dim3A_30, %and3A_29, %add3A_544], %mul3A_556 : memref<8x2x8x129xf32, #tpu.memory_space<vmem>>[vector<16xi32>, vector<16xi32>, vector<16xi32>, vector<16xi32>], vector<16xf32>,
        %get3A_557 = arith.index_cast %add3A_541 : i32 to index
        %get3A_558 = arith.constant 32 : index
        %get3A_559 = tpu.vector_load %arg6[%get3A_557, %get3A_558] {strides = array<i32>} : memref<256x64xf32, #tpu.memory_space<vmem>>, vector<16xf32>,
        %mul3A_560 = arith.constant 8.000000e+00 : f32
        %mul3A_561 = vector.broadcast %mul3A_560 : f32 to vector<16xf32>
        %mul3A_562 = arith.mulf %get3A_559, %mul3A_561 : vector<16xf32>
        tpu.vector_store_idx %arg8[%add3A_21, %broadcast_in_dim3A_30, %and3A_29, %add3A_544], %mul3A_562 : memref<8x2x8x129xf32, #tpu.memory_space<vmem>>[vector<16xi32>, vector<16xi32>, vector<16xi32>, vector<16xi32>], vector<16xf32>,
        %get3A_563 = arith.index_cast %add3A_541 : i32 to index
        %get3A_564 = arith.constant 48 : index
        %get3A_565 = tpu.vector_load %arg6[%get3A_563, %get3A_564] {strides = array<i32>} : memref<256x64xf32, #tpu.memory_space<vmem>>, vector<16xf32>,
        %mul3A_566 = arith.constant 8.000000e+00 : f32
        %mul3A_567 = vector.broadcast %mul3A_566 : f32 to vector<16xf32>
        %mul3A_568 = arith.mulf %get3A_565, %mul3A_567 : vector<16xf32>
        tpu.vector_store_idx %arg8[%add3A_27, %broadcast_in_dim3A_30, %and3A_29, %add3A_544], %mul3A_568 : memref<8x2x8x129xf32, #tpu.memory_space<vmem>>[vector<16xi32>, vector<16xi32>, vector<16xi32>, vector<16xi32>], vector<16xf32>,
        %mul3A_569 = arith.constant 4 : i32
        %mul3A_570 = arith.muli %scan3A_469, %mul3A_569 : i32
        %add3A_571 = arith.constant 0 : i32
        %add3A_572 = arith.addi %add3A_571, %mul3A_570 : i32
        %add3A_573 = arith.constant 3 : i32
        %add3A_574 = arith.addi %add3A_572, %add3A_573 : i32
        %add3A_575 = arith.constant 3 : i32
        %add3A_576 = vector.broadcast %add3A_575 : i32 to vector<16xi32>
        %add3A_577 = arith.addi %scan3A_470, %add3A_576 : vector<16xi32>
        %get3A_578 = arith.index_cast %add3A_574 : i32 to index
        %get3A_579 = arith.constant 0 : index
        %get3A_580 = tpu.vector_load %arg6[%get3A_578, %get3A_579] {strides = array<i32>} : memref<256x64xf32, #tpu.memory_space<vmem>>, vector<16xf32>,
        %mul3A_581 = arith.constant 8.000000e+00 : f32
        %mul3A_582 = vector.broadcast %mul3A_581 : f32 to vector<16xf32>
        %mul3A_583 = arith.mulf %get3A_580, %mul3A_582 : vector<16xf32>
        tpu.vector_store_idx %arg8[%add3A_9, %broadcast_in_dim3A_30, %and3A_29, %add3A_577], %mul3A_583 : memref<8x2x8x129xf32, #tpu.memory_space<vmem>>[vector<16xi32>, vector<16xi32>, vector<16xi32>, vector<16xi32>], vector<16xf32>,
        %get3A_584 = arith.index_cast %add3A_574 : i32 to index
        %get3A_585 = arith.constant 16 : index
        %get3A_586 = tpu.vector_load %arg6[%get3A_584, %get3A_585] {strides = array<i32>} : memref<256x64xf32, #tpu.memory_space<vmem>>, vector<16xf32>,
        %mul3A_587 = arith.constant 8.000000e+00 : f32
        %mul3A_588 = vector.broadcast %mul3A_587 : f32 to vector<16xf32>
        %mul3A_589 = arith.mulf %get3A_586, %mul3A_588 : vector<16xf32>
        tpu.vector_store_idx %arg8[%add3A_15, %broadcast_in_dim3A_30, %and3A_29, %add3A_577], %mul3A_589 : memref<8x2x8x129xf32, #tpu.memory_space<vmem>>[vector<16xi32>, vector<16xi32>, vector<16xi32>, vector<16xi32>], vector<16xf32>,
        %get3A_590 = arith.index_cast %add3A_574 : i32 to index
        %get3A_591 = arith.constant 32 : index
        %get3A_592 = tpu.vector_load %arg6[%get3A_590, %get3A_591] {strides = array<i32>} : memref<256x64xf32, #tpu.memory_space<vmem>>, vector<16xf32>,
        %mul3A_593 = arith.constant 8.000000e+00 : f32
        %mul3A_594 = vector.broadcast %mul3A_593 : f32 to vector<16xf32>
        %mul3A_595 = arith.mulf %get3A_592, %mul3A_594 : vector<16xf32>
        tpu.vector_store_idx %arg8[%add3A_21, %broadcast_in_dim3A_30, %and3A_29, %add3A_577], %mul3A_595 : memref<8x2x8x129xf32, #tpu.memory_space<vmem>>[vector<16xi32>, vector<16xi32>, vector<16xi32>, vector<16xi32>], vector<16xf32>,
        %get3A_596 = arith.index_cast %add3A_574 : i32 to index
        %get3A_597 = arith.constant 48 : index
        %get3A_598 = tpu.vector_load %arg6[%get3A_596, %get3A_597] {strides = array<i32>} : memref<256x64xf32, #tpu.memory_space<vmem>>, vector<16xf32>,
        %mul3A_599 = arith.constant 8.000000e+00 : f32
        %mul3A_600 = vector.broadcast %mul3A_599 : f32 to vector<16xf32>
        %mul3A_601 = arith.mulf %get3A_598, %mul3A_600 : vector<16xf32>
        tpu.vector_store_idx %arg8[%add3A_27, %broadcast_in_dim3A_30, %and3A_29, %add3A_577], %mul3A_601 : memref<8x2x8x129xf32, #tpu.memory_space<vmem>>[vector<16xi32>, vector<16xi32>, vector<16xi32>, vector<16xi32>], vector<16xf32>,
        %add3A_602 = arith.constant 4 : i32
        %add3A_603 = vector.broadcast %add3A_602 : i32 to vector<16xi32>
        %add3A_604 = arith.addi %scan3A_470, %add3A_603 : vector<16xi32>
        scf.yield %add3A_604 : vector<16xi32>
      }
      %scan3A_268 = arith.constant 32 : i32
      %broadcast_in_dim3A_269 = arith.constant 0 : i32
      %broadcast_in_dim3A_270 = vector.broadcast %broadcast_in_dim3A_269 : i32 to vector<16xi32>
      %scan3A_271 = arith.constant 0 : i32
      %scan3A_272 = arith.constant 32 : i32
      %scan3A_273 = arith.addi %scan3A_271, %scan3A_272 : i32
      %scan3A_274 = arith.constant 1 : i32
      %scan3A_275 = scf.for %scan3A_469 = %scan3A_271 to %scan3A_273 step %scan3A_274 iter_args(%scan3A_470 = %broadcast_in_dim3A_270) -> (vector<16xi32>)  : i32 {
        %mul3A_471 = arith.constant 4 : i32
        %mul3A_472 = arith.muli %scan3A_469, %mul3A_471 : i32
        %add3A_473 = arith.constant 128 : i32
        %add3A_474 = arith.addi %add3A_473, %mul3A_472 : i32
        %add3A_475 = arith.constant 0 : i32
        %add3A_476 = arith.addi %add3A_474, %add3A_475 : i32
        %add3A_477 = arith.constant 0 : i32
        %add3A_478 = vector.broadcast %add3A_477 : i32 to vector<16xi32>
        %add3A_479 = arith.addi %scan3A_470, %add3A_478 : vector<16xi32>
        %get3A = arith.index_cast %add3A_476 : i32 to index
        %get3A_480 = arith.constant 0 : index
        %get3A_481 = tpu.vector_load %arg6[%get3A, %get3A_480] {strides = array<i32>} : memref<256x64xf32, #tpu.memory_space<vmem>>, vector<16xf32>,
        %mul3A_482 = arith.constant 8.000000e+00 : f32
        %mul3A_483 = vector.broadcast %mul3A_482 : f32 to vector<16xf32>
        %mul3A_484 = arith.mulf %get3A_481, %mul3A_483 : vector<16xf32>
        tpu.vector_store_idx %arg8[%add3A_9, %broadcast_in_dim3A_32, %and3A_29, %add3A_479], %mul3A_484 : memref<8x2x8x129xf32, #tpu.memory_space<vmem>>[vector<16xi32>, vector<16xi32>, vector<16xi32>, vector<16xi32>], vector<16xf32>,
        %get3A_485 = arith.index_cast %add3A_476 : i32 to index
        %get3A_486 = arith.constant 16 : index
        %get3A_487 = tpu.vector_load %arg6[%get3A_485, %get3A_486] {strides = array<i32>} : memref<256x64xf32, #tpu.memory_space<vmem>>, vector<16xf32>,
        %mul3A_488 = arith.constant 8.000000e+00 : f32
        %mul3A_489 = vector.broadcast %mul3A_488 : f32 to vector<16xf32>
        %mul3A_490 = arith.mulf %get3A_487, %mul3A_489 : vector<16xf32>
        tpu.vector_store_idx %arg8[%add3A_15, %broadcast_in_dim3A_32, %and3A_29, %add3A_479], %mul3A_490 : memref<8x2x8x129xf32, #tpu.memory_space<vmem>>[vector<16xi32>, vector<16xi32>, vector<16xi32>, vector<16xi32>], vector<16xf32>,
        %get3A_491 = arith.index_cast %add3A_476 : i32 to index
        %get3A_492 = arith.constant 32 : index
        %get3A_493 = tpu.vector_load %arg6[%get3A_491, %get3A_492] {strides = array<i32>} : memref<256x64xf32, #tpu.memory_space<vmem>>, vector<16xf32>,
        %mul3A_494 = arith.constant 8.000000e+00 : f32
        %mul3A_495 = vector.broadcast %mul3A_494 : f32 to vector<16xf32>
        %mul3A_496 = arith.mulf %get3A_493, %mul3A_495 : vector<16xf32>
        tpu.vector_store_idx %arg8[%add3A_21, %broadcast_in_dim3A_32, %and3A_29, %add3A_479], %mul3A_496 : memref<8x2x8x129xf32, #tpu.memory_space<vmem>>[vector<16xi32>, vector<16xi32>, vector<16xi32>, vector<16xi32>], vector<16xf32>,
        %get3A_497 = arith.index_cast %add3A_476 : i32 to index
        %get3A_498 = arith.constant 48 : index
        %get3A_499 = tpu.vector_load %arg6[%get3A_497, %get3A_498] {strides = array<i32>} : memref<256x64xf32, #tpu.memory_space<vmem>>, vector<16xf32>,
        %mul3A_500 = arith.constant 8.000000e+00 : f32
        %mul3A_501 = vector.broadcast %mul3A_500 : f32 to vector<16xf32>
        %mul3A_502 = arith.mulf %get3A_499, %mul3A_501 : vector<16xf32>
        tpu.vector_store_idx %arg8[%add3A_27, %broadcast_in_dim3A_32, %and3A_29, %add3A_479], %mul3A_502 : memref<8x2x8x129xf32, #tpu.memory_space<vmem>>[vector<16xi32>, vector<16xi32>, vector<16xi32>, vector<16xi32>], vector<16xf32>,
        %mul3A_503 = arith.constant 4 : i32
        %mul3A_504 = arith.muli %scan3A_469, %mul3A_503 : i32
        %add3A_505 = arith.constant 128 : i32
        %add3A_506 = arith.addi %add3A_505, %mul3A_504 : i32
        %add3A_507 = arith.constant 1 : i32
        %add3A_508 = arith.addi %add3A_506, %add3A_507 : i32
        %add3A_509 = arith.constant 1 : i32
        %add3A_510 = vector.broadcast %add3A_509 : i32 to vector<16xi32>
        %add3A_511 = arith.addi %scan3A_470, %add3A_510 : vector<16xi32>
        %get3A_512 = arith.index_cast %add3A_508 : i32 to index
        %get3A_513 = arith.constant 0 : index
        %get3A_514 = tpu.vector_load %arg6[%get3A_512, %get3A_513] {strides = array<i32>} : memref<256x64xf32, #tpu.memory_space<vmem>>, vector<16xf32>,
        %mul3A_515 = arith.constant 8.000000e+00 : f32
        %mul3A_516 = vector.broadcast %mul3A_515 : f32 to vector<16xf32>
        %mul3A_517 = arith.mulf %get3A_514, %mul3A_516 : vector<16xf32>
        tpu.vector_store_idx %arg8[%add3A_9, %broadcast_in_dim3A_32, %and3A_29, %add3A_511], %mul3A_517 : memref<8x2x8x129xf32, #tpu.memory_space<vmem>>[vector<16xi32>, vector<16xi32>, vector<16xi32>, vector<16xi32>], vector<16xf32>,
        %get3A_518 = arith.index_cast %add3A_508 : i32 to index
        %get3A_519 = arith.constant 16 : index
        %get3A_520 = tpu.vector_load %arg6[%get3A_518, %get3A_519] {strides = array<i32>} : memref<256x64xf32, #tpu.memory_space<vmem>>, vector<16xf32>,
        %mul3A_521 = arith.constant 8.000000e+00 : f32
        %mul3A_522 = vector.broadcast %mul3A_521 : f32 to vector<16xf32>
        %mul3A_523 = arith.mulf %get3A_520, %mul3A_522 : vector<16xf32>
        tpu.vector_store_idx %arg8[%add3A_15, %broadcast_in_dim3A_32, %and3A_29, %add3A_511], %mul3A_523 : memref<8x2x8x129xf32, #tpu.memory_space<vmem>>[vector<16xi32>, vector<16xi32>, vector<16xi32>, vector<16xi32>], vector<16xf32>,
        %get3A_524 = arith.index_cast %add3A_508 : i32 to index
        %get3A_525 = arith.constant 32 : index
        %get3A_526 = tpu.vector_load %arg6[%get3A_524, %get3A_525] {strides = array<i32>} : memref<256x64xf32, #tpu.memory_space<vmem>>, vector<16xf32>,
        %mul3A_527 = arith.constant 8.000000e+00 : f32
        %mul3A_528 = vector.broadcast %mul3A_527 : f32 to vector<16xf32>
        %mul3A_529 = arith.mulf %get3A_526, %mul3A_528 : vector<16xf32>
        tpu.vector_store_idx %arg8[%add3A_21, %broadcast_in_dim3A_32, %and3A_29, %add3A_511], %mul3A_529 : memref<8x2x8x129xf32, #tpu.memory_space<vmem>>[vector<16xi32>, vector<16xi32>, vector<16xi32>, vector<16xi32>], vector<16xf32>,
        %get3A_530 = arith.index_cast %add3A_508 : i32 to index
        %get3A_531 = arith.constant 48 : index
        %get3A_532 = tpu.vector_load %arg6[%get3A_530, %get3A_531] {strides = array<i32>} : memref<256x64xf32, #tpu.memory_space<vmem>>, vector<16xf32>,
        %mul3A_533 = arith.constant 8.000000e+00 : f32
        %mul3A_534 = vector.broadcast %mul3A_533 : f32 to vector<16xf32>
        %mul3A_535 = arith.mulf %get3A_532, %mul3A_534 : vector<16xf32>
        tpu.vector_store_idx %arg8[%add3A_27, %broadcast_in_dim3A_32, %and3A_29, %add3A_511], %mul3A_535 : memref<8x2x8x129xf32, #tpu.memory_space<vmem>>[vector<16xi32>, vector<16xi32>, vector<16xi32>, vector<16xi32>], vector<16xf32>,
        %mul3A_536 = arith.constant 4 : i32
        %mul3A_537 = arith.muli %scan3A_469, %mul3A_536 : i32
        %add3A_538 = arith.constant 128 : i32
        %add3A_539 = arith.addi %add3A_538, %mul3A_537 : i32
        %add3A_540 = arith.constant 2 : i32
        %add3A_541 = arith.addi %add3A_539, %add3A_540 : i32
        %add3A_542 = arith.constant 2 : i32
        %add3A_543 = vector.broadcast %add3A_542 : i32 to vector<16xi32>
        %add3A_544 = arith.addi %scan3A_470, %add3A_543 : vector<16xi32>
        %get3A_545 = arith.index_cast %add3A_541 : i32 to index
        %get3A_546 = arith.constant 0 : index
        %get3A_547 = tpu.vector_load %arg6[%get3A_545, %get3A_546] {strides = array<i32>} : memref<256x64xf32, #tpu.memory_space<vmem>>, vector<16xf32>,
        %mul3A_548 = arith.constant 8.000000e+00 : f32
        %mul3A_549 = vector.broadcast %mul3A_548 : f32 to vector<16xf32>
        %mul3A_550 = arith.mulf %get3A_547, %mul3A_549 : vector<16xf32>
        tpu.vector_store_idx %arg8[%add3A_9, %broadcast_in_dim3A_32, %and3A_29, %add3A_544], %mul3A_550 : memref<8x2x8x129xf32, #tpu.memory_space<vmem>>[vector<16xi32>, vector<16xi32>, vector<16xi32>, vector<16xi32>], vector<16xf32>,
        %get3A_551 = arith.index_cast %add3A_541 : i32 to index
        %get3A_552 = arith.constant 16 : index
        %get3A_553 = tpu.vector_load %arg6[%get3A_551, %get3A_552] {strides = array<i32>} : memref<256x64xf32, #tpu.memory_space<vmem>>, vector<16xf32>,
        %mul3A_554 = arith.constant 8.000000e+00 : f32
        %mul3A_555 = vector.broadcast %mul3A_554 : f32 to vector<16xf32>
        %mul3A_556 = arith.mulf %get3A_553, %mul3A_555 : vector<16xf32>
        tpu.vector_store_idx %arg8[%add3A_15, %broadcast_in_dim3A_32, %and3A_29, %add3A_544], %mul3A_556 : memref<8x2x8x129xf32, #tpu.memory_space<vmem>>[vector<16xi32>, vector<16xi32>, vector<16xi32>, vector<16xi32>], vector<16xf32>,
        %get3A_557 = arith.index_cast %add3A_541 : i32 to index
        %get3A_558 = arith.constant 32 : index
        %get3A_559 = tpu.vector_load %arg6[%get3A_557, %get3A_558] {strides = array<i32>} : memref<256x64xf32, #tpu.memory_space<vmem>>, vector<16xf32>,
        %mul3A_560 = arith.constant 8.000000e+00 : f32
        %mul3A_561 = vector.broadcast %mul3A_560 : f32 to vector<16xf32>
        %mul3A_562 = arith.mulf %get3A_559, %mul3A_561 : vector<16xf32>
        tpu.vector_store_idx %arg8[%add3A_21, %broadcast_in_dim3A_32, %and3A_29, %add3A_544], %mul3A_562 : memref<8x2x8x129xf32, #tpu.memory_space<vmem>>[vector<16xi32>, vector<16xi32>, vector<16xi32>, vector<16xi32>], vector<16xf32>,
        %get3A_563 = arith.index_cast %add3A_541 : i32 to index
        %get3A_564 = arith.constant 48 : index
        %get3A_565 = tpu.vector_load %arg6[%get3A_563, %get3A_564] {strides = array<i32>} : memref<256x64xf32, #tpu.memory_space<vmem>>, vector<16xf32>,
        %mul3A_566 = arith.constant 8.000000e+00 : f32
        %mul3A_567 = vector.broadcast %mul3A_566 : f32 to vector<16xf32>
        %mul3A_568 = arith.mulf %get3A_565, %mul3A_567 : vector<16xf32>
        tpu.vector_store_idx %arg8[%add3A_27, %broadcast_in_dim3A_32, %and3A_29, %add3A_544], %mul3A_568 : memref<8x2x8x129xf32, #tpu.memory_space<vmem>>[vector<16xi32>, vector<16xi32>, vector<16xi32>, vector<16xi32>], vector<16xf32>,
        %mul3A_569 = arith.constant 4 : i32
        %mul3A_570 = arith.muli %scan3A_469, %mul3A_569 : i32
        %add3A_571 = arith.constant 128 : i32
        %add3A_572 = arith.addi %add3A_571, %mul3A_570 : i32
        %add3A_573 = arith.constant 3 : i32
        %add3A_574 = arith.addi %add3A_572, %add3A_573 : i32
        %add3A_575 = arith.constant 3 : i32
        %add3A_576 = vector.broadcast %add3A_575 : i32 to vector<16xi32>
        %add3A_577 = arith.addi %scan3A_470, %add3A_576 : vector<16xi32>
        %get3A_578 = arith.index_cast %add3A_574 : i32 to index
        %get3A_579 = arith.constant 0 : index
        %get3A_580 = tpu.vector_load %arg6[%get3A_578, %get3A_579] {strides = array<i32>} : memref<256x64xf32, #tpu.memory_space<vmem>>, vector<16xf32>,
        %mul3A_581 = arith.constant 8.000000e+00 : f32
        %mul3A_582 = vector.broadcast %mul3A_581 : f32 to vector<16xf32>
        %mul3A_583 = arith.mulf %get3A_580, %mul3A_582 : vector<16xf32>
        tpu.vector_store_idx %arg8[%add3A_9, %broadcast_in_dim3A_32, %and3A_29, %add3A_577], %mul3A_583 : memref<8x2x8x129xf32, #tpu.memory_space<vmem>>[vector<16xi32>, vector<16xi32>, vector<16xi32>, vector<16xi32>], vector<16xf32>,
        %get3A_584 = arith.index_cast %add3A_574 : i32 to index
        %get3A_585 = arith.constant 16 : index
        %get3A_586 = tpu.vector_load %arg6[%get3A_584, %get3A_585] {strides = array<i32>} : memref<256x64xf32, #tpu.memory_space<vmem>>, vector<16xf32>,
        %mul3A_587 = arith.constant 8.000000e+00 : f32
        %mul3A_588 = vector.broadcast %mul3A_587 : f32 to vector<16xf32>
        %mul3A_589 = arith.mulf %get3A_586, %mul3A_588 : vector<16xf32>
        tpu.vector_store_idx %arg8[%add3A_15, %broadcast_in_dim3A_32, %and3A_29, %add3A_577], %mul3A_589 : memref<8x2x8x129xf32, #tpu.memory_space<vmem>>[vector<16xi32>, vector<16xi32>, vector<16xi32>, vector<16xi32>], vector<16xf32>,
        %get3A_590 = arith.index_cast %add3A_574 : i32 to index
        %get3A_591 = arith.constant 32 : index
        %get3A_592 = tpu.vector_load %arg6[%get3A_590, %get3A_591] {strides = array<i32>} : memref<256x64xf32, #tpu.memory_space<vmem>>, vector<16xf32>,
        %mul3A_593 = arith.constant 8.000000e+00 : f32
        %mul3A_594 = vector.broadcast %mul3A_593 : f32 to vector<16xf32>
        %mul3A_595 = arith.mulf %get3A_592, %mul3A_594 : vector<16xf32>
        tpu.vector_store_idx %arg8[%add3A_21, %broadcast_in_dim3A_32, %and3A_29, %add3A_577], %mul3A_595 : memref<8x2x8x129xf32, #tpu.memory_space<vmem>>[vector<16xi32>, vector<16xi32>, vector<16xi32>, vector<16xi32>], vector<16xf32>,
        %get3A_596 = arith.index_cast %add3A_574 : i32 to index
        %get3A_597 = arith.constant 48 : index
        %get3A_598 = tpu.vector_load %arg6[%get3A_596, %get3A_597] {strides = array<i32>} : memref<256x64xf32, #tpu.memory_space<vmem>>, vector<16xf32>,
        %mul3A_599 = arith.constant 8.000000e+00 : f32
        %mul3A_600 = vector.broadcast %mul3A_599 : f32 to vector<16xf32>
        %mul3A_601 = arith.mulf %get3A_598, %mul3A_600 : vector<16xf32>
        tpu.vector_store_idx %arg8[%add3A_27, %broadcast_in_dim3A_32, %and3A_29, %add3A_577], %mul3A_601 : memref<8x2x8x129xf32, #tpu.memory_space<vmem>>[vector<16xi32>, vector<16xi32>, vector<16xi32>, vector<16xi32>], vector<16xf32>,
        %add3A_602 = arith.constant 4 : i32
        %add3A_603 = vector.broadcast %add3A_602 : i32 to vector<16xi32>
        %add3A_604 = arith.addi %scan3A_470, %add3A_603 : vector<16xi32>
        scf.yield %add3A_604 : vector<16xi32>
      }
      %scan3A_276 = arith.constant 32 : i32
      %add3A_277 = arith.addi %mul3A_4, %mul3A_227 : i32
      %jit3A_278 = arith.constant 16 : i32
      %div3A_279 = arith.divsi %add3A_277, %jit3A_278 : i32
      %sign3A_280 = arith.constant 0 : i32
      %sign3A_281 = arith.cmpi sgt, %add3A_277, %sign3A_280 : i32
      %sign3A_282 = arith.extui %sign3A_281 : i1 to i32
      %sign3A_283 = arith.constant 0 : i32
      %sign3A_284 = arith.cmpi slt, %add3A_277, %sign3A_283 : i32
      %sign3A_285 = arith.extui %sign3A_284 : i1 to i32
      %sign3A_286 = arith.subi %sign3A_282, %sign3A_285 : i32
      %sign3A_287 = arith.constant 0 : i32
      %sign3A_288 = arith.cmpi sgt, %jit3A_278, %sign3A_287 : i32
      %sign3A_289 = arith.extui %sign3A_288 : i1 to i32
      %sign3A_290 = arith.constant 0 : i32
      %sign3A_291 = arith.cmpi slt, %jit3A_278, %sign3A_290 : i32
      %sign3A_292 = arith.extui %sign3A_291 : i1 to i32
      %sign3A_293 = arith.subi %sign3A_289, %sign3A_292 : i32
      %ne3A_294 = arith.cmpi ne, %sign3A_286, %sign3A_293 : i32
      %rem3A_295 = arith.remsi %add3A_277, %jit3A_278 : i32
      %ne3A_296 = arith.constant 0 : i32
      %ne3A_297 = arith.cmpi ne, %rem3A_295, %ne3A_296 : i32
      %and3A_298 = arith.andi %ne3A_294, %ne3A_297 : i1
      %sub3A_299 = arith.constant 1 : i32
      %sub3A_300 = arith.subi %div3A_279, %sub3A_299 : i32
      %select_n3A_301 = arith.select %and3A_298, %sub3A_300, %div3A_279 : i32
      %jit3A_302 = arith.constant 16 : i32
      %eq3A_303 = arith.constant 0 : i32
      %eq3A_304 = arith.cmpi eq, %jit3A_302, %eq3A_303 : i32
      %jit3A_305 = arith.constant 1 : i32
      %select_n3A_306 = arith.select %eq3A_304, %jit3A_305, %jit3A_302 : i32
      %rem3A_307 = arith.remsi %add3A_277, %select_n3A_306 : i32
      %ne3A_308 = arith.constant 0 : i32
      %ne3A_309 = arith.cmpi ne, %rem3A_307, %ne3A_308 : i32
      %lt3A_310 = arith.constant 0 : i32
      %lt3A_311 = arith.cmpi slt, %rem3A_307, %lt3A_310 : i32
      %lt3A_312 = arith.constant 0 : i32
      %lt3A_313 = arith.cmpi slt, %select_n3A_306, %lt3A_312 : i32
      %ne3A_314 = arith.xori %lt3A_311, %lt3A_313 : i1
      %and3A_315 = arith.andi %ne3A_314, %ne3A_309 : i1
      %add3A_316 = arith.addi %rem3A_307, %select_n3A_306 : i32
      %select_n3A_317 = arith.select %and3A_315, %add3A_316, %rem3A_307 : i32
      %mul3A_318 = arith.constant 2 : i32
      %mul3A_319 = arith.muli %mul3A_318, %select_n3A_317 : i32
      %dma_start3A_320 = arith.constant 0 : i32
      %dma_start3A_321 = arith.constant 0 : i32
      %dma_start3A_322 = arith.constant 0 : i32
      %dma_start3A_323 = arith.constant 0 : i32
      %dma_start3A_324 = tpu.memref_slice %arg8[%dma_start3A_320, %dma_start3A_321, %dma_start3A_322, %dma_start3A_323] : memref<8x2x8x129xf32, #tpu.memory_space<vmem>> -> memref<8x2x8x128xf32, #tpu.memory_space<vmem>>
      %dma_start3A_325 = arith.constant 0 : i32
      %dma_start3A_326 = arith.constant 0 : i32
      %dma_start3A_327 = arith.constant 0 : i32
      %dma_start3A_328 = tpu.memref_slice %arg4[%select_n3A_301, %dma_start3A_325, %mul3A_319, %dma_start3A_326, %dma_start3A_327] : memref<200x8x32x8x128xf32, #tpu.memory_space<hbm>> -> memref<1x8x2x8x128xf32, #tpu.memory_space<hbm>>
      %dma_start3A_329 = tpu.memref_squeeze %dma_start3A_328 : memref<1x8x2x8x128xf32, #tpu.memory_space<hbm>> -> memref<8x2x8x128xf32, #tpu.memory_space<hbm>>
      %dma_start3A_330 = arith.constant 0 : i32
      %dma_start3A_331 = arith.constant 0 : i32
      %dma_start3A_332 = arith.constant 0 : i32
      %dma_start3A_333 = tpu.memref_slice %arg4[%select_n3A_301, %dma_start3A_330, %mul3A_319, %dma_start3A_331, %dma_start3A_332] : memref<200x8x32x8x128xf32, #tpu.memory_space<hbm>> -> memref<1x8x2x8x128xf32, #tpu.memory_space<hbm>>
      %dma_start3A_334 = tpu.memref_squeeze %dma_start3A_333 : memref<1x8x2x8x128xf32, #tpu.memory_space<hbm>> -> memref<8x2x8x128xf32, #tpu.memory_space<hbm>>
      %dma_start3A_335 = arith.constant 0 : i32
      %dma_start3A_336 = arith.constant 0 : i32
      %dma_start3A_337 = arith.constant 0 : i32
      %dma_start3A_338 = arith.constant 0 : i32
      %dma_start3A_339 = tpu.memref_slice %arg8[%dma_start3A_335, %dma_start3A_336, %dma_start3A_337, %dma_start3A_338] : memref<8x2x8x129xf32, #tpu.memory_space<vmem>> -> memref<8x2x8x128xf32, #tpu.memory_space<vmem>>
      tpu.enqueue_dma source(%dma_start3A_339 : memref<8x2x8x128xf32, #tpu.memory_space<vmem>>) target(%dma_start3A_334 : memref<8x2x8x128xf32, #tpu.memory_space<hbm>>) target_semaphore(%arg12 : memref<!tpu.dma_semaphore, #tpu.memory_space<semaphore_mem>>)
      %mul3A_340 = arith.constant 256 : i32
      %mul3A_341 = arith.muli %min3A_230, %mul3A_340 : i32
      %multiple_of3A_342 = tpu.assume_multiple %mul3A_341, 8 : i32
      %dma_start3A_343 = tpu.memref_slice %arg5[%multiple_of3A_342] : memref<25600xi32, #tpu.memory_space<vmem>> -> memref<256xi32, #tpu.memory_space<vmem>>
      %dma_start3A_344 = arith.constant 0 : i32
      %dma_start3A_345 = arith.constant 0 : i32
      %dma_start3A_346 = tpu.memref_slice %arg2[%dma_start3A_344, %dma_start3A_345] : memref<1000000x64xf32, #tpu.memory_space<hbm>> -> memref<1000000x64xf32, #tpu.memory_space<hbm>>
      tpu.enqueue_indirect_dma source(%dma_start3A_346 : memref<1000000x64xf32, #tpu.memory_space<hbm>>) target(%arg6 : memref<256x64xf32, #tpu.memory_space<vmem>>) offsets(%dma_start3A_343 : memref<256xi32, #tpu.memory_space<vmem>>) semaphore(%arg10 : memref<!tpu.dma_semaphore, #tpu.memory_space<semaphore_mem>>)
      %add3A_347 = arith.constant 1 : i32
      %add3A_348 = arith.addi %mul3A_227, %add3A_347 : i32
      %add3A_349 = arith.constant 3 : i32
      %add3A_350 = arith.addi %mul3A_227, %add3A_349 : i32
      %min3A_351 = arith.constant 99 : i32
      %min3A_352 = arith.minsi %add3A_350, %min3A_351 : i32
      %mul3A_353 = arith.constant 256 : i32
      %mul3A_354 = arith.muli %add3A_348, %mul3A_353 : i32
      %multiple_of3A_355 = tpu.assume_multiple %mul3A_354, 8 : i32
      %dma_wait3A_356 = tpu.memref_slice %arg5[%multiple_of3A_355] : memref<25600xi32, #tpu.memory_space<vmem>> -> memref<256xi32, #tpu.memory_space<vmem>>
      %dma_wait3A_357 = arith.constant 0 : i32
      %dma_wait3A_358 = arith.constant 0 : i32
      %dma_wait3A_359 = tpu.memref_slice %arg2[%dma_wait3A_357, %dma_wait3A_358] : memref<1000000x64xf32, #tpu.memory_space<hbm>> -> memref<1000000x64xf32, #tpu.memory_space<hbm>>
      tpu.wait_indirect_dma semaphore(%arg11 : memref<!tpu.dma_semaphore, #tpu.memory_space<semaphore_mem>>) src(%dma_wait3A_359 : memref<1000000x64xf32, #tpu.memory_space<hbm>>) dst(%arg7 : memref<256x64xf32, #tpu.memory_space<vmem>>)
      %dma_wait3A_360 = arith.constant 0 : i32
      %dma_wait3A_361 = arith.constant 0 : i32
      %dma_wait3A_362 = arith.constant 0 : i32
      %dma_wait3A_363 = arith.constant 0 : i32
      %dma_wait3A_364 = arith.constant 0 : i32
      %dma_wait3A_365 = tpu.memref_slice %arg9[%dma_wait3A_361, %dma_wait3A_362, %dma_wait3A_363, %dma_wait3A_364] : memref<8x2x8x129xf32, #tpu.memory_space<vmem>> -> memref<8x2x8x128xf32, #tpu.memory_space<vmem>>
      %dma_wait3A_366 = arith.constant 0 : i32
      %dma_wait3A_367 = arith.constant 0 : i32
      %dma_wait3A_368 = arith.constant 0 : i32
      %dma_wait3A_369 = arith.constant 0 : i32
      %dma_wait3A_370 = tpu.memref_slice %arg4[%dma_wait3A_360, %dma_wait3A_366, %dma_wait3A_367, %dma_wait3A_368, %dma_wait3A_369] : memref<200x8x32x8x128xf32, #tpu.memory_space<hbm>> -> memref<1x8x2x8x128xf32, #tpu.memory_space<hbm>>
      %dma_wait3A_371 = tpu.memref_squeeze %dma_wait3A_370 : memref<1x8x2x8x128xf32, #tpu.memory_space<hbm>> -> memref<8x2x8x128xf32, #tpu.memory_space<hbm>>
      %dma_wait3A_372 = arith.constant 0 : i32
      %dma_wait3A_373 = arith.constant 0 : i32
      %dma_wait3A_374 = arith.constant 0 : i32
      %dma_wait3A_375 = arith.constant 0 : i32
      %dma_wait3A_376 = tpu.memref_slice %arg4[%dma_wait3A_360, %dma_wait3A_372, %dma_wait3A_373, %dma_wait3A_374, %dma_wait3A_375] : memref<200x8x32x8x128xf32, #tpu.memory_space<hbm>> -> memref<1x8x2x8x128xf32, #tpu.memory_space<hbm>>
      %dma_wait3A_377 = tpu.memref_squeeze %dma_wait3A_376 : memref<1x8x2x8x128xf32, #tpu.memory_space<hbm>> -> memref<8x2x8x128xf32, #tpu.memory_space<hbm>>
      %dma_wait3A_378 = arith.constant 0 : i32
      %dma_wait3A_379 = arith.constant 0 : i32
      %dma_wait3A_380 = arith.constant 0 : i32
      %dma_wait3A_381 = arith.constant 0 : i32
      %dma_wait3A_382 = tpu.memref_slice %arg9[%dma_wait3A_378, %dma_wait3A_379, %dma_wait3A_380, %dma_wait3A_381] : memref<8x2x8x129xf32, #tpu.memory_space<vmem>> -> memref<8x2x8x128xf32, #tpu.memory_space<vmem>>
      tpu.wait_dma2 semaphore(%arg13 : memref<!tpu.dma_semaphore, #tpu.memory_space<semaphore_mem>>) src(%dma_wait3A_382 : memref<8x2x8x128xf32, #tpu.memory_space<vmem>>) dst(%dma_wait3A_377 : memref<8x2x8x128xf32, #tpu.memory_space<hbm>>)
      %broadcast_in_dim3A_383 = arith.constant 0 : i32
      %broadcast_in_dim3A_384 = vector.broadcast %broadcast_in_dim3A_383 : i32 to vector<16xi32>
      %scan3A_385 = arith.constant 0 : i32
      %scan3A_386 = arith.constant 32 : i32
      %scan3A_387 = arith.addi %scan3A_385, %scan3A_386 : i32
      %scan3A_388 = arith.constant 1 : i32
      %scan3A_389 = scf.for %scan3A_469 = %scan3A_385 to %scan3A_387 step %scan3A_388 iter_args(%scan3A_470 = %broadcast_in_dim3A_384) -> (vector<16xi32>)  : i32 {
        %mul3A_471 = arith.constant 4 : i32
        %mul3A_472 = arith.muli %scan3A_469, %mul3A_471 : i32
        %add3A_473 = arith.constant 0 : i32
        %add3A_474 = arith.addi %add3A_473, %mul3A_472 : i32
        %add3A_475 = arith.constant 0 : i32
        %add3A_476 = arith.addi %add3A_474, %add3A_475 : i32
        %add3A_477 = arith.constant 0 : i32
        %add3A_478 = vector.broadcast %add3A_477 : i32 to vector<16xi32>
        %add3A_479 = arith.addi %scan3A_470, %add3A_478 : vector<16xi32>
        %get3A = arith.index_cast %add3A_476 : i32 to index
        %get3A_480 = arith.constant 0 : index
        %get3A_481 = tpu.vector_load %arg7[%get3A, %get3A_480] {strides = array<i32>} : memref<256x64xf32, #tpu.memory_space<vmem>>, vector<16xf32>,
        %mul3A_482 = arith.constant 8.000000e+00 : f32
        %mul3A_483 = vector.broadcast %mul3A_482 : f32 to vector<16xf32>
        %mul3A_484 = arith.mulf %get3A_481, %mul3A_483 : vector<16xf32>
        tpu.vector_store_idx %arg9[%add3A_9, %broadcast_in_dim3A_30, %and3A_29, %add3A_479], %mul3A_484 : memref<8x2x8x129xf32, #tpu.memory_space<vmem>>[vector<16xi32>, vector<16xi32>, vector<16xi32>, vector<16xi32>], vector<16xf32>,
        %get3A_485 = arith.index_cast %add3A_476 : i32 to index
        %get3A_486 = arith.constant 16 : index
        %get3A_487 = tpu.vector_load %arg7[%get3A_485, %get3A_486] {strides = array<i32>} : memref<256x64xf32, #tpu.memory_space<vmem>>, vector<16xf32>,
        %mul3A_488 = arith.constant 8.000000e+00 : f32
        %mul3A_489 = vector.broadcast %mul3A_488 : f32 to vector<16xf32>
        %mul3A_490 = arith.mulf %get3A_487, %mul3A_489 : vector<16xf32>
        tpu.vector_store_idx %arg9[%add3A_15, %broadcast_in_dim3A_30, %and3A_29, %add3A_479], %mul3A_490 : memref<8x2x8x129xf32, #tpu.memory_space<vmem>>[vector<16xi32>, vector<16xi32>, vector<16xi32>, vector<16xi32>], vector<16xf32>,
        %get3A_491 = arith.index_cast %add3A_476 : i32 to index
        %get3A_492 = arith.constant 32 : index
        %get3A_493 = tpu.vector_load %arg7[%get3A_491, %get3A_492] {strides = array<i32>} : memref<256x64xf32, #tpu.memory_space<vmem>>, vector<16xf32>,
        %mul3A_494 = arith.constant 8.000000e+00 : f32
        %mul3A_495 = vector.broadcast %mul3A_494 : f32 to vector<16xf32>
        %mul3A_496 = arith.mulf %get3A_493, %mul3A_495 : vector<16xf32>
        tpu.vector_store_idx %arg9[%add3A_21, %broadcast_in_dim3A_30, %and3A_29, %add3A_479], %mul3A_496 : memref<8x2x8x129xf32, #tpu.memory_space<vmem>>[vector<16xi32>, vector<16xi32>, vector<16xi32>, vector<16xi32>], vector<16xf32>,
        %get3A_497 = arith.index_cast %add3A_476 : i32 to index
        %get3A_498 = arith.constant 48 : index
        %get3A_499 = tpu.vector_load %arg7[%get3A_497, %get3A_498] {strides = array<i32>} : memref<256x64xf32, #tpu.memory_space<vmem>>, vector<16xf32>,
        %mul3A_500 = arith.constant 8.000000e+00 : f32
        %mul3A_501 = vector.broadcast %mul3A_500 : f32 to vector<16xf32>
        %mul3A_502 = arith.mulf %get3A_499, %mul3A_501 : vector<16xf32>
        tpu.vector_store_idx %arg9[%add3A_27, %broadcast_in_dim3A_30, %and3A_29, %add3A_479], %mul3A_502 : memref<8x2x8x129xf32, #tpu.memory_space<vmem>>[vector<16xi32>, vector<16xi32>, vector<16xi32>, vector<16xi32>], vector<16xf32>,
        %mul3A_503 = arith.constant 4 : i32
        %mul3A_504 = arith.muli %scan3A_469, %mul3A_503 : i32
        %add3A_505 = arith.constant 0 : i32
        %add3A_506 = arith.addi %add3A_505, %mul3A_504 : i32
        %add3A_507 = arith.constant 1 : i32
        %add3A_508 = arith.addi %add3A_506, %add3A_507 : i32
        %add3A_509 = arith.constant 1 : i32
        %add3A_510 = vector.broadcast %add3A_509 : i32 to vector<16xi32>
        %add3A_511 = arith.addi %scan3A_470, %add3A_510 : vector<16xi32>
        %get3A_512 = arith.index_cast %add3A_508 : i32 to index
        %get3A_513 = arith.constant 0 : index
        %get3A_514 = tpu.vector_load %arg7[%get3A_512, %get3A_513] {strides = array<i32>} : memref<256x64xf32, #tpu.memory_space<vmem>>, vector<16xf32>,
        %mul3A_515 = arith.constant 8.000000e+00 : f32
        %mul3A_516 = vector.broadcast %mul3A_515 : f32 to vector<16xf32>
        %mul3A_517 = arith.mulf %get3A_514, %mul3A_516 : vector<16xf32>
        tpu.vector_store_idx %arg9[%add3A_9, %broadcast_in_dim3A_30, %and3A_29, %add3A_511], %mul3A_517 : memref<8x2x8x129xf32, #tpu.memory_space<vmem>>[vector<16xi32>, vector<16xi32>, vector<16xi32>, vector<16xi32>], vector<16xf32>,
        %get3A_518 = arith.index_cast %add3A_508 : i32 to index
        %get3A_519 = arith.constant 16 : index
        %get3A_520 = tpu.vector_load %arg7[%get3A_518, %get3A_519] {strides = array<i32>} : memref<256x64xf32, #tpu.memory_space<vmem>>, vector<16xf32>,
        %mul3A_521 = arith.constant 8.000000e+00 : f32
        %mul3A_522 = vector.broadcast %mul3A_521 : f32 to vector<16xf32>
        %mul3A_523 = arith.mulf %get3A_520, %mul3A_522 : vector<16xf32>
        tpu.vector_store_idx %arg9[%add3A_15, %broadcast_in_dim3A_30, %and3A_29, %add3A_511], %mul3A_523 : memref<8x2x8x129xf32, #tpu.memory_space<vmem>>[vector<16xi32>, vector<16xi32>, vector<16xi32>, vector<16xi32>], vector<16xf32>,
        %get3A_524 = arith.index_cast %add3A_508 : i32 to index
        %get3A_525 = arith.constant 32 : index
        %get3A_526 = tpu.vector_load %arg7[%get3A_524, %get3A_525] {strides = array<i32>} : memref<256x64xf32, #tpu.memory_space<vmem>>, vector<16xf32>,
        %mul3A_527 = arith.constant 8.000000e+00 : f32
        %mul3A_528 = vector.broadcast %mul3A_527 : f32 to vector<16xf32>
        %mul3A_529 = arith.mulf %get3A_526, %mul3A_528 : vector<16xf32>
        tpu.vector_store_idx %arg9[%add3A_21, %broadcast_in_dim3A_30, %and3A_29, %add3A_511], %mul3A_529 : memref<8x2x8x129xf32, #tpu.memory_space<vmem>>[vector<16xi32>, vector<16xi32>, vector<16xi32>, vector<16xi32>], vector<16xf32>,
        %get3A_530 = arith.index_cast %add3A_508 : i32 to index
        %get3A_531 = arith.constant 48 : index
        %get3A_532 = tpu.vector_load %arg7[%get3A_530, %get3A_531] {strides = array<i32>} : memref<256x64xf32, #tpu.memory_space<vmem>>, vector<16xf32>,
        %mul3A_533 = arith.constant 8.000000e+00 : f32
        %mul3A_534 = vector.broadcast %mul3A_533 : f32 to vector<16xf32>
        %mul3A_535 = arith.mulf %get3A_532, %mul3A_534 : vector<16xf32>
        tpu.vector_store_idx %arg9[%add3A_27, %broadcast_in_dim3A_30, %and3A_29, %add3A_511], %mul3A_535 : memref<8x2x8x129xf32, #tpu.memory_space<vmem>>[vector<16xi32>, vector<16xi32>, vector<16xi32>, vector<16xi32>], vector<16xf32>,
        %mul3A_536 = arith.constant 4 : i32
        %mul3A_537 = arith.muli %scan3A_469, %mul3A_536 : i32
        %add3A_538 = arith.constant 0 : i32
        %add3A_539 = arith.addi %add3A_538, %mul3A_537 : i32
        %add3A_540 = arith.constant 2 : i32
        %add3A_541 = arith.addi %add3A_539, %add3A_540 : i32
        %add3A_542 = arith.constant 2 : i32
        %add3A_543 = vector.broadcast %add3A_542 : i32 to vector<16xi32>
        %add3A_544 = arith.addi %scan3A_470, %add3A_543 : vector<16xi32>
        %get3A_545 = arith.index_cast %add3A_541 : i32 to index
        %get3A_546 = arith.constant 0 : index
        %get3A_547 = tpu.vector_load %arg7[%get3A_545, %get3A_546] {strides = array<i32>} : memref<256x64xf32, #tpu.memory_space<vmem>>, vector<16xf32>,
        %mul3A_548 = arith.constant 8.000000e+00 : f32
        %mul3A_549 = vector.broadcast %mul3A_548 : f32 to vector<16xf32>
        %mul3A_550 = arith.mulf %get3A_547, %mul3A_549 : vector<16xf32>
        tpu.vector_store_idx %arg9[%add3A_9, %broadcast_in_dim3A_30, %and3A_29, %add3A_544], %mul3A_550 : memref<8x2x8x129xf32, #tpu.memory_space<vmem>>[vector<16xi32>, vector<16xi32>, vector<16xi32>, vector<16xi32>], vector<16xf32>,
        %get3A_551 = arith.index_cast %add3A_541 : i32 to index
        %get3A_552 = arith.constant 16 : index
        %get3A_553 = tpu.vector_load %arg7[%get3A_551, %get3A_552] {strides = array<i32>} : memref<256x64xf32, #tpu.memory_space<vmem>>, vector<16xf32>,
        %mul3A_554 = arith.constant 8.000000e+00 : f32
        %mul3A_555 = vector.broadcast %mul3A_554 : f32 to vector<16xf32>
        %mul3A_556 = arith.mulf %get3A_553, %mul3A_555 : vector<16xf32>
        tpu.vector_store_idx %arg9[%add3A_15, %broadcast_in_dim3A_30, %and3A_29, %add3A_544], %mul3A_556 : memref<8x2x8x129xf32, #tpu.memory_space<vmem>>[vector<16xi32>, vector<16xi32>, vector<16xi32>, vector<16xi32>], vector<16xf32>,
        %get3A_557 = arith.index_cast %add3A_541 : i32 to index
        %get3A_558 = arith.constant 32 : index
        %get3A_559 = tpu.vector_load %arg7[%get3A_557, %get3A_558] {strides = array<i32>} : memref<256x64xf32, #tpu.memory_space<vmem>>, vector<16xf32>,
        %mul3A_560 = arith.constant 8.000000e+00 : f32
        %mul3A_561 = vector.broadcast %mul3A_560 : f32 to vector<16xf32>
        %mul3A_562 = arith.mulf %get3A_559, %mul3A_561 : vector<16xf32>
        tpu.vector_store_idx %arg9[%add3A_21, %broadcast_in_dim3A_30, %and3A_29, %add3A_544], %mul3A_562 : memref<8x2x8x129xf32, #tpu.memory_space<vmem>>[vector<16xi32>, vector<16xi32>, vector<16xi32>, vector<16xi32>], vector<16xf32>,
        %get3A_563 = arith.index_cast %add3A_541 : i32 to index
        %get3A_564 = arith.constant 48 : index
        %get3A_565 = tpu.vector_load %arg7[%get3A_563, %get3A_564] {strides = array<i32>} : memref<256x64xf32, #tpu.memory_space<vmem>>, vector<16xf32>,
        %mul3A_566 = arith.constant 8.000000e+00 : f32
        %mul3A_567 = vector.broadcast %mul3A_566 : f32 to vector<16xf32>
        %mul3A_568 = arith.mulf %get3A_565, %mul3A_567 : vector<16xf32>
        tpu.vector_store_idx %arg9[%add3A_27, %broadcast_in_dim3A_30, %and3A_29, %add3A_544], %mul3A_568 : memref<8x2x8x129xf32, #tpu.memory_space<vmem>>[vector<16xi32>, vector<16xi32>, vector<16xi32>, vector<16xi32>], vector<16xf32>,
        %mul3A_569 = arith.constant 4 : i32
        %mul3A_570 = arith.muli %scan3A_469, %mul3A_569 : i32
        %add3A_571 = arith.constant 0 : i32
        %add3A_572 = arith.addi %add3A_571, %mul3A_570 : i32
        %add3A_573 = arith.constant 3 : i32
        %add3A_574 = arith.addi %add3A_572, %add3A_573 : i32
        %add3A_575 = arith.constant 3 : i32
        %add3A_576 = vector.broadcast %add3A_575 : i32 to vector<16xi32>
        %add3A_577 = arith.addi %scan3A_470, %add3A_576 : vector<16xi32>
        %get3A_578 = arith.index_cast %add3A_574 : i32 to index
        %get3A_579 = arith.constant 0 : index
        %get3A_580 = tpu.vector_load %arg7[%get3A_578, %get3A_579] {strides = array<i32>} : memref<256x64xf32, #tpu.memory_space<vmem>>, vector<16xf32>,
        %mul3A_581 = arith.constant 8.000000e+00 : f32
        %mul3A_582 = vector.broadcast %mul3A_581 : f32 to vector<16xf32>
        %mul3A_583 = arith.mulf %get3A_580, %mul3A_582 : vector<16xf32>
        tpu.vector_store_idx %arg9[%add3A_9, %broadcast_in_dim3A_30, %and3A_29, %add3A_577], %mul3A_583 : memref<8x2x8x129xf32, #tpu.memory_space<vmem>>[vector<16xi32>, vector<16xi32>, vector<16xi32>, vector<16xi32>], vector<16xf32>,
        %get3A_584 = arith.index_cast %add3A_574 : i32 to index
        %get3A_585 = arith.constant 16 : index
        %get3A_586 = tpu.vector_load %arg7[%get3A_584, %get3A_585] {strides = array<i32>} : memref<256x64xf32, #tpu.memory_space<vmem>>, vector<16xf32>,
        %mul3A_587 = arith.constant 8.000000e+00 : f32
        %mul3A_588 = vector.broadcast %mul3A_587 : f32 to vector<16xf32>
        %mul3A_589 = arith.mulf %get3A_586, %mul3A_588 : vector<16xf32>
        tpu.vector_store_idx %arg9[%add3A_15, %broadcast_in_dim3A_30, %and3A_29, %add3A_577], %mul3A_589 : memref<8x2x8x129xf32, #tpu.memory_space<vmem>>[vector<16xi32>, vector<16xi32>, vector<16xi32>, vector<16xi32>], vector<16xf32>,
        %get3A_590 = arith.index_cast %add3A_574 : i32 to index
        %get3A_591 = arith.constant 32 : index
        %get3A_592 = tpu.vector_load %arg7[%get3A_590, %get3A_591] {strides = array<i32>} : memref<256x64xf32, #tpu.memory_space<vmem>>, vector<16xf32>,
        %mul3A_593 = arith.constant 8.000000e+00 : f32
        %mul3A_594 = vector.broadcast %mul3A_593 : f32 to vector<16xf32>
        %mul3A_595 = arith.mulf %get3A_592, %mul3A_594 : vector<16xf32>
        tpu.vector_store_idx %arg9[%add3A_21, %broadcast_in_dim3A_30, %and3A_29, %add3A_577], %mul3A_595 : memref<8x2x8x129xf32, #tpu.memory_space<vmem>>[vector<16xi32>, vector<16xi32>, vector<16xi32>, vector<16xi32>], vector<16xf32>,
        %get3A_596 = arith.index_cast %add3A_574 : i32 to index
        %get3A_597 = arith.constant 48 : index
        %get3A_598 = tpu.vector_load %arg7[%get3A_596, %get3A_597] {strides = array<i32>} : memref<256x64xf32, #tpu.memory_space<vmem>>, vector<16xf32>,
        %mul3A_599 = arith.constant 8.000000e+00 : f32
        %mul3A_600 = vector.broadcast %mul3A_599 : f32 to vector<16xf32>
        %mul3A_601 = arith.mulf %get3A_598, %mul3A_600 : vector<16xf32>
        tpu.vector_store_idx %arg9[%add3A_27, %broadcast_in_dim3A_30, %and3A_29, %add3A_577], %mul3A_601 : memref<8x2x8x129xf32, #tpu.memory_space<vmem>>[vector<16xi32>, vector<16xi32>, vector<16xi32>, vector<16xi32>], vector<16xf32>,
        %add3A_602 = arith.constant 4 : i32
        %add3A_603 = vector.broadcast %add3A_602 : i32 to vector<16xi32>
        %add3A_604 = arith.addi %scan3A_470, %add3A_603 : vector<16xi32>
        scf.yield %add3A_604 : vector<16xi32>
      }
      %scan3A_390 = arith.constant 32 : i32
      %broadcast_in_dim3A_391 = arith.constant 0 : i32
      %broadcast_in_dim3A_392 = vector.broadcast %broadcast_in_dim3A_391 : i32 to vector<16xi32>
      %scan3A_393 = arith.constant 0 : i32
      %scan3A_394 = arith.constant 32 : i32
      %scan3A_395 = arith.addi %scan3A_393, %scan3A_394 : i32
      %scan3A_396 = arith.constant 1 : i32
      %scan3A_397 = scf.for %scan3A_469 = %scan3A_393 to %scan3A_395 step %scan3A_396 iter_args(%scan3A_470 = %broadcast_in_dim3A_392) -> (vector<16xi32>)  : i32 {
        %mul3A_471 = arith.constant 4 : i32
        %mul3A_472 = arith.muli %scan3A_469, %mul3A_471 : i32
        %add3A_473 = arith.constant 128 : i32
        %add3A_474 = arith.addi %add3A_473, %mul3A_472 : i32
        %add3A_475 = arith.constant 0 : i32
        %add3A_476 = arith.addi %add3A_474, %add3A_475 : i32
        %add3A_477 = arith.constant 0 : i32
        %add3A_478 = vector.broadcast %add3A_477 : i32 to vector<16xi32>
        %add3A_479 = arith.addi %scan3A_470, %add3A_478 : vector<16xi32>
        %get3A = arith.index_cast %add3A_476 : i32 to index
        %get3A_480 = arith.constant 0 : index
        %get3A_481 = tpu.vector_load %arg7[%get3A, %get3A_480] {strides = array<i32>} : memref<256x64xf32, #tpu.memory_space<vmem>>, vector<16xf32>,
        %mul3A_482 = arith.constant 8.000000e+00 : f32
        %mul3A_483 = vector.broadcast %mul3A_482 : f32 to vector<16xf32>
        %mul3A_484 = arith.mulf %get3A_481, %mul3A_483 : vector<16xf32>
        tpu.vector_store_idx %arg9[%add3A_9, %broadcast_in_dim3A_32, %and3A_29, %add3A_479], %mul3A_484 : memref<8x2x8x129xf32, #tpu.memory_space<vmem>>[vector<16xi32>, vector<16xi32>, vector<16xi32>, vector<16xi32>], vector<16xf32>,
        %get3A_485 = arith.index_cast %add3A_476 : i32 to index
        %get3A_486 = arith.constant 16 : index
        %get3A_487 = tpu.vector_load %arg7[%get3A_485, %get3A_486] {strides = array<i32>} : memref<256x64xf32, #tpu.memory_space<vmem>>, vector<16xf32>,
        %mul3A_488 = arith.constant 8.000000e+00 : f32
        %mul3A_489 = vector.broadcast %mul3A_488 : f32 to vector<16xf32>
        %mul3A_490 = arith.mulf %get3A_487, %mul3A_489 : vector<16xf32>
        tpu.vector_store_idx %arg9[%add3A_15, %broadcast_in_dim3A_32, %and3A_29, %add3A_479], %mul3A_490 : memref<8x2x8x129xf32, #tpu.memory_space<vmem>>[vector<16xi32>, vector<16xi32>, vector<16xi32>, vector<16xi32>], vector<16xf32>,
        %get3A_491 = arith.index_cast %add3A_476 : i32 to index
        %get3A_492 = arith.constant 32 : index
        %get3A_493 = tpu.vector_load %arg7[%get3A_491, %get3A_492] {strides = array<i32>} : memref<256x64xf32, #tpu.memory_space<vmem>>, vector<16xf32>,
        %mul3A_494 = arith.constant 8.000000e+00 : f32
        %mul3A_495 = vector.broadcast %mul3A_494 : f32 to vector<16xf32>
        %mul3A_496 = arith.mulf %get3A_493, %mul3A_495 : vector<16xf32>
        tpu.vector_store_idx %arg9[%add3A_21, %broadcast_in_dim3A_32, %and3A_29, %add3A_479], %mul3A_496 : memref<8x2x8x129xf32, #tpu.memory_space<vmem>>[vector<16xi32>, vector<16xi32>, vector<16xi32>, vector<16xi32>], vector<16xf32>,
        %get3A_497 = arith.index_cast %add3A_476 : i32 to index
        %get3A_498 = arith.constant 48 : index
        %get3A_499 = tpu.vector_load %arg7[%get3A_497, %get3A_498] {strides = array<i32>} : memref<256x64xf32, #tpu.memory_space<vmem>>, vector<16xf32>,
        %mul3A_500 = arith.constant 8.000000e+00 : f32
        %mul3A_501 = vector.broadcast %mul3A_500 : f32 to vector<16xf32>
        %mul3A_502 = arith.mulf %get3A_499, %mul3A_501 : vector<16xf32>
        tpu.vector_store_idx %arg9[%add3A_27, %broadcast_in_dim3A_32, %and3A_29, %add3A_479], %mul3A_502 : memref<8x2x8x129xf32, #tpu.memory_space<vmem>>[vector<16xi32>, vector<16xi32>, vector<16xi32>, vector<16xi32>], vector<16xf32>,
        %mul3A_503 = arith.constant 4 : i32
        %mul3A_504 = arith.muli %scan3A_469, %mul3A_503 : i32
        %add3A_505 = arith.constant 128 : i32
        %add3A_506 = arith.addi %add3A_505, %mul3A_504 : i32
        %add3A_507 = arith.constant 1 : i32
        %add3A_508 = arith.addi %add3A_506, %add3A_507 : i32
        %add3A_509 = arith.constant 1 : i32
        %add3A_510 = vector.broadcast %add3A_509 : i32 to vector<16xi32>
        %add3A_511 = arith.addi %scan3A_470, %add3A_510 : vector<16xi32>
        %get3A_512 = arith.index_cast %add3A_508 : i32 to index
        %get3A_513 = arith.constant 0 : index
        %get3A_514 = tpu.vector_load %arg7[%get3A_512, %get3A_513] {strides = array<i32>} : memref<256x64xf32, #tpu.memory_space<vmem>>, vector<16xf32>,
        %mul3A_515 = arith.constant 8.000000e+00 : f32
        %mul3A_516 = vector.broadcast %mul3A_515 : f32 to vector<16xf32>
        %mul3A_517 = arith.mulf %get3A_514, %mul3A_516 : vector<16xf32>
        tpu.vector_store_idx %arg9[%add3A_9, %broadcast_in_dim3A_32, %and3A_29, %add3A_511], %mul3A_517 : memref<8x2x8x129xf32, #tpu.memory_space<vmem>>[vector<16xi32>, vector<16xi32>, vector<16xi32>, vector<16xi32>], vector<16xf32>,
        %get3A_518 = arith.index_cast %add3A_508 : i32 to index
        %get3A_519 = arith.constant 16 : index
        %get3A_520 = tpu.vector_load %arg7[%get3A_518, %get3A_519] {strides = array<i32>} : memref<256x64xf32, #tpu.memory_space<vmem>>, vector<16xf32>,
        %mul3A_521 = arith.constant 8.000000e+00 : f32
        %mul3A_522 = vector.broadcast %mul3A_521 : f32 to vector<16xf32>
        %mul3A_523 = arith.mulf %get3A_520, %mul3A_522 : vector<16xf32>
        tpu.vector_store_idx %arg9[%add3A_15, %broadcast_in_dim3A_32, %and3A_29, %add3A_511], %mul3A_523 : memref<8x2x8x129xf32, #tpu.memory_space<vmem>>[vector<16xi32>, vector<16xi32>, vector<16xi32>, vector<16xi32>], vector<16xf32>,
        %get3A_524 = arith.index_cast %add3A_508 : i32 to index
        %get3A_525 = arith.constant 32 : index
        %get3A_526 = tpu.vector_load %arg7[%get3A_524, %get3A_525] {strides = array<i32>} : memref<256x64xf32, #tpu.memory_space<vmem>>, vector<16xf32>,
        %mul3A_527 = arith.constant 8.000000e+00 : f32
        %mul3A_528 = vector.broadcast %mul3A_527 : f32 to vector<16xf32>
        %mul3A_529 = arith.mulf %get3A_526, %mul3A_528 : vector<16xf32>
        tpu.vector_store_idx %arg9[%add3A_21, %broadcast_in_dim3A_32, %and3A_29, %add3A_511], %mul3A_529 : memref<8x2x8x129xf32, #tpu.memory_space<vmem>>[vector<16xi32>, vector<16xi32>, vector<16xi32>, vector<16xi32>], vector<16xf32>,
        %get3A_530 = arith.index_cast %add3A_508 : i32 to index
        %get3A_531 = arith.constant 48 : index
        %get3A_532 = tpu.vector_load %arg7[%get3A_530, %get3A_531] {strides = array<i32>} : memref<256x64xf32, #tpu.memory_space<vmem>>, vector<16xf32>,
        %mul3A_533 = arith.constant 8.000000e+00 : f32
        %mul3A_534 = vector.broadcast %mul3A_533 : f32 to vector<16xf32>
        %mul3A_535 = arith.mulf %get3A_532, %mul3A_534 : vector<16xf32>
        tpu.vector_store_idx %arg9[%add3A_27, %broadcast_in_dim3A_32, %and3A_29, %add3A_511], %mul3A_535 : memref<8x2x8x129xf32, #tpu.memory_space<vmem>>[vector<16xi32>, vector<16xi32>, vector<16xi32>, vector<16xi32>], vector<16xf32>,
        %mul3A_536 = arith.constant 4 : i32
        %mul3A_537 = arith.muli %scan3A_469, %mul3A_536 : i32
        %add3A_538 = arith.constant 128 : i32
        %add3A_539 = arith.addi %add3A_538, %mul3A_537 : i32
        %add3A_540 = arith.constant 2 : i32
        %add3A_541 = arith.addi %add3A_539, %add3A_540 : i32
        %add3A_542 = arith.constant 2 : i32
        %add3A_543 = vector.broadcast %add3A_542 : i32 to vector<16xi32>
        %add3A_544 = arith.addi %scan3A_470, %add3A_543 : vector<16xi32>
        %get3A_545 = arith.index_cast %add3A_541 : i32 to index
        %get3A_546 = arith.constant 0 : index
        %get3A_547 = tpu.vector_load %arg7[%get3A_545, %get3A_546] {strides = array<i32>} : memref<256x64xf32, #tpu.memory_space<vmem>>, vector<16xf32>,
        %mul3A_548 = arith.constant 8.000000e+00 : f32
        %mul3A_549 = vector.broadcast %mul3A_548 : f32 to vector<16xf32>
        %mul3A_550 = arith.mulf %get3A_547, %mul3A_549 : vector<16xf32>
        tpu.vector_store_idx %arg9[%add3A_9, %broadcast_in_dim3A_32, %and3A_29, %add3A_544], %mul3A_550 : memref<8x2x8x129xf32, #tpu.memory_space<vmem>>[vector<16xi32>, vector<16xi32>, vector<16xi32>, vector<16xi32>], vector<16xf32>,
        %get3A_551 = arith.index_cast %add3A_541 : i32 to index
        %get3A_552 = arith.constant 16 : index
        %get3A_553 = tpu.vector_load %arg7[%get3A_551, %get3A_552] {strides = array<i32>} : memref<256x64xf32, #tpu.memory_space<vmem>>, vector<16xf32>,
        %mul3A_554 = arith.constant 8.000000e+00 : f32
        %mul3A_555 = vector.broadcast %mul3A_554 : f32 to vector<16xf32>
        %mul3A_556 = arith.mulf %get3A_553, %mul3A_555 : vector<16xf32>
        tpu.vector_store_idx %arg9[%add3A_15, %broadcast_in_dim3A_32, %and3A_29, %add3A_544], %mul3A_556 : memref<8x2x8x129xf32, #tpu.memory_space<vmem>>[vector<16xi32>, vector<16xi32>, vector<16xi32>, vector<16xi32>], vector<16xf32>,
        %get3A_557 = arith.index_cast %add3A_541 : i32 to index
        %get3A_558 = arith.constant 32 : index
        %get3A_559 = tpu.vector_load %arg7[%get3A_557, %get3A_558] {strides = array<i32>} : memref<256x64xf32, #tpu.memory_space<vmem>>, vector<16xf32>,
        %mul3A_560 = arith.constant 8.000000e+00 : f32
        %mul3A_561 = vector.broadcast %mul3A_560 : f32 to vector<16xf32>
        %mul3A_562 = arith.mulf %get3A_559, %mul3A_561 : vector<16xf32>
        tpu.vector_store_idx %arg9[%add3A_21, %broadcast_in_dim3A_32, %and3A_29, %add3A_544], %mul3A_562 : memref<8x2x8x129xf32, #tpu.memory_space<vmem>>[vector<16xi32>, vector<16xi32>, vector<16xi32>, vector<16xi32>], vector<16xf32>,
        %get3A_563 = arith.index_cast %add3A_541 : i32 to index
        %get3A_564 = arith.constant 48 : index
        %get3A_565 = tpu.vector_load %arg7[%get3A_563, %get3A_564] {strides = array<i32>} : memref<256x64xf32, #tpu.memory_space<vmem>>, vector<16xf32>,
        %mul3A_566 = arith.constant 8.000000e+00 : f32
        %mul3A_567 = vector.broadcast %mul3A_566 : f32 to vector<16xf32>
        %mul3A_568 = arith.mulf %get3A_565, %mul3A_567 : vector<16xf32>
        tpu.vector_store_idx %arg9[%add3A_27, %broadcast_in_dim3A_32, %and3A_29, %add3A_544], %mul3A_568 : memref<8x2x8x129xf32, #tpu.memory_space<vmem>>[vector<16xi32>, vector<16xi32>, vector<16xi32>, vector<16xi32>], vector<16xf32>,
        %mul3A_569 = arith.constant 4 : i32
        %mul3A_570 = arith.muli %scan3A_469, %mul3A_569 : i32
        %add3A_571 = arith.constant 128 : i32
        %add3A_572 = arith.addi %add3A_571, %mul3A_570 : i32
        %add3A_573 = arith.constant 3 : i32
        %add3A_574 = arith.addi %add3A_572, %add3A_573 : i32
        %add3A_575 = arith.constant 3 : i32
        %add3A_576 = vector.broadcast %add3A_575 : i32 to vector<16xi32>
        %add3A_577 = arith.addi %scan3A_470, %add3A_576 : vector<16xi32>
        %get3A_578 = arith.index_cast %add3A_574 : i32 to index
        %get3A_579 = arith.constant 0 : index
        %get3A_580 = tpu.vector_load %arg7[%get3A_578, %get3A_579] {strides = array<i32>} : memref<256x64xf32, #tpu.memory_space<vmem>>, vector<16xf32>,
        %mul3A_581 = arith.constant 8.000000e+00 : f32
        %mul3A_582 = vector.broadcast %mul3A_581 : f32 to vector<16xf32>
        %mul3A_583 = arith.mulf %get3A_580, %mul3A_582 : vector<16xf32>
        tpu.vector_store_idx %arg9[%add3A_9, %broadcast_in_dim3A_32, %and3A_29, %add3A_577], %mul3A_583 : memref<8x2x8x129xf32, #tpu.memory_space<vmem>>[vector<16xi32>, vector<16xi32>, vector<16xi32>, vector<16xi32>], vector<16xf32>,
        %get3A_584 = arith.index_cast %add3A_574 : i32 to index
        %get3A_585 = arith.constant 16 : index
        %get3A_586 = tpu.vector_load %arg7[%get3A_584, %get3A_585] {strides = array<i32>} : memref<256x64xf32, #tpu.memory_space<vmem>>, vector<16xf32>,
        %mul3A_587 = arith.constant 8.000000e+00 : f32
        %mul3A_588 = vector.broadcast %mul3A_587 : f32 to vector<16xf32>
        %mul3A_589 = arith.mulf %get3A_586, %mul3A_588 : vector<16xf32>
        tpu.vector_store_idx %arg9[%add3A_15, %broadcast_in_dim3A_32, %and3A_29, %add3A_577], %mul3A_589 : memref<8x2x8x129xf32, #tpu.memory_space<vmem>>[vector<16xi32>, vector<16xi32>, vector<16xi32>, vector<16xi32>], vector<16xf32>,
        %get3A_590 = arith.index_cast %add3A_574 : i32 to index
        %get3A_591 = arith.constant 32 : index
        %get3A_592 = tpu.vector_load %arg7[%get3A_590, %get3A_591] {strides = array<i32>} : memref<256x64xf32, #tpu.memory_space<vmem>>, vector<16xf32>,
        %mul3A_593 = arith.constant 8.000000e+00 : f32
        %mul3A_594 = vector.broadcast %mul3A_593 : f32 to vector<16xf32>
        %mul3A_595 = arith.mulf %get3A_592, %mul3A_594 : vector<16xf32>
        tpu.vector_store_idx %arg9[%add3A_21, %broadcast_in_dim3A_32, %and3A_29, %add3A_577], %mul3A_595 : memref<8x2x8x129xf32, #tpu.memory_space<vmem>>[vector<16xi32>, vector<16xi32>, vector<16xi32>, vector<16xi32>], vector<16xf32>,
        %get3A_596 = arith.index_cast %add3A_574 : i32 to index
        %get3A_597 = arith.constant 48 : index
        %get3A_598 = tpu.vector_load %arg7[%get3A_596, %get3A_597] {strides = array<i32>} : memref<256x64xf32, #tpu.memory_space<vmem>>, vector<16xf32>,
        %mul3A_599 = arith.constant 8.000000e+00 : f32
        %mul3A_600 = vector.broadcast %mul3A_599 : f32 to vector<16xf32>
        %mul3A_601 = arith.mulf %get3A_598, %mul3A_600 : vector<16xf32>
        tpu.vector_store_idx %arg9[%add3A_27, %broadcast_in_dim3A_32, %and3A_29, %add3A_577], %mul3A_601 : memref<8x2x8x129xf32, #tpu.memory_space<vmem>>[vector<16xi32>, vector<16xi32>, vector<16xi32>, vector<16xi32>], vector<16xf32>,
        %add3A_602 = arith.constant 4 : i32
        %add3A_603 = vector.broadcast %add3A_602 : i32 to vector<16xi32>
        %add3A_604 = arith.addi %scan3A_470, %add3A_603 : vector<16xi32>
        scf.yield %add3A_604 : vector<16xi32>
      }
      %scan3A_398 = arith.constant 32 : i32
      %add3A_399 = arith.addi %mul3A_4, %add3A_348 : i32
      %jit3A_400 = arith.constant 16 : i32
      %div3A_401 = arith.divsi %add3A_399, %jit3A_400 : i32
      %sign3A_402 = arith.constant 0 : i32
      %sign3A_403 = arith.cmpi sgt, %add3A_399, %sign3A_402 : i32
      %sign3A_404 = arith.extui %sign3A_403 : i1 to i32
      %sign3A_405 = arith.constant 0 : i32
      %sign3A_406 = arith.cmpi slt, %add3A_399, %sign3A_405 : i32
      %sign3A_407 = arith.extui %sign3A_406 : i1 to i32
      %sign3A_408 = arith.subi %sign3A_404, %sign3A_407 : i32
      %sign3A_409 = arith.constant 0 : i32
      %sign3A_410 = arith.cmpi sgt, %jit3A_400, %sign3A_409 : i32
      %sign3A_411 = arith.extui %sign3A_410 : i1 to i32
      %sign3A_412 = arith.constant 0 : i32
      %sign3A_413 = arith.cmpi slt, %jit3A_400, %sign3A_412 : i32
      %sign3A_414 = arith.extui %sign3A_413 : i1 to i32
      %sign3A_415 = arith.subi %sign3A_411, %sign3A_414 : i32
      %ne3A_416 = arith.cmpi ne, %sign3A_408, %sign3A_415 : i32
      %rem3A_417 = arith.remsi %add3A_399, %jit3A_400 : i32
      %ne3A_418 = arith.constant 0 : i32
      %ne3A_419 = arith.cmpi ne, %rem3A_417, %ne3A_418 : i32
      %and3A_420 = arith.andi %ne3A_416, %ne3A_419 : i1
      %sub3A_421 = arith.constant 1 : i32
      %sub3A_422 = arith.subi %div3A_401, %sub3A_421 : i32
      %select_n3A_423 = arith.select %and3A_420, %sub3A_422, %div3A_401 : i32
      %jit3A_424 = arith.constant 16 : i32
      %eq3A_425 = arith.constant 0 : i32
      %eq3A_426 = arith.cmpi eq, %jit3A_424, %eq3A_425 : i32
      %jit3A_427 = arith.constant 1 : i32
      %select_n3A_428 = arith.select %eq3A_426, %jit3A_427, %jit3A_424 : i32
      %rem3A_429 = arith.remsi %add3A_399, %select_n3A_428 : i32
      %ne3A_430 = arith.constant 0 : i32
      %ne3A_431 = arith.cmpi ne, %rem3A_429, %ne3A_430 : i32
      %lt3A_432 = arith.constant 0 : i32
      %lt3A_433 = arith.cmpi slt, %rem3A_429, %lt3A_432 : i32
      %lt3A_434 = arith.constant 0 : i32
      %lt3A_435 = arith.cmpi slt, %select_n3A_428, %lt3A_434 : i32
      %ne3A_436 = arith.xori %lt3A_433, %lt3A_435 : i1
      %and3A_437 = arith.andi %ne3A_436, %ne3A_431 : i1
      %add3A_438 = arith.addi %rem3A_429, %select_n3A_428 : i32
      %select_n3A_439 = arith.select %and3A_437, %add3A_438, %rem3A_429 : i32
      %mul3A_440 = arith.constant 2 : i32
      %mul3A_441 = arith.muli %mul3A_440, %select_n3A_439 : i32
      %dma_start3A_442 = arith.constant 0 : i32
      %dma_start3A_443 = arith.constant 0 : i32
      %dma_start3A_444 = arith.constant 0 : i32
      %dma_start3A_445 = arith.constant 0 : i32
      %dma_start3A_446 = tpu.memref_slice %arg9[%dma_start3A_442, %dma_start3A_443, %dma_start3A_444, %dma_start3A_445] : memref<8x2x8x129xf32, #tpu.memory_space<vmem>> -> memref<8x2x8x128xf32, #tpu.memory_space<vmem>>
      %dma_start3A_447 = arith.constant 0 : i32
      %dma_start3A_448 = arith.constant 0 : i32
      %dma_start3A_449 = arith.constant 0 : i32
      %dma_start3A_450 = tpu.memref_slice %arg4[%select_n3A_423, %dma_start3A_447, %mul3A_441, %dma_start3A_448, %dma_start3A_449] : memref<200x8x32x8x128xf32, #tpu.memory_space<hbm>> -> memref<1x8x2x8x128xf32, #tpu.memory_space<hbm>>
      %dma_start3A_451 = tpu.memref_squeeze %dma_start3A_450 : memref<1x8x2x8x128xf32, #tpu.memory_space<hbm>> -> memref<8x2x8x128xf32, #tpu.memory_space<hbm>>
      %dma_start3A_452 = arith.constant 0 : i32
      %dma_start3A_453 = arith.constant 0 : i32
      %dma_start3A_454 = arith.constant 0 : i32
      %dma_start3A_455 = tpu.memref_slice %arg4[%select_n3A_423, %dma_start3A_452, %mul3A_441, %dma_start3A_453, %dma_start3A_454] : memref<200x8x32x8x128xf32, #tpu.memory_space<hbm>> -> memref<1x8x2x8x128xf32, #tpu.memory_space<hbm>>
      %dma_start3A_456 = tpu.memref_squeeze %dma_start3A_455 : memref<1x8x2x8x128xf32, #tpu.memory_space<hbm>> -> memref<8x2x8x128xf32, #tpu.memory_space<hbm>>
      %dma_start3A_457 = arith.constant 0 : i32
      %dma_start3A_458 = arith.constant 0 : i32
      %dma_start3A_459 = arith.constant 0 : i32
      %dma_start3A_460 = arith.constant 0 : i32
      %dma_start3A_461 = tpu.memref_slice %arg9[%dma_start3A_457, %dma_start3A_458, %dma_start3A_459, %dma_start3A_460] : memref<8x2x8x129xf32, #tpu.memory_space<vmem>> -> memref<8x2x8x128xf32, #tpu.memory_space<vmem>>
      tpu.enqueue_dma source(%dma_start3A_461 : memref<8x2x8x128xf32, #tpu.memory_space<vmem>>) target(%dma_start3A_456 : memref<8x2x8x128xf32, #tpu.memory_space<hbm>>) target_semaphore(%arg13 : memref<!tpu.dma_semaphore, #tpu.memory_space<semaphore_mem>>)
      %mul3A_462 = arith.constant 256 : i32
      %mul3A_463 = arith.muli %min3A_352, %mul3A_462 : i32
      %multiple_of3A_464 = tpu.assume_multiple %mul3A_463, 8 : i32
      %dma_start3A_465 = tpu.memref_slice %arg5[%multiple_of3A_464] : memref<25600xi32, #tpu.memory_space<vmem>> -> memref<256xi32, #tpu.memory_space<vmem>>
      %dma_start3A_466 = arith.constant 0 : i32
      %dma_start3A_467 = arith.constant 0 : i32
      %dma_start3A_468 = tpu.memref_slice %arg2[%dma_start3A_466, %dma_start3A_467] : memref<1000000x64xf32, #tpu.memory_space<hbm>> -> memref<1000000x64xf32, #tpu.memory_space<hbm>>
      tpu.enqueue_indirect_dma source(%dma_start3A_468 : memref<1000000x64xf32, #tpu.memory_space<hbm>>) target(%arg7 : memref<256x64xf32, #tpu.memory_space<vmem>>) offsets(%dma_start3A_465 : memref<256xi32, #tpu.memory_space<vmem>>) semaphore(%arg11 : memref<!tpu.dma_semaphore, #tpu.memory_space<semaphore_mem>>)
    }
    %scan3A_167 = arith.constant 50 : i32
    %dma_wait3A = arith.constant 0 : i32
    %dma_wait3A_168 = arith.constant 0 : i32
    %dma_wait3A_169 = arith.constant 0 : i32
    %dma_wait3A_170 = arith.constant 0 : i32
    %dma_wait3A_171 = arith.constant 0 : i32
    %dma_wait3A_172 = tpu.memref_slice %arg8[%dma_wait3A_168, %dma_wait3A_169, %dma_wait3A_170, %dma_wait3A_171] : memref<8x2x8x129xf32, #tpu.memory_space<vmem>> -> memref<8x2x8x128xf32, #tpu.memory_space<vmem>>
    %dma_wait3A_173 = arith.constant 0 : i32
    %dma_wait3A_174 = arith.constant 0 : i32
    %dma_wait3A_175 = arith.constant 0 : i32
    %dma_wait3A_176 = arith.constant 0 : i32
    %dma_wait3A_177 = tpu.memref_slice %arg4[%dma_wait3A, %dma_wait3A_173, %dma_wait3A_174, %dma_wait3A_175, %dma_wait3A_176] : memref<200x8x32x8x128xf32, #tpu.memory_space<hbm>> -> memref<1x8x2x8x128xf32, #tpu.memory_space<hbm>>
    %dma_wait3A_178 = tpu.memref_squeeze %dma_wait3A_177 : memref<1x8x2x8x128xf32, #tpu.memory_space<hbm>> -> memref<8x2x8x128xf32, #tpu.memory_space<hbm>>
    %dma_wait3A_179 = arith.constant 0 : i32
    %dma_wait3A_180 = arith.constant 0 : i32
    %dma_wait3A_181 = arith.constant 0 : i32
    %dma_wait3A_182 = arith.constant 0 : i32
    %dma_wait3A_183 = tpu.memref_slice %arg4[%dma_wait3A, %dma_wait3A_179, %dma_wait3A_180, %dma_wait3A_181, %dma_wait3A_182] : memref<200x8x32x8x128xf32, #tpu.memory_space<hbm>> -> memref<1x8x2x8x128xf32, #tpu.memory_space<hbm>>
    %dma_wait3A_184 = tpu.memref_squeeze %dma_wait3A_183 : memref<1x8x2x8x128xf32, #tpu.memory_space<hbm>> -> memref<8x2x8x128xf32, #tpu.memory_space<hbm>>
    %dma_wait3A_185 = arith.constant 0 : i32
    %dma_wait3A_186 = arith.constant 0 : i32
    %dma_wait3A_187 = arith.constant 0 : i32
    %dma_wait3A_188 = arith.constant 0 : i32
    %dma_wait3A_189 = tpu.memref_slice %arg8[%dma_wait3A_185, %dma_wait3A_186, %dma_wait3A_187, %dma_wait3A_188] : memref<8x2x8x129xf32, #tpu.memory_space<vmem>> -> memref<8x2x8x128xf32, #tpu.memory_space<vmem>>
    tpu.wait_dma2 semaphore(%arg12 : memref<!tpu.dma_semaphore, #tpu.memory_space<semaphore_mem>>) src(%dma_wait3A_189 : memref<8x2x8x128xf32, #tpu.memory_space<vmem>>) dst(%dma_wait3A_184 : memref<8x2x8x128xf32, #tpu.memory_space<hbm>>)
    %multiple_of3A_190 = arith.constant 0 : i32
    %multiple_of3A_191 = tpu.assume_multiple %multiple_of3A_190, 8 : i32
    %dma_wait3A_192 = tpu.memref_slice %arg5[%multiple_of3A_191] : memref<25600xi32, #tpu.memory_space<vmem>> -> memref<256xi32, #tpu.memory_space<vmem>>
    %dma_wait3A_193 = arith.constant 0 : i32
    %dma_wait3A_194 = arith.constant 0 : i32
    %dma_wait3A_195 = tpu.memref_slice %arg2[%dma_wait3A_193, %dma_wait3A_194] : memref<1000000x64xf32, #tpu.memory_space<hbm>> -> memref<1000000x64xf32, #tpu.memory_space<hbm>>
    tpu.wait_indirect_dma semaphore(%arg10 : memref<!tpu.dma_semaphore, #tpu.memory_space<semaphore_mem>>) src(%dma_wait3A_195 : memref<1000000x64xf32, #tpu.memory_space<hbm>>) dst(%arg6 : memref<256x64xf32, #tpu.memory_space<vmem>>)
    %dma_wait3A_196 = arith.constant 0 : i32
    %dma_wait3A_197 = arith.constant 0 : i32
    %dma_wait3A_198 = arith.constant 0 : i32
    %dma_wait3A_199 = arith.constant 0 : i32
    %dma_wait3A_200 = arith.constant 0 : i32
    %dma_wait3A_201 = tpu.memref_slice %arg9[%dma_wait3A_197, %dma_wait3A_198, %dma_wait3A_199, %dma_wait3A_200] : memref<8x2x8x129xf32, #tpu.memory_space<vmem>> -> memref<8x2x8x128xf32, #tpu.memory_space<vmem>>
    %dma_wait3A_202 = arith.constant 0 : i32
    %dma_wait3A_203 = arith.constant 0 : i32
    %dma_wait3A_204 = arith.constant 0 : i32
    %dma_wait3A_205 = arith.constant 0 : i32
    %dma_wait3A_206 = tpu.memref_slice %arg4[%dma_wait3A_196, %dma_wait3A_202, %dma_wait3A_203, %dma_wait3A_204, %dma_wait3A_205] : memref<200x8x32x8x128xf32, #tpu.memory_space<hbm>> -> memref<1x8x2x8x128xf32, #tpu.memory_space<hbm>>
    %dma_wait3A_207 = tpu.memref_squeeze %dma_wait3A_206 : memref<1x8x2x8x128xf32, #tpu.memory_space<hbm>> -> memref<8x2x8x128xf32, #tpu.memory_space<hbm>>
    %dma_wait3A_208 = arith.constant 0 : i32
    %dma_wait3A_209 = arith.constant 0 : i32
    %dma_wait3A_210 = arith.constant 0 : i32
    %dma_wait3A_211 = arith.constant 0 : i32
    %dma_wait3A_212 = tpu.memref_slice %arg4[%dma_wait3A_196, %dma_wait3A_208, %dma_wait3A_209, %dma_wait3A_210, %dma_wait3A_211] : memref<200x8x32x8x128xf32, #tpu.memory_space<hbm>> -> memref<1x8x2x8x128xf32, #tpu.memory_space<hbm>>
    %dma_wait3A_213 = tpu.memref_squeeze %dma_wait3A_212 : memref<1x8x2x8x128xf32, #tpu.memory_space<hbm>> -> memref<8x2x8x128xf32, #tpu.memory_space<hbm>>
    %dma_wait3A_214 = arith.constant 0 : i32
    %dma_wait3A_215 = arith.constant 0 : i32
    %dma_wait3A_216 = arith.constant 0 : i32
    %dma_wait3A_217 = arith.constant 0 : i32
    %dma_wait3A_218 = tpu.memref_slice %arg9[%dma_wait3A_214, %dma_wait3A_215, %dma_wait3A_216, %dma_wait3A_217] : memref<8x2x8x129xf32, #tpu.memory_space<vmem>> -> memref<8x2x8x128xf32, #tpu.memory_space<vmem>>
    tpu.wait_dma2 semaphore(%arg13 : memref<!tpu.dma_semaphore, #tpu.memory_space<semaphore_mem>>) src(%dma_wait3A_218 : memref<8x2x8x128xf32, #tpu.memory_space<vmem>>) dst(%dma_wait3A_213 : memref<8x2x8x128xf32, #tpu.memory_space<hbm>>)
    %multiple_of3A_219 = arith.constant 0 : i32
    %multiple_of3A_220 = tpu.assume_multiple %multiple_of3A_219, 8 : i32
    %dma_wait3A_221 = tpu.memref_slice %arg5[%multiple_of3A_220] : memref<25600xi32, #tpu.memory_space<vmem>> -> memref<256xi32, #tpu.memory_space<vmem>>
    %dma_wait3A_222 = arith.constant 0 : i32
    %dma_wait3A_223 = arith.constant 0 : i32
    %dma_wait3A_224 = tpu.memref_slice %arg2[%dma_wait3A_222, %dma_wait3A_223] : memref<1000000x64xf32, #tpu.memory_space<hbm>> -> memref<1000000x64xf32, #tpu.memory_space<hbm>>
    tpu.wait_indirect_dma semaphore(%arg11 : memref<!tpu.dma_semaphore, #tpu.memory_space<semaphore_mem>>) src(%dma_wait3A_224 : memref<1000000x64xf32, #tpu.memory_space<hbm>>) dst(%arg7 : memref<256x64xf32, #tpu.memory_space<vmem>>)
    return
  }
}

</mosaic_0001>

<sc_bundles>
// kernel: kernel.3.cloned.1.call-start
scs
__scs_entry_jumppad:
0x0: {  	(pc) =	sbr.rel $0x88, $3  }
0x1: {  	(tag) =	ssettag $0x0;
	lr =	simm.s32 $0x1  }
0x2: {  	[smem:$0x3F9F] =	sst lr;
	_ =	strace $0xD0000000  }
0x3: {  	_ = 	snop  }
0x4: {  	_ = 	snop  }
0x5: {  	_ = 	snop  }
0x6: {  	_ = 	snop  }
0x7: {  	_ = 	snop  }
__scs_overlays_trampoline_lowered:
0x8: {  	[smem:$0x3FAE] =	sst s0  }
0x9: {  	[smem:$0x3FAF] =	sst s1  }
0xa: {  	[smem:$0x3FB0] =	sst s2  }
0xb: {  	[smem:$0x3FB1] =	sst s3  }
0xc: {  	[smem:$0x3FB2] =	sst s4  }
0xd: {  	[smem:$0x3FB3] =	sst s5  }
0xe: {  	[smem:$0x3FB4] =	sst s6  }
0xf: {  	[smem:$0x3FB5] =	sst s7  }
0x10: {  	[smem:$0x3FB6] =	sst s8  }
0x11: {  	[smem:$0x3FB7] =	sst s9;
	s0 =	simm.s32 @!p0 $0x0  }
0x12: {  	s1 =	sld [smem:$0x3F9D];
	s0 =	simm.s32 @p0 $0x1  }
0x13: {  	[smem:$0x3FB8] =	sst s0;
	s0 =	simm.s32 @!p1 $0x0  }
0x14: {  	s2 =	sld [smem:$0x3F9C];
	s0 =	simm.s32 @p1 $0x1  }
0x15: {  	[smem:$0x3FB9] =	sst s0;
	s0 =	simm.s32 @!p2 $0x0  }
0x16: {  	s3 =	sld [smem:$0x3FDB];
	s0 =	simm.s32 @p2 $0x1  }
0x17: {  	s4 =	simm.s32 $0x1BF5;
	[smem:$0x3FBB] =	sst s0  }
0x18: {  	s0 =	sld [smem:$0x3F9E];
	_ =	swait.ge [sflag:s4], $0x0  }
0x19: {  	s7 =	sld [smem:$0x3F9F]  }
0x1a: {  	s8 =	sadd.s32 $0xFFFFE003, lr  }
0x1b: {  	s9 =	sadd.s32 $0xFFFFFEF7, lr;
	s5 =	simm.s32 $0xFFFFFFFF;
	p2 =	slt.u32 s8, $0xFFFFF086  }
0x1c: {  	p1 =	slt.u32 s9, $0xF7A;
	s5 =	simm.s32 @!p2 $0x0  }
0x1d: {  	s5 =	simm.s32 @p1 $0x1;
	p0 =	seq.s32 s7, s2  }
0x1e: {  	s7 =	smul.u32 @!p0 $0xF7A, s2;
	p2 =	seq.s32 @!p0 s5, $0x0  }
0x1f: {  	s9 =	smul.u32 $0xF7A, s1;
	s8 =	simm.s32 @!p0 $0x1BF5;
	p2 =	por !p2, p0  }
0x20: {  	[sflag:s8] =	ssyncset.s32 @!p0 $0xFFFFF086;
	s6 =	sadd.s32 @!p0 s3, s7;
	s7 =	simm.s32 @!p0 $0x108  }
0x21: {  	s3 =	sadd.s32 s3, s9;
	s6 =	sadd.s32 @!p0 $0x88, s6;
	s7 =	simm.s32 @p2 $0x1082  }
0x22: {  	[simem:s7], [sflag:s8] =	dma.local @!p0 [hbm:s6], $0xF7A  }
0x23: {  	s9 =	sor.u32 $0xD0000000, s2;
	s6 =	simm.s32 $0x108;
	_ =	swait.ge @!p0 [sflag:s8], $0x0  }
0x24: {  	s3 =	sadd.s32 $0x88, s3;
	s6 =	simm.s32 @!p1 $0x1082;
	[sflag:s4] =	ssyncset.s32 $0xFFFFF086  }
0x25: {  	[simem:s6], [sflag:s4] =	dma.local [hbm:s3], $0xF7A  }
0x26: {  	[smem:$0x3F9F] =	sst s1;
	(tag) =	ssettag s2;
	_ =	strace s9  }
0x27: {  	s1 =	sld [smem:$0x3FAF]  }
0x28: {  	s2 =	sld [smem:$0x3FB0]  }
0x29: {  	s4 =	sld [smem:$0x3FB2]  }
0x2a: {  	p0 =	seq.s32 s5, $0x0;
	s5 =	sld [smem:$0x3FB3]  }
0x2b: {  	s6 =	sld [smem:$0x3FB4]  }
0x2c: {  	s7 =	sld [smem:$0x3FB5]  }
0x2d: {  	s3 =	simm.s32 $0x108;
	s8 =	sld [smem:$0x3FB6]  }
0x2e: {  	s3 =	simm.s32 @!p0 $0x1082;
	s9 =	sld [smem:$0x3FB7]  }
0x2f: {  	lr =	sadd.s32 s0, s3;
	s0 =	sld [smem:$0x3FAE]  }
0x30: {  	s3 =	sld [smem:$0x3FB1]  }
0x31: {  	[smem:$0x3FBA] =	sst s10  }
0x32: {  	s10 =	sld [smem:$0x3FB8];
	_ =	sdelay $0x3  }
0x33: {  	p0 =	seq.s32 s10, $0x1;
	s10 =	sld [smem:$0x3FBA];
	_ =	sdelay $0x3  }
0x34: {  	[smem:$0x3FBA] =	sst s10  }
0x35: {  	s10 =	sld [smem:$0x3FB9];
	_ =	sdelay $0x3  }
0x36: {  	p1 =	seq.s32 s10, $0x1;
	s10 =	sld [smem:$0x3FBA];
	_ =	sdelay $0x3  }
0x37: {  	[smem:$0x3FBA] =	sst s10  }
0x38: {  	s10 =	sld [smem:$0x3FBB]  }
0x39: {  	_ = 	snop;
	(pc) =	sbr.ind lr, $3  }
0x3a: {  	_ = 	snop  }
0x3b: {  	_ = 	snop  }
0x3c: {  	p2 =	seq.s32 s10, $0x1;
	s10 =	sld [smem:$0x3FBA]  }
0x3d: {  	_ =	shalt  }
0x3e: {  	_ =	shalt  }
0x3f: {  	_ =	shalt  }
0x40: {  	_ =	shalt  }
0x41: {  	_ =	shalt  }
0x42: {  	_ =	shalt  }
0x43: {  	_ =	shalt  }
0x44: {  	_ =	shalt  }
0x45: {  	_ =	shalt  }
0x46: {  	_ =	shalt  }
0x47: {  	_ =	shalt  }
0x48: {  	_ =	shalt  }
0x49: {  	_ =	shalt  }
0x4a: {  	_ =	shalt  }
0x4b: {  	_ =	shalt  }
0x4c: {  	_ =	shalt  }
0x4d: {  	_ =	shalt  }
0x4e: {  	_ =	shalt  }
0x4f: {  	_ =	shalt  }
0x50: {  	_ =	shalt  }
0x51: {  	_ =	shalt  }
0x52: {  	_ =	shalt  }
0x53: {  	_ =	shalt  }
0x54: {  	_ =	shalt  }
0x55: {  	_ =	shalt  }
0x56: {  	_ =	shalt  }
0x57: {  	_ =	shalt  }
0x58: {  	_ =	shalt  }
0x59: {  	_ =	shalt  }
0x5a: {  	_ =	shalt  }
0x5b: {  	_ =	shalt  }
0x5c: {  	_ =	shalt  }
0x5d: {  	_ =	shalt  }
0x5e: {  	_ =	shalt  }
0x5f: {  	_ =	shalt  }
0x60: {  	_ =	shalt  }
0x61: {  	_ =	shalt  }
0x62: {  	_ =	shalt  }
0x63: {  	_ =	shalt  }
0x64: {  	_ =	shalt  }
0x65: {  	_ =	shalt  }
0x66: {  	_ =	shalt  }
0x67: {  	_ =	shalt  }
0x68: {  	_ =	shalt  }
0x69: {  	_ =	shalt  }
0x6a: {  	_ =	shalt  }
0x6b: {  	_ =	shalt  }
0x6c: {  	_ =	shalt  }
0x6d: {  	_ =	shalt  }
0x6e: {  	_ =	shalt  }
0x6f: {  	_ =	shalt  }
0x70: {  	_ =	shalt  }
0x71: {  	_ =	shalt  }
0x72: {  	_ =	shalt  }
0x73: {  	_ =	shalt  }
0x74: {  	_ =	shalt  }
0x75: {  	_ =	shalt  }
0x76: {  	_ =	shalt  }
0x77: {  	_ =	shalt  }
0x78: {  	_ =	shalt  }
0x79: {  	_ =	shalt  }
0x7a: {  	_ =	shalt  }
0x7b: {  	_ =	shalt  }
0x7c: {  	_ =	shalt  }
0x7d: {  	_ =	shalt  }
0x7e: {  	_ =	shalt  }
0x7f: {  	_ =	shalt  }
0x80: {  	_ =	shalt  }
0x81: {  	_ =	shalt  }
0x82: {  	_ =	shalt  }
0x83: {  	_ =	shalt  }
0x84: {  	_ =	shalt  }
0x85: {  	_ =	shalt  }
0x86: {  	_ =	shalt  }
0x87: {  	_ =	shalt  }
.Lfunc_end0:
.L_simem_size_0:
called_computation_lowered:
.L_overlay_start_0:
0x88: {  	s2 =	sld [smem:$0x3FD9]  }
0x89: {  	s3 =	sld [smem:$0x3FFE];
	_ =	sdelay $0x1  }
0x8a: {  	s1 =	srdreg.scid  }
0x8b: {  	s0 =	sand.u32 $0x1, s1  }
0x8c: {  	s17 =	sshll.u32 s0, $0xA;
	s2 =	sadd.s32 s3, s2  }
0x8d: {  	s2 =	sadd.s32 s2, s17  }
0x8e: {  	[smem:$0x3FC6] =	sst s2  }
0x8f: {  	_ = 	snop  }
0x90: {  	s2 =	sld [smem:$0x3FD0];
	(tm) =	ssettm $0x1  }
0x91: {  	s18 =	sld [smem:$0x3FFB];
	_ =	sdelay $0x3  }
0x92: {  	_ =	strace s18  }
0x93: {  	s3 =	sld [smem:$0x3FFC];
	_ =	sdelay $0x3  }
0x94: {  	_ =	strace s3  }
0x95: {  	s3 =	sld [smem:$0x3FFD];
	_ =	sdelay $0x3  }
0x96: {  	_ =	strace s3  }
0x97: {  	_ =	strace $0x8FFFFFFF  }
0x98: {  	s19 =	sld [smem:$0x3FDB];
	_ =	sdelay $0x1  }
0x99: {  	s4 =	simm.s32 $_scs_section_size  }
0x9a: {  	s5 =	simm.s32 $_size__tile_overlayer_lowered;
	s6 =	simm.s32 $_tile_overlayer_lowered  }
0x9b: {  	s22 =	simm.s32 $0x1BFF;
	s21 =	sshll.u32 s6, $0x1;
	s3 =	sadd.s32 s4, s19  }
0x9c: {  	s7 =	simm.s32 $0x0;
	s20 =	sshll.u32 s5, $0x1;
	s5 =	sadd.s32 s21, s3  }
0x9d: {  	[timem:s7], [sflag:s22] =	dma.local [hbm:s5], s20  }
0x9e: {  	_ =	swait.ge [sflag:s22], s20  }
0x9f: {  	s4 =	ssub.s32 $0x0, s20;
	[sflag:s22] =	ssyncset.done $0x0  }
0xa0: {  	[sflag:s22] =	ssyncadd.s32 s4;
	_ =	sdelay $0x1  }
0xa1: {  	s23 =	simm.s32 $0x1B8B  }
0xa2: {  	_ =	swait.ge [sflag:s23], $0x1  }
0xa3: {  	[sflag:s23] =	ssyncset.done $0x0  }
0xa4: {  	s25 =	simm.s32 $0x1B8E;
	s24 =	sld [smem:$0x3FFE];
	[sflag:s23] =	ssyncadd.s32 $0xFFFFFFFF  }
0xa5: {  	s26 =	simm.s32 $execute0_lowered;
	[smem:$0x3FD2] =	sst s25  }
0xa6: {  	s5 =	sshll.u32 s26, $0x1;
	_ =	strace $0x80000046;
	[dreg:$0x1] =	wrdreg $0xFFFFFFFF  }
0xa7: {  	s28 =	simm.s32 $_size_execute0_lowered;
	s3 =	sadd.s32 s3, s5;
	[dreg:$0x0] =	wrdreg $0x0  }
0xa8: {  	s5 =	sshll.u32 s28, $0x1;
	[dreg:$0x2] =	wrdreg s3  }
0xa9: {  	[dreg:$0x3] =	wrdreg s5  }
0xaa: {  	[dreg:$0x4] =	wrdreg $0xC0  }
0xab: {  	_ =	task [dreg:s7], $0x5FFFF  }
0xac: {  	[dreg:$0x1] =	wrdreg $0xFFFFFFFF  }
0xad: {  	[dreg:$0x0] =	wrdreg $0x60  }
0xae: {  	[dreg:$0x2] =	wrdreg s24  }
0xaf: {  	[dreg:$0x3] =	wrdreg s2  }
0xb0: {  	[dreg:$0x4] =	wrdreg $0x9  }
0xb1: {  	_ =	task.clear_ibuf [dreg:s7], $0x5FFFF;
	_ =	strace $0x90000046  }
0xb2: {  	s29 =	simm.s32 $0x9;
	_ =	strace $0x80000048  }
0xb3: {  	_ =	swait.ge [sflag:s29], $0x1  }
0xb4: {  	[sflag:s29] =	ssyncadd.s32 $0xFFFFFFFF  }
0xb5: {  	_ =	strace $0x90000048  }
0xb6: {  	_ =	sfence  }
0xb7: {  	s30 =	sld [smem:$0x0];
	_ =	sdelay $0x2  }
0xb8: {  	s31 =	sshll.u32 s1, $0xD;
	s1 =	sshrl.u32 s1, $0x2  }
0xb9: {  	s3 =	sand.u32 $0x4000, s31;
	s1 =	sadd.s32 s1, s30  }
0xba: {  	s0 =	sor.u32 s3, s0;
	s1 =	sshll.u32 s1, $0x11  }
0xbb: {  	s0 =	sor.u32 s1, s0  }
0xbc: {  	s0 =	sadd.s32 $0x8F2B, s0  }
0xbd: {  	[sflag:s0] =	ssyncadd.remote.s32 $0x1  }
0xbe: {  	_ =	sfence.sel $0xFFFF  }
0xbf: {  	[dreg:$0x0] =	wrdreg $0xFFFFFFFF;
	(pc) =	sbr.abs _section_cstart, $3  }
0xc0: {  	[dreg:$0x1] =	wrdreg $0xFFFFFFFF  }
0xc1: {  	_ =	task.clear_ibuf [dreg:s7], $0x2FFFF;
	_ =	strace $0x9FFFFFFF  }
0xc2: {  	(tm) =	ssettm $0x7FFFFFFF  }
0xc3: {  	_ =	shalt  }
tec
execute0_lowered:
.L_overlay_start_1:
0x0: {  	(tag) =	ssettag $0x1  }
0x1: {  	v0 =	vimm.s32 $0xC38;
	vm14 =	vcmask $0x300  }
0x2: {  	v1 =	vimm.s32 $0x1D38;
	vm13 =	vcmask $0x704;
	vm12 =	vcmask $0xB08  }
0x3: {  	vm11 =	vcmask $0xF0C;
	vm10 =	vcmask $0x1310;
	vm9 =	vcmask $0x1714  }
0x4: {  	vm8 =	vcmask $0x1B18;
	vm7 =	vcmask $0x1F1C;
	vm6 =	vcmask $0x2320  }
0x5: {  	vm5 =	vcmask $0x2724;
	vm4 =	vcmask $0x2B28;
	vm3 =	vcmask $0x2F2C  }
0x6: {  	vm2 =	vcmask $0x3330;
	vm1 =	vcmask $0x3734;
	vm0 =	vcmask $0x3B38  }
0x7: {  	v2 =	vimm.s32 $0x2E38;
	v3 =	vimm.s32 $0x3F38;
	v4 =	vimm.s32 $0x1078  }
0x8: {  	v5 =	vimm.s32 $0x2178;
	v6 =	vimm.s32 $0x3278;
	v7 =	vimm.s32 $0x4378  }
0x9: {  	v0 =	vsel vm14, $0x0, v0;
	v1 =	vsel vm14, $0x1100, v1;
	v2 =	vsel vm14, $0x2200, v2  }
0xa: {  	v3 =	vsel vm14, $0x3300, v3;
	v4 =	vsel vm14, $0x440, v4;
	v5 =	vsel vm14, $0x1540, v5  }
0xb: {  	v6 =	vsel vm14, $0x2640, v6;
	v7 =	vsel vm14, $0x3740, v7;
	v0 =	vsel vm13, $0x88, v0  }
0xc: {  	v1 =	vsel vm13, $0x1188, v1;
	v2 =	vsel vm13, $0x2288, v2;
	v3 =	vsel vm13, $0x3388, v3  }
0xd: {  	v4 =	vsel vm13, $0x4C8, v4;
	v5 =	vsel vm13, $0x15C8, v5;
	v6 =	vsel vm13, $0x26C8, v6  }
0xe: {  	v7 =	vsel vm13, $0x37C8, v7;
	v0 =	vsel vm12, $0x110, v0;
	v1 =	vsel vm12, $0x1210, v1  }
0xf: {  	v2 =	vsel vm12, $0x2310, v2;
	v3 =	vsel vm12, $0x3410, v3;
	v4 =	vsel vm12, $0x550, v4  }
0x10: {  	v5 =	vsel vm12, $0x1650, v5;
	v6 =	vsel vm12, $0x2750, v6;
	v7 =	vsel vm12, $0x3850, v7  }
0x11: {  	v0 =	vsel vm11, $0x198, v0;
	v1 =	vsel vm11, $0x1298, v1;
	v2 =	vsel vm11, $0x2398, v2  }
0x12: {  	v3 =	vsel vm11, $0x3498, v3;
	v4 =	vsel vm11, $0x5D8, v4;
	v5 =	vsel vm11, $0x16D8, v5  }
0x13: {  	v6 =	vsel vm11, $0x27D8, v6;
	v7 =	vsel vm11, $0x38D8, v7;
	v0 =	vsel vm10, $0x220, v0  }
0x14: {  	v1 =	vsel vm10, $0x1320, v1;
	v2 =	vsel vm10, $0x2420, v2;
	v3 =	vsel vm10, $0x3520, v3  }
0x15: {  	v4 =	vsel vm10, $0x660, v4;
	v5 =	vsel vm10, $0x1760, v5;
	v6 =	vsel vm10, $0x2860, v6  }
0x16: {  	v7 =	vsel vm10, $0x3960, v7;
	v0 =	vsel vm9, $0x2A8, v0;
	v1 =	vsel vm9, $0x13A8, v1  }
0x17: {  	v2 =	vsel vm9, $0x24A8, v2;
	v3 =	vsel vm9, $0x35A8, v3;
	v4 =	vsel vm9, $0x6E8, v4  }
0x18: {  	v5 =	vsel vm9, $0x17E8, v5;
	v6 =	vsel vm9, $0x28E8, v6;
	v7 =	vsel vm9, $0x39E8, v7  }
0x19: {  	v0 =	vsel vm8, $0x330, v0;
	v1 =	vsel vm8, $0x1430, v1;
	v2 =	vsel vm8, $0x2530, v2  }
0x1a: {  	v3 =	vsel vm8, $0x3630, v3;
	v4 =	vsel vm8, $0x770, v4;
	v5 =	vsel vm8, $0x1870, v5  }
0x1b: {  	v6 =	vsel vm8, $0x2970, v6;
	v7 =	vsel vm8, $0x3A70, v7;
	v0 =	vsel vm7, $0x3B8, v0  }
0x1c: {  	v1 =	vsel vm7, $0x14B8, v1;
	v2 =	vsel vm7, $0x25B8, v2;
	v3 =	vsel vm7, $0x36B8, v3  }
0x1d: {  	v4 =	vsel vm7, $0x7F8, v4;
	v5 =	vsel vm7, $0x18F8, v5;
	v6 =	vsel vm7, $0x29F8, v6  }
0x1e: {  	v7 =	vsel vm7, $0x3AF8, v7;
	v0 =	vsel vm6, $0x880, v0;
	v1 =	vsel vm6, $0x1980, v1  }
0x1f: {  	v2 =	vsel vm6, $0x2A80, v2;
	v3 =	vsel vm6, $0x3B80, v3;
	v4 =	vsel vm6, $0xCC0, v4  }
0x20: {  	v5 =	vsel vm6, $0x1DC0, v5;
	v6 =	vsel vm6, $0x2EC0, v6;
	v7 =	vsel vm6, $0x3FC0, v7  }
0x21: {  	v0 =	vsel vm5, $0x908, v0;
	v1 =	vsel vm5, $0x1A08, v1;
	v2 =	vsel vm5, $0x2B08, v2  }
0x22: {  	v3 =	vsel vm5, $0x3C08, v3;
	v4 =	vsel vm5, $0xD48, v4;
	v5 =	vsel vm5, $0x1E48, v5  }
0x23: {  	v6 =	vsel vm5, $0x2F48, v6;
	v7 =	vsel vm5, $0x4048, v7;
	v0 =	vsel vm4, $0x990, v0  }
0x24: {  	s1 =	srdreg.scid;
	s5 =	rddreg [dreg:$0x0];
	v1 =	vsel vm4, $0x1A90, v1;
	v2 =	vsel vm4, $0x2B90, v2;
	v3 =	vsel vm4, $0x3C90, v3  }
0x25: {  	s0 =	stileid.u32;
	s2 =	rddreg [dreg:$0x1];
	s3 =	simm.s32 $0x0;
	v4 =	vsel vm4, $0xDD0, v4;
	v5 =	vsel vm4, $0x1ED0, v5;
	v6 =	vsel vm4, $0x2FD0, v6  }
0x26: {  	s11 =	simm.s32 $0x100;
	s12 =	simm.s32 $0x6400;
	s13 =	simm.s32 $0xA400;
	v7 =	vsel vm4, $0x40D0, v7;
	v0 =	vsel vm3, $0xA18, v0;
	v1 =	vsel vm3, $0x1B18, v1  }
0x27: {  	s14 =	simm.s32 $0x1;
	s15 =	simm.s32 $0x3;
	s16 =	simm.s32 $0xE400;
	v2 =	vsel vm3, $0x2C18, v2;
	v3 =	vsel vm3, $0x3D18, v3;
	v4 =	vsel vm3, $0xE58, v4  }
0x28: {  	s17 =	simm.s32 $0x2;
	s4 =	sand.u32 $0x1, s1;
	s30 =	sshll.u32 s0, $0x1;
	v5 =	vsel vm3, $0x1F58, v5;
	v6 =	vsel vm3, $0x3058, v6;
	v7 =	vsel vm3, $0x4158, v7  }
0x29: {  	s18 =	simm.s32 $0x4;
	s19 =	simm.s32 $0x12800;
	s7 =	sor.u32 s4, s30;
	v0 =	vsel vm2, $0xAA0, v0;
	v1 =	vsel vm2, $0x1BA0, v1;
	v2 =	vsel vm2, $0x2CA0, v2  }
0x2a: {  	s20 =	simm.s32 $0x0;
	[smem:$0x7FF] =	sst s3;
	s6 =	smul.u32 $0x190000, s7;
	v3 =	vsel vm2, $0x3DA0, v3;
	v4 =	vsel vm2, $0xEE0, v4;
	v5 =	vsel vm2, $0x1FE0, v5  }
0x2b: {  	s1 =	rddreg [dreg:$0x2];
	_ =	strace $0x80000047;
	s8 =	sshll.u32 s7, $0xD;
	v6 =	vsel vm2, $0x30E0, v6;
	v7 =	vsel vm2, $0x41E0, v7;
	v0 =	vsel vm1, $0xB28, v0  }
0x2c: {  	s9 =	ssub.s32 $0x2, s4;
	s4 =	sadd.s32 $0xF42A00, s5;
	s6 =	sor.u32 s8, s6;
	v1 =	vsel vm1, $0x1C28, v1;
	v2 =	vsel vm1, $0x2D28, v2;
	v3 =	vsel vm1, $0x3E28, v3  }
0x2d: {  	s31 =	smul.u32 $0xC80, s7;
	s10 =	sshrl.u32 s9, $0x1;
	s6 =	sand.u32 $0x3FC6000, s6;
	v4 =	vsel vm1, $0xF68, v4;
	v5 =	vsel vm1, $0x2068, v5;
	v6 =	vsel vm1, $0x3168, v6  }
0x2e: {  	s7 =	smul.u32 $0x64, s7;
	s9 =	ssub.s32 s9, s10;
	s6 =	sshrl.u32 s6, $0x3;
	v7 =	vsel vm1, $0x4268, v7;
	v0 =	vsel vm0, $0xBB0, v0;
	v1 =	vsel vm0, $0x1CB0, v1  }
0x2f: {  	s10 =	simm.s32 $0x5;
	s8 =	sadd.s32 s31, s5;
	s5 =	sadd.s32 s2, s6;
	v2 =	vsel vm0, $0x2DB0, v2;
	v3 =	vsel vm0, $0x3EB0, v3;
	v4 =	vsel vm0, $0xFF0, v4  }
0x30: {  	s9 =	smax.u32 s9, $0x1;
	s6 =	sadd.s32 $0x600, s8;
	s8 =	sadd.s32 $0x100, s5;
	v5 =	vsel vm0, $0x20F0, v5;
	v6 =	vsel vm0, $0x31F0, v6;
	v7 =	vsel vm0, $0x42F0, v7  }
.LBB2_1:
0x31: {  	[tilespmem:s3], [sflag:$0x5] =	stream.linear.gather [hbm4b:s6+s3], $0x6400, $0x38;
	[tilespmem:$0x16C00] =	vst v63  }
0x32: {  	_ =	swait.ge [sflag:s10], $0x6400  }
0x33: {  	[sflag:s10] =	ssyncset.done $0x0  }
0x34: {  	[sflag:s10] =	ssyncadd.s32 $0xFFFF9C00  }
0x35: {  	[tilespmem:s12], [sflag:$0x1] =	stream.indirect.gather [hbm4b:s4+s11], $0x40, s3, s11, $0xb8;
	[tilespmem:$0x16C00] =	vst v63  }
0x36: {  	_ = 	snop  }
0x37: {  	[tilespmem:s13], [sflag:$0x2] =	stream.indirect.gather [hbm4b:s4+s11], $0x40, s11, s11, $0xb8;
	[tilespmem:$0x16C00] =	vst v63  }
0x38: {  	s21 =	simm.s32 $0xE400  }
0x39: {  	[hbm4b:s5+s3] =	stream.linear.scatter [tilespmem:s21], [sflag:$0x3], $0x80, $0x38;
	[tilespmem:$0x16C00] =	vst v63  }
0x3a: {  	s29 =	simm.s32 $0xE488;
	s22 =	sadd.s32 $0x10, s5  }
0x3b: {  	[hbm4b:s22+s3] =	stream.linear.scatter [tilespmem:s29], [sflag:$0x3], $0x80, $0x38;
	[tilespmem:$0x16C00] =	vst v63  }
0x3c: {  	s30 =	simm.s32 $0xE510;
	s31 =	sadd.s32 $0x20, s5  }
0x3d: {  	[hbm4b:s31+s3] =	stream.linear.scatter [tilespmem:s30], [sflag:$0x3], $0x80, $0x38;
	[tilespmem:$0x16C00] =	vst v63  }
0x3e: {  	s23 =	simm.s32 $0xE598;
	s24 =	sadd.s32 $0x30, s5  }
0x3f: {  	[hbm4b:s24+s3] =	stream.linear.scatter [tilespmem:s23], [sflag:$0x3], $0x80, $0x38;
	[tilespmem:$0x16C00] =	vst v63  }
0x40: {  	s25 =	simm.s32 $0xE620;
	s26 =	sadd.s32 $0x40, s5  }
0x41: {  	[hbm4b:s26+s3] =	stream.linear.scatter [tilespmem:s25], [sflag:$0x3], $0x80, $0x38;
	[tilespmem:$0x16C00] =	vst v63  }
0x42: {  	s28 =	simm.s32 $0xE6A8;
	s29 =	sadd.s32 $0x50, s5  }
0x43: {  	[hbm4b:s29+s3] =	stream.linear.scatter [tilespmem:s28], [sflag:$0x3], $0x80, $0x38;
	[tilespmem:$0x16C00] =	vst v63  }
0x44: {  	s30 =	simm.s32 $0xE730;
	s31 =	sadd.s32 $0x60, s5  }
0x45: {  	[hbm4b:s31+s3] =	stream.linear.scatter [tilespmem:s30], [sflag:$0x3], $0x80, $0x38;
	[tilespmem:$0x16C00] =	vst v63  }
0x46: {  	s23 =	simm.s32 $0xE7B8;
	s24 =	sadd.s32 $0x70, s5  }
0x47: {  	[hbm4b:s24+s3] =	stream.linear.scatter [tilespmem:s23], [sflag:$0x3], $0x80, $0x38;
	[tilespmem:$0x16C00] =	vst v63  }
0x48: {  	s25 =	simm.s32 $0xE840;
	s26 =	sadd.s32 $0x80, s5  }
0x49: {  	[hbm4b:s26+s3] =	stream.linear.scatter [tilespmem:s25], [sflag:$0x3], $0x80, $0x38;
	[tilespmem:$0x16C00] =	vst v63  }
0x4a: {  	s28 =	simm.s32 $0xE8C8;
	s29 =	sadd.s32 $0x90, s5  }
0x4b: {  	[hbm4b:s29+s3] =	stream.linear.scatter [tilespmem:s28], [sflag:$0x3], $0x80, $0x38;
	[tilespmem:$0x16C00] =	vst v63  }
0x4c: {  	s21 =	simm.s32 $0x880;
	s30 =	simm.s32 $0xE950;
	s31 =	sadd.s32 $0xA0, s5  }
0x4d: {  	[hbm4b:s31+s3] =	stream.linear.scatter [tilespmem:s30], [sflag:$0x3], $0x80, $0x38;
	[tilespmem:$0x16C00] =	vst v63  }
0x4e: {  	s22 =	sadd.s32 $0x1000, s5;
	s23 =	simm.s32 $0xE9D8;
	s24 =	sadd.s32 $0xB0, s5  }
0x4f: {  	[hbm4b:s24+s3] =	stream.linear.scatter [tilespmem:s23], [sflag:$0x3], $0x80, $0x38;
	[tilespmem:$0x16C00] =	vst v63  }
0x50: {  	s25 =	simm.s32 $0xEA60;
	s26 =	sadd.s32 $0xC0, s5;
	s28 =	simm.s32 $0xEAE8  }
0x51: {  	[hbm4b:s26+s3] =	stream.linear.scatter [tilespmem:s25], [sflag:$0x3], $0x80, $0x38;
	[tilespmem:$0x16C00] =	vst v63  }
0x52: {  	s29 =	sadd.s32 $0xD0, s5;
	s30 =	simm.s32 $0xEB70;
	s31 =	sadd.s32 $0xE0, s5  }
0x53: {  	[hbm4b:s29+s3] =	stream.linear.scatter [tilespmem:s28], [sflag:$0x3], $0x80, $0x38;
	[tilespmem:$0x16C00] =	vst v63  }
0x54: {  	s23 =	simm.s32 $0xEBF8;
	s25 =	simm.s32 $0x4400;
	s26 =	sadd.s32 $0xF0, s5  }
0x55: {  	[hbm4b:s31+s3] =	stream.linear.scatter [tilespmem:s30], [sflag:$0x3], $0x80, $0x38;
	[tilespmem:$0x16C00] =	vst v63  }
.LBB2_2:
0x56: {  	[hbm4b:s26+s3] =	stream.linear.scatter [tilespmem:s23], [sflag:$0x3], $0x80, $0x38;
	[tilespmem:$0x16C00] =	vst v63  }
0x57: {  	s23 =	smov.u32 s21;
	s21 =	smov.u32 s25  }
0x58: {  	s24 =	sadd.s32 $0x2200, s25;
	s21 =	sshra.s32 s21, $0x2;
	s26 =	sadd.s32 $0xE400, s23  }
0x59: {  	[hbm4b:s22+s3] =	stream.linear.scatter [tilespmem:s26], [sflag:$0x3], $0x80, $0x38;
	[tilespmem:$0x16C00] =	vst v63  }
0x5a: {  	p0 =	sne.s32 s25, $0xEE00;
	s25 =	sadd.s32 $0xE488, s23;
	s26 =	sadd.s32 $0x10, s22  }
0x5b: {  	[hbm4b:s26+s3] =	stream.linear.scatter [tilespmem:s25], [sflag:$0x3], $0x80, $0x38;
	[tilespmem:$0x16C00] =	vst v63  }
0x5c: {  	s25 =	sadd.s32 $0xE510, s23;
	s26 =	sadd.s32 $0x20, s22  }
0x5d: {  	[hbm4b:s26+s3] =	stream.linear.scatter [tilespmem:s25], [sflag:$0x3], $0x80, $0x38;
	[tilespmem:$0x16C00] =	vst v63  }
0x5e: {  	s25 =	sadd.s32 $0xE598, s23;
	s26 =	sadd.s32 $0x30, s22  }
0x5f: {  	[hbm4b:s26+s3] =	stream.linear.scatter [tilespmem:s25], [sflag:$0x3], $0x80, $0x38;
	[tilespmem:$0x16C00] =	vst v63  }
0x60: {  	s25 =	sadd.s32 $0xE620, s23;
	s26 =	sadd.s32 $0x40, s22  }
0x61: {  	[hbm4b:s26+s3] =	stream.linear.scatter [tilespmem:s25], [sflag:$0x3], $0x80, $0x38;
	[tilespmem:$0x16C00] =	vst v63  }
0x62: {  	s25 =	sadd.s32 $0xE6A8, s23;
	s26 =	sadd.s32 $0x50, s22  }
0x63: {  	[hbm4b:s26+s3] =	stream.linear.scatter [tilespmem:s25], [sflag:$0x3], $0x80, $0x38;
	[tilespmem:$0x16C00] =	vst v63  }
0x64: {  	s25 =	sadd.s32 $0xE730, s23;
	s26 =	sadd.s32 $0x60, s22  }
0x65: {  	[hbm4b:s26+s3] =	stream.linear.scatter [tilespmem:s25], [sflag:$0x3], $0x80, $0x38;
	[tilespmem:$0x16C00] =	vst v63  }
0x66: {  	s25 =	sadd.s32 $0xE7B8, s23;
	s26 =	sadd.s32 $0x70, s22  }
0x67: {  	[hbm4b:s26+s3] =	stream.linear.scatter [tilespmem:s25], [sflag:$0x3], $0x80, $0x38;
	[tilespmem:$0x16C00] =	vst v63  }
0x68: {  	s25 =	sadd.s32 $0xE840, s23;
	s26 =	sadd.s32 $0x80, s22  }
0x69: {  	[hbm4b:s26+s3] =	stream.linear.scatter [tilespmem:s25], [sflag:$0x3], $0x80, $0x38;
	[tilespmem:$0x16C00] =	vst v63  }
0x6a: {  	s25 =	sadd.s32 $0xE8C8, s23;
	s26 =	sadd.s32 $0x90, s22  }
0x6b: {  	[hbm4b:s26+s3] =	stream.linear.scatter [tilespmem:s25], [sflag:$0x3], $0x80, $0x38;
	[tilespmem:$0x16C00] =	vst v63  }
0x6c: {  	s25 =	sadd.s32 $0xE950, s23;
	s26 =	sadd.s32 $0xA0, s22  }
0x6d: {  	[hbm4b:s26+s3] =	stream.linear.scatter [tilespmem:s25], [sflag:$0x3], $0x80, $0x38;
	[tilespmem:$0x16C00] =	vst v63  }
0x6e: {  	s25 =	sadd.s32 $0xE9D8, s23;
	s26 =	sadd.s32 $0xB0, s22  }
0x6f: {  	[hbm4b:s26+s3] =	stream.linear.scatter [tilespmem:s25], [sflag:$0x3], $0x80, $0x38;
	[tilespmem:$0x16C00] =	vst v63  }
0x70: {  	s25 =	sadd.s32 $0xEA60, s23;
	s26 =	sadd.s32 $0xC0, s22  }
0x71: {  	[hbm4b:s26+s3] =	stream.linear.scatter [tilespmem:s25], [sflag:$0x3], $0x80, $0x38;
	[tilespmem:$0x16C00] =	vst v63  }
.Ltmp0:
0x72: {  	s25 =	sadd.s32 $0xEAE8, s23;
	s26 =	sadd.s32 $0xD0, s22;
	(pc) =	sbr.rel @p0 .LBB2_2-.Ltmp0, $4  }
0x73: {  	[hbm4b:s26+s3] =	stream.linear.scatter [tilespmem:s25], [sflag:$0x3], $0x80, $0x38;
	[tilespmem:$0x16C00] =	vst v63  }
0x74: {  	s25 =	sadd.s32 $0xEB70, s23;
	s26 =	sadd.s32 $0xE0, s22;
	s23 =	sadd.s32 $0xEBF8, s23  }
0x75: {  	[hbm4b:s26+s3] =	stream.linear.scatter [tilespmem:s25], [sflag:$0x3], $0x80, $0x38;
	[tilespmem:$0x16C00] =	vst v63  }
0x76: {  	s26 =	sadd.s32 $0xF0, s22;
	s22 =	sadd.s32 $0x1000, s22;
	s25 =	smov.u32 s24  }
0x77: {  	[hbm4b:s26+s3] =	stream.linear.scatter [tilespmem:s23], [sflag:$0x3], $0x80, $0x38;
	[tilespmem:$0x16C00] =	vst v63  }
0x78: {  	s26 =	sadd.s32 $0xE400, s21  }
0x79: {  	[hbm4b:s22+s3] =	stream.linear.scatter [tilespmem:s26], [sflag:$0x3], $0x80, $0x38;
	[tilespmem:$0x16C00] =	vst v63  }
0x7a: {  	s29 =	sadd.s32 $0xE488, s21;
	s24 =	sadd.s32 $0x10, s22  }
0x7b: {  	[hbm4b:s24+s3] =	stream.linear.scatter [tilespmem:s29], [sflag:$0x3], $0x80, $0x38;
	[tilespmem:$0x16C00] =	vst v63  }
0x7c: {  	s30 =	sadd.s32 $0xE510, s21;
	s31 =	sadd.s32 $0x20, s22  }
0x7d: {  	[hbm4b:s31+s3] =	stream.linear.scatter [tilespmem:s30], [sflag:$0x3], $0x80, $0x38;
	[tilespmem:$0x16C00] =	vst v63  }
0x7e: {  	s25 =	sadd.s32 $0x30, s22;
	s24 =	sadd.s32 $0xE598, s21  }
0x7f: {  	[hbm4b:s25+s3] =	stream.linear.scatter [tilespmem:s24], [sflag:$0x3], $0x80, $0x38;
	[tilespmem:$0x16C00] =	vst v63  }
0x80: {  	s26 =	sadd.s32 $0xE620, s21;
	s29 =	sadd.s32 $0x40, s22  }
0x81: {  	[hbm4b:s29+s3] =	stream.linear.scatter [tilespmem:s26], [sflag:$0x3], $0x80, $0x38;
	[tilespmem:$0x16C00] =	vst v63  }
0x82: {  	s30 =	sadd.s32 $0xE6A8, s21;
	s31 =	sadd.s32 $0x50, s22  }
0x83: {  	[hbm4b:s31+s3] =	stream.linear.scatter [tilespmem:s30], [sflag:$0x3], $0x80, $0x38;
	[tilespmem:$0x16C00] =	vst v63  }
0x84: {  	s24 =	sadd.s32 $0xE730, s21;
	s25 =	sadd.s32 $0x60, s22  }
0x85: {  	[hbm4b:s25+s3] =	stream.linear.scatter [tilespmem:s24], [sflag:$0x3], $0x80, $0x38;
	[tilespmem:$0x16C00] =	vst v63  }
0x86: {  	s26 =	sadd.s32 $0xE7B8, s21;
	s29 =	sadd.s32 $0x70, s22  }
0x87: {  	[hbm4b:s29+s3] =	stream.linear.scatter [tilespmem:s26], [sflag:$0x3], $0x80, $0x38;
	[tilespmem:$0x16C00] =	vst v63  }
0x88: {  	s30 =	sadd.s32 $0xE840, s21;
	s31 =	sadd.s32 $0x80, s22  }
0x89: {  	[hbm4b:s31+s3] =	stream.linear.scatter [tilespmem:s30], [sflag:$0x3], $0x80, $0x38;
	[tilespmem:$0x16C00] =	vst v63  }
0x8a: {  	s24 =	sadd.s32 $0xE8C8, s21;
	s25 =	sadd.s32 $0x90, s22  }
0x8b: {  	[hbm4b:s25+s3] =	stream.linear.scatter [tilespmem:s24], [sflag:$0x3], $0x80, $0x38;
	[tilespmem:$0x16C00] =	vst v63  }
0x8c: {  	s26 =	sadd.s32 $0xE950, s21;
	s29 =	sadd.s32 $0xA0, s22  }
0x8d: {  	[hbm4b:s29+s3] =	stream.linear.scatter [tilespmem:s26], [sflag:$0x3], $0x80, $0x38;
	[tilespmem:$0x16C00] =	vst v63  }
0x8e: {  	s30 =	sadd.s32 $0xE9D8, s21;
	s31 =	sadd.s32 $0xB0, s22  }
0x8f: {  	[hbm4b:s31+s3] =	stream.linear.scatter [tilespmem:s30], [sflag:$0x3], $0x80, $0x38;
	[tilespmem:$0x16C00] =	vst v63  }
0x90: {  	s24 =	sadd.s32 $0xEA60, s21;
	s25 =	sadd.s32 $0xC0, s22  }
0x91: {  	[hbm4b:s25+s3] =	stream.linear.scatter [tilespmem:s24], [sflag:$0x3], $0x80, $0x38;
	[tilespmem:$0x16C00] =	vst v63  }
0x92: {  	s26 =	sadd.s32 $0xEAE8, s21;
	s29 =	sadd.s32 $0xD0, s22  }
0x93: {  	[hbm4b:s29+s3] =	stream.linear.scatter [tilespmem:s26], [sflag:$0x3], $0x80, $0x38;
	[tilespmem:$0x16C00] =	vst v63  }
0x94: {  	s30 =	sadd.s32 $0xEB70, s21;
	s31 =	sadd.s32 $0xE0, s22  }
0x95: {  	[hbm4b:s31+s3] =	stream.linear.scatter [tilespmem:s30], [sflag:$0x3], $0x80, $0x38;
	[tilespmem:$0x16C00] =	vst v63  }
0x96: {  	s23 =	sadd.s32 $0xEBF8, s21;
	s24 =	sadd.s32 $0xF0, s22  }
0x97: {  	[hbm4b:s24+s3] =	stream.linear.scatter [tilespmem:s23], [sflag:$0x3], $0x80, $0x38;
	[tilespmem:$0x16C00] =	vst v63  }
0x98: {  	s21 =	simm.s32 $0x0;
	s25 =	simm.s32 $0x12800  }
0x99: {  	[hbm4b:s8+s21] =	stream.linear.scatter [tilespmem:s25], [sflag:$0x4], $0x80, $0x38;
	[tilespmem:$0x16C00] =	vst v63  }
0x9a: {  	s26 =	simm.s32 $0x12888;
	s29 =	sadd.s32 $0x10, s8  }
0x9b: {  	[hbm4b:s29+s21] =	stream.linear.scatter [tilespmem:s26], [sflag:$0x4], $0x80, $0x38;
	[tilespmem:$0x16C00] =	vst v63  }
0x9c: {  	s30 =	simm.s32 $0x12910;
	s31 =	sadd.s32 $0x20, s8  }
0x9d: {  	[hbm4b:s31+s21] =	stream.linear.scatter [tilespmem:s30], [sflag:$0x4], $0x80, $0x38;
	[tilespmem:$0x16C00] =	vst v63  }
0x9e: {  	s24 =	simm.s32 $0x12998;
	s25 =	sadd.s32 $0x30, s8  }
0x9f: {  	[hbm4b:s25+s21] =	stream.linear.scatter [tilespmem:s24], [sflag:$0x4], $0x80, $0x38;
	[tilespmem:$0x16C00] =	vst v63  }
0xa0: {  	s26 =	simm.s32 $0x12A20;
	s29 =	sadd.s32 $0x40, s8  }
0xa1: {  	[hbm4b:s29+s21] =	stream.linear.scatter [tilespmem:s26], [sflag:$0x4], $0x80, $0x38;
	[tilespmem:$0x16C00] =	vst v63  }
0xa2: {  	s30 =	simm.s32 $0x12AA8;
	s31 =	sadd.s32 $0x50, s8  }
0xa3: {  	[hbm4b:s31+s21] =	stream.linear.scatter [tilespmem:s30], [sflag:$0x4], $0x80, $0x38;
	[tilespmem:$0x16C00] =	vst v63  }
0xa4: {  	s24 =	simm.s32 $0x12B30;
	s25 =	sadd.s32 $0x60, s8  }
0xa5: {  	[hbm4b:s25+s21] =	stream.linear.scatter [tilespmem:s24], [sflag:$0x4], $0x80, $0x38;
	[tilespmem:$0x16C00] =	vst v63  }
0xa6: {  	s26 =	simm.s32 $0x12BB8;
	s29 =	sadd.s32 $0x70, s8  }
0xa7: {  	[hbm4b:s29+s21] =	stream.linear.scatter [tilespmem:s26], [sflag:$0x4], $0x80, $0x38;
	[tilespmem:$0x16C00] =	vst v63  }
0xa8: {  	s30 =	simm.s32 $0x12C40;
	s31 =	sadd.s32 $0x80, s8  }
0xa9: {  	[hbm4b:s31+s21] =	stream.linear.scatter [tilespmem:s30], [sflag:$0x4], $0x80, $0x38;
	[tilespmem:$0x16C00] =	vst v63  }
0xaa: {  	s24 =	simm.s32 $0x12CC8;
	s25 =	sadd.s32 $0x90, s8  }
0xab: {  	[hbm4b:s25+s21] =	stream.linear.scatter [tilespmem:s24], [sflag:$0x4], $0x80, $0x38;
	[tilespmem:$0x16C00] =	vst v63  }
0xac: {  	s28 =	sadd.s32 $0xF0, s8;
	s26 =	simm.s32 $0x12D50;
	s29 =	sadd.s32 $0xA0, s8  }
0xad: {  	[hbm4b:s29+s21] =	stream.linear.scatter [tilespmem:s26], [sflag:$0x4], $0x80, $0x38;
	[tilespmem:$0x16C00] =	vst v63  }
0xae: {  	s22 =	simm.s32 $0x880;
	s30 =	simm.s32 $0x12DD8;
	s31 =	sadd.s32 $0xB0, s8  }
0xaf: {  	[hbm4b:s31+s21] =	stream.linear.scatter [tilespmem:s30], [sflag:$0x4], $0x80, $0x38;
	[tilespmem:$0x16C00] =	vst v63  }
0xb0: {  	s23 =	sadd.s32 $0x1000, s8;
	s24 =	simm.s32 $0x12E60;
	s25 =	sadd.s32 $0xC0, s8  }
0xb1: {  	[hbm4b:s25+s21] =	stream.linear.scatter [tilespmem:s24], [sflag:$0x4], $0x80, $0x38;
	[tilespmem:$0x16C00] =	vst v63  }
0xb2: {  	s26 =	simm.s32 $0x12EE8;
	s29 =	sadd.s32 $0xD0, s8;
	s30 =	simm.s32 $0x12F70  }
0xb3: {  	[hbm4b:s29+s21] =	stream.linear.scatter [tilespmem:s26], [sflag:$0x4], $0x80, $0x38;
	[tilespmem:$0x16C00] =	vst v63  }
0xb4: {  	s31 =	sadd.s32 $0xE0, s8;
	s24 =	simm.s32 $0x12FF8;
	s26 =	simm.s32 $0x4400  }
0xb5: {  	[hbm4b:s31+s21] =	stream.linear.scatter [tilespmem:s30], [sflag:$0x4], $0x80, $0x38;
	[tilespmem:$0x16C00] =	vst v63  }
.LBB2_4:
0xb6: {  	[hbm4b:s28+s21] =	stream.linear.scatter [tilespmem:s24], [sflag:$0x4], $0x80, $0x38;
	[tilespmem:$0x16C00] =	vst v63  }
0xb7: {  	s24 =	smov.u32 s22;
	s22 =	smov.u32 s26  }
0xb8: {  	s25 =	sadd.s32 $0x2200, s26;
	s22 =	sshra.s32 s22, $0x2;
	s28 =	sadd.s32 $0x12800, s24  }
0xb9: {  	[hbm4b:s23+s21] =	stream.linear.scatter [tilespmem:s28], [sflag:$0x4], $0x80, $0x38;
	[tilespmem:$0x16C00] =	vst v63  }
0xba: {  	p0 =	sne.s32 s26, $0xEE00;
	s26 =	sadd.s32 $0x12888, s24;
	s28 =	sadd.s32 $0x10, s23  }
0xbb: {  	[hbm4b:s28+s21] =	stream.linear.scatter [tilespmem:s26], [sflag:$0x4], $0x80, $0x38;
	[tilespmem:$0x16C00] =	vst v63  }
0xbc: {  	s26 =	sadd.s32 $0x12910, s24;
	s28 =	sadd.s32 $0x20, s23  }
0xbd: {  	[hbm4b:s28+s21] =	stream.linear.scatter [tilespmem:s26], [sflag:$0x4], $0x80, $0x38;
	[tilespmem:$0x16C00] =	vst v63  }
0xbe: {  	s26 =	sadd.s32 $0x12998, s24;
	s28 =	sadd.s32 $0x30, s23  }
0xbf: {  	[hbm4b:s28+s21] =	stream.linear.scatter [tilespmem:s26], [sflag:$0x4], $0x80, $0x38;
	[tilespmem:$0x16C00] =	vst v63  }
0xc0: {  	s26 =	sadd.s32 $0x12A20, s24;
	s28 =	sadd.s32 $0x40, s23  }
0xc1: {  	[hbm4b:s28+s21] =	stream.linear.scatter [tilespmem:s26], [sflag:$0x4], $0x80, $0x38;
	[tilespmem:$0x16C00] =	vst v63  }
0xc2: {  	s26 =	sadd.s32 $0x12AA8, s24;
	s28 =	sadd.s32 $0x50, s23  }
0xc3: {  	[hbm4b:s28+s21] =	stream.linear.scatter [tilespmem:s26], [sflag:$0x4], $0x80, $0x38;
	[tilespmem:$0x16C00] =	vst v63  }
0xc4: {  	s26 =	sadd.s32 $0x12B30, s24;
	s28 =	sadd.s32 $0x60, s23  }
0xc5: {  	[hbm4b:s28+s21] =	stream.linear.scatter [tilespmem:s26], [sflag:$0x4], $0x80, $0x38;
	[tilespmem:$0x16C00] =	vst v63  }
0xc6: {  	s26 =	sadd.s32 $0x12BB8, s24;
	s28 =	sadd.s32 $0x70, s23  }
0xc7: {  	[hbm4b:s28+s21] =	stream.linear.scatter [tilespmem:s26], [sflag:$0x4], $0x80, $0x38;
	[tilespmem:$0x16C00] =	vst v63  }
0xc8: {  	s26 =	sadd.s32 $0x12C40, s24;
	s28 =	sadd.s32 $0x80, s23  }
0xc9: {  	[hbm4b:s28+s21] =	stream.linear.scatter [tilespmem:s26], [sflag:$0x4], $0x80, $0x38;
	[tilespmem:$0x16C00] =	vst v63  }
0xca: {  	s26 =	sadd.s32 $0x12CC8, s24;
	s28 =	sadd.s32 $0x90, s23  }
0xcb: {  	[hbm4b:s28+s21] =	stream.linear.scatter [tilespmem:s26], [sflag:$0x4], $0x80, $0x38;
	[tilespmem:$0x16C00] =	vst v63  }
0xcc: {  	s26 =	sadd.s32 $0x12D50, s24;
	s28 =	sadd.s32 $0xA0, s23  }
0xcd: {  	[hbm4b:s28+s21] =	stream.linear.scatter [tilespmem:s26], [sflag:$0x4], $0x80, $0x38;
	[tilespmem:$0x16C00] =	vst v63  }
0xce: {  	s26 =	sadd.s32 $0x12DD8, s24;
	s28 =	sadd.s32 $0xB0, s23  }
0xcf: {  	[hbm4b:s28+s21] =	stream.linear.scatter [tilespmem:s26], [sflag:$0x4], $0x80, $0x38;
	[tilespmem:$0x16C00] =	vst v63  }
0xd0: {  	s26 =	sadd.s32 $0x12E60, s24;
	s28 =	sadd.s32 $0xC0, s23  }
0xd1: {  	[hbm4b:s28+s21] =	stream.linear.scatter [tilespmem:s26], [sflag:$0x4], $0x80, $0x38;
	[tilespmem:$0x16C00] =	vst v63  }
.Ltmp1:
0xd2: {  	s26 =	sadd.s32 $0x12EE8, s24;
	s28 =	sadd.s32 $0xD0, s23;
	(pc) =	sbr.rel @p0 .LBB2_4-.Ltmp1, $4  }
0xd3: {  	[hbm4b:s28+s21] =	stream.linear.scatter [tilespmem:s26], [sflag:$0x4], $0x80, $0x38;
	[tilespmem:$0x16C00] =	vst v63  }
0xd4: {  	s26 =	sadd.s32 $0x12F70, s24;
	s28 =	sadd.s32 $0xE0, s23;
	s24 =	sadd.s32 $0x12FF8, s24  }
0xd5: {  	[hbm4b:s28+s21] =	stream.linear.scatter [tilespmem:s26], [sflag:$0x4], $0x80, $0x38;
	[tilespmem:$0x16C00] =	vst v63  }
0xd6: {  	s28 =	sadd.s32 $0xF0, s23;
	s23 =	sadd.s32 $0x1000, s23;
	s26 =	smov.u32 s25  }
0xd7: {  	[hbm4b:s28+s21] =	stream.linear.scatter [tilespmem:s24], [sflag:$0x4], $0x80, $0x38;
	[tilespmem:$0x16C00] =	vst v63  }
0xd8: {  	s25 =	sadd.s32 $0x12800, s22  }
0xd9: {  	[hbm4b:s23+s21] =	stream.linear.scatter [tilespmem:s25], [sflag:$0x4], $0x80, $0x38;
	[tilespmem:$0x16C00] =	vst v63  }
0xda: {  	s26 =	sadd.s32 $0x12888, s22;
	s25 =	sadd.s32 $0x10, s23  }
0xdb: {  	[hbm4b:s25+s21] =	stream.linear.scatter [tilespmem:s26], [sflag:$0x4], $0x80, $0x38;
	[tilespmem:$0x16C00] =	vst v63  }
0xdc: {  	s28 =	sadd.s32 $0x12910, s22;
	s29 =	sadd.s32 $0x20, s23  }
0xdd: {  	[hbm4b:s29+s21] =	stream.linear.scatter [tilespmem:s28], [sflag:$0x4], $0x80, $0x38;
	[tilespmem:$0x16C00] =	vst v63  }
0xde: {  	s30 =	sadd.s32 $0x12998, s22;
	s31 =	sadd.s32 $0x30, s23  }
0xdf: {  	[hbm4b:s31+s21] =	stream.linear.scatter [tilespmem:s30], [sflag:$0x4], $0x80, $0x38;
	[tilespmem:$0x16C00] =	vst v63  }
0xe0: {  	s25 =	sadd.s32 $0x12A20, s22;
	s26 =	sadd.s32 $0x40, s23  }
0xe1: {  	[hbm4b:s26+s21] =	stream.linear.scatter [tilespmem:s25], [sflag:$0x4], $0x80, $0x38;
	[tilespmem:$0x16C00] =	vst v63  }
0xe2: {  	s28 =	sadd.s32 $0x12AA8, s22;
	s29 =	sadd.s32 $0x50, s23  }
0xe3: {  	[hbm4b:s29+s21] =	stream.linear.scatter [tilespmem:s28], [sflag:$0x4], $0x80, $0x38;
	[tilespmem:$0x16C00] =	vst v63  }
0xe4: {  	s30 =	sadd.s32 $0x12B30, s22;
	s31 =	sadd.s32 $0x60, s23  }
0xe5: {  	[hbm4b:s31+s21] =	stream.linear.scatter [tilespmem:s30], [sflag:$0x4], $0x80, $0x38;
	[tilespmem:$0x16C00] =	vst v63  }
0xe6: {  	s25 =	sadd.s32 $0x12BB8, s22;
	s26 =	sadd.s32 $0x70, s23  }
0xe7: {  	[hbm4b:s26+s21] =	stream.linear.scatter [tilespmem:s25], [sflag:$0x4], $0x80, $0x38;
	[tilespmem:$0x16C00] =	vst v63  }
0xe8: {  	s28 =	sadd.s32 $0x12C40, s22;
	s29 =	sadd.s32 $0x80, s23  }
0xe9: {  	[hbm4b:s29+s21] =	stream.linear.scatter [tilespmem:s28], [sflag:$0x4], $0x80, $0x38;
	[tilespmem:$0x16C00] =	vst v63  }
0xea: {  	s30 =	sadd.s32 $0x12CC8, s22;
	s31 =	sadd.s32 $0x90, s23  }
0xeb: {  	[hbm4b:s31+s21] =	stream.linear.scatter [tilespmem:s30], [sflag:$0x4], $0x80, $0x38;
	[tilespmem:$0x16C00] =	vst v63  }
0xec: {  	s25 =	sadd.s32 $0x12D50, s22;
	s26 =	sadd.s32 $0xA0, s23  }
0xed: {  	[hbm4b:s26+s21] =	stream.linear.scatter [tilespmem:s25], [sflag:$0x4], $0x80, $0x38;
	[tilespmem:$0x16C00] =	vst v63  }
0xee: {  	s28 =	sadd.s32 $0x12DD8, s22;
	s29 =	sadd.s32 $0xB0, s23  }
0xef: {  	[hbm4b:s29+s21] =	stream.linear.scatter [tilespmem:s28], [sflag:$0x4], $0x80, $0x38;
	[tilespmem:$0x16C00] =	vst v63  }
0xf0: {  	s30 =	sadd.s32 $0x12E60, s22;
	s31 =	sadd.s32 $0xC0, s23  }
0xf1: {  	[hbm4b:s31+s21] =	stream.linear.scatter [tilespmem:s30], [sflag:$0x4], $0x80, $0x38;
	[tilespmem:$0x16C00] =	vst v63  }
0xf2: {  	s25 =	sadd.s32 $0x12EE8, s22;
	s26 =	sadd.s32 $0xD0, s23  }
0xf3: {  	[hbm4b:s26+s21] =	stream.linear.scatter [tilespmem:s25], [sflag:$0x4], $0x80, $0x38;
	[tilespmem:$0x16C00] =	vst v63  }
0xf4: {  	s28 =	sadd.s32 $0x12F70, s22;
	s29 =	sadd.s32 $0xE0, s23  }
0xf5: {  	[hbm4b:s29+s21] =	stream.linear.scatter [tilespmem:s28], [sflag:$0x4], $0x80, $0x38;
	[tilespmem:$0x16C00] =	vst v63  }
0xf6: {  	s30 =	sadd.s32 $0x12FF8, s22;
	s31 =	sadd.s32 $0xF0, s23  }
0xf7: {  	[hbm4b:s31+s21] =	stream.linear.scatter [tilespmem:s30], [sflag:$0x4], $0x80, $0x38;
	[tilespmem:$0x16C00] =	vst v63  }
.LBB2_6:
0xf8: {  	_ =	swait.ge [sflag:s14], $0x4000  }
0xf9: {  	[sflag:s14] =	ssyncset.done $0x0  }
0xfa: {  	[sflag:s14] =	ssyncadd.s32 $0xFFFFC000  }
0xfb: {  	_ =	swait.ge [sflag:s15], $0x4000  }
0xfc: {  	[sflag:s15] =	ssyncset.done $0x0  }
0xfd: {  	v8 =	vimm.s32 $0x0;
	s23 =	simm.s32 $0x0;
	[sflag:s15] =	ssyncadd.s32 $0xFFFFC000  }
0xfe: {  	v9 =	vand.u32 $0xFFFFFFF8, v8;
	v11 =	vld [tilespmem:s23+$0x6400]  }
0xff: {  	v10 =	vand.u32 $0x4, v8;
	v14 =	vadd.s32 v0, v9  }
0x100: {  	v12 =	vor.u32 v10, v14;
	_ =	sdelay $0x2  }
0x101: {  	v11 =	vmul.f32 $8.000000000e+00, v11;
	_ =	sdelay $0x1  }
0x102: {  	[tilespmem:v12+s16+$0x0] =	vst.idx.msk $0xffff, v11  }
0x103: {  	v11 =	vld [tilespmem:s23+$0x6410]  }
0x104: {  	v15 =	vadd.s32 v1, v9  }
0x105: {  	v12 =	vor.u32 v10, v15;
	_ =	sdelay $0x2  }
0x106: {  	v11 =	vmul.f32 $8.000000000e+00, v11;
	_ =	sdelay $0x1  }
0x107: {  	[tilespmem:v12+s16+$0x0] =	vst.idx.msk $0xffff, v11  }
0x108: {  	v11 =	vld [tilespmem:s23+$0x6420]  }
0x109: {  	v16 =	vadd.s32 v2, v9  }
0x10a: {  	v12 =	vor.u32 v10, v16;
	_ =	sdelay $0x2  }
0x10b: {  	v11 =	vmul.f32 $8.000000000e+00, v11;
	_ =	sdelay $0x1  }
0x10c: {  	[tilespmem:v12+s16+$0x0] =	vst.idx.msk $0xffff, v11  }
0x10d: {  	v11 =	vld [tilespmem:s23+$0x6430]  }
0x10e: {  	v17 =	vadd.s32 v3, v9  }
0x10f: {  	v12 =	vor.u32 v10, v17;
	_ =	sdelay $0x2  }
0x110: {  	v11 =	vmul.f32 $8.000000000e+00, v11;
	_ =	sdelay $0x1  }
0x111: {  	[tilespmem:v12+s16+$0x0] =	vst.idx.msk $0xffff, v11  }
0x112: {  	v12 =	vld [tilespmem:s23+$0x6440]  }
0x113: {  	v11 =	vor.u32 $0x1, v10  }
0x114: {  	v13 =	vor.u32 v11, v14;
	_ =	sdelay $0x2  }
0x115: {  	v12 =	vmul.f32 $8.000000000e+00, v12;
	_ =	sdelay $0x1  }
0x116: {  	[tilespmem:v13+s16+$0x0] =	vst.idx.msk $0xffff, v12  }
0x117: {  	v12 =	vld [tilespmem:s23+$0x6450];
	_ =	sdelay $0x1  }
0x118: {  	v13 =	vor.u32 v11, v15;
	_ =	sdelay $0x2  }
0x119: {  	v12 =	vmul.f32 $8.000000000e+00, v12;
	_ =	sdelay $0x1  }
0x11a: {  	[tilespmem:v13+s16+$0x0] =	vst.idx.msk $0xffff, v12  }
0x11b: {  	v12 =	vld [tilespmem:s23+$0x6460];
	_ =	sdelay $0x1  }
0x11c: {  	v13 =	vor.u32 v11, v16;
	_ =	sdelay $0x2  }
0x11d: {  	v12 =	vmul.f32 $8.000000000e+00, v12;
	_ =	sdelay $0x1  }
0x11e: {  	[tilespmem:v13+s16+$0x0] =	vst.idx.msk $0xffff, v12  }
0x11f: {  	v12 =	vld [tilespmem:s23+$0x6470];
	_ =	sdelay $0x1  }
0x120: {  	v13 =	vor.u32 v11, v17;
	_ =	sdelay $0x2  }
0x121: {  	v12 =	vmul.f32 $8.000000000e+00, v12;
	_ =	sdelay $0x1  }
0x122: {  	[tilespmem:v13+s16+$0x0] =	vst.idx.msk $0xffff, v12  }
0x123: {  	v13 =	vld [tilespmem:s23+$0x6480]  }
0x124: {  	v12 =	vor.u32 $0x2, v10  }
0x125: {  	v18 =	vor.u32 v12, v14;
	_ =	sdelay $0x2  }
0x126: {  	v13 =	vmul.f32 $8.000000000e+00, v13;
	_ =	sdelay $0x1  }
0x127: {  	[tilespmem:v18+s16+$0x0] =	vst.idx.msk $0xffff, v13  }
0x128: {  	v13 =	vld [tilespmem:s23+$0x6490];
	_ =	sdelay $0x1  }
0x129: {  	v18 =	vor.u32 v12, v15;
	_ =	sdelay $0x2  }
0x12a: {  	v13 =	vmul.f32 $8.000000000e+00, v13;
	_ =	sdelay $0x1  }
0x12b: {  	[tilespmem:v18+s16+$0x0] =	vst.idx.msk $0xffff, v13  }
0x12c: {  	v13 =	vld [tilespmem:s23+$0x64A0];
	_ =	sdelay $0x1  }
0x12d: {  	v18 =	vor.u32 v12, v16;
	_ =	sdelay $0x2  }
0x12e: {  	v13 =	vmul.f32 $8.000000000e+00, v13;
	_ =	sdelay $0x1  }
0x12f: {  	[tilespmem:v18+s16+$0x0] =	vst.idx.msk $0xffff, v13  }
0x130: {  	v13 =	vld [tilespmem:s23+$0x64B0];
	_ =	sdelay $0x1  }
0x131: {  	v18 =	vor.u32 v12, v17;
	_ =	sdelay $0x2  }
0x132: {  	v13 =	vmul.f32 $8.000000000e+00, v13;
	_ =	sdelay $0x1  }
0x133: {  	[tilespmem:v18+s16+$0x0] =	vst.idx.msk $0xffff, v13  }
0x134: {  	v18 =	vld [tilespmem:s23+$0x64C0]  }
0x135: {  	v13 =	vor.u32 $0x3, v10  }
0x136: {  	v14 =	vor.u32 v13, v14;
	_ =	sdelay $0x2  }
0x137: {  	v18 =	vmul.f32 $8.000000000e+00, v18;
	_ =	sdelay $0x1  }
0x138: {  	[tilespmem:v14+s16+$0x0] =	vst.idx.msk $0xffff, v18  }
0x139: {  	v14 =	vld [tilespmem:s23+$0x64D0];
	_ =	sdelay $0x1  }
0x13a: {  	v15 =	vor.u32 v13, v15;
	_ =	sdelay $0x2  }
0x13b: {  	v14 =	vmul.f32 $8.000000000e+00, v14;
	_ =	sdelay $0x1  }
0x13c: {  	[tilespmem:v15+s16+$0x0] =	vst.idx.msk $0xffff, v14  }
0x13d: {  	v14 =	vld [tilespmem:s23+$0x64E0];
	_ =	sdelay $0x1  }
0x13e: {  	v15 =	vor.u32 v13, v16;
	_ =	sdelay $0x2  }
0x13f: {  	v14 =	vmul.f32 $8.000000000e+00, v14;
	_ =	sdelay $0x1  }
0x140: {  	[tilespmem:v15+s16+$0x0] =	vst.idx.msk $0xffff, v14  }
0x141: {  	v14 =	vld [tilespmem:s23+$0x64F0];
	_ =	sdelay $0x1  }
0x142: {  	v15 =	vor.u32 v13, v17;
	_ =	sdelay $0x2  }
0x143: {  	s22 =	simm.s32 $0x400;
	s24 =	simm.s32 $0x800;
	s25 =	simm.s32 $0x400;
	v16 =	vmul.f32 $8.000000000e+00, v14;
	v14 =	vimm.s32 $0x0  }
.LBB2_7:
0x144: {  	p0 =	sne.s32 s24, $0x7C00  }
0x145: {  	s26 =	sshra.s32 s25, $0x2;
	v14 =	vadd.s32 $0x4, v14;
	s25 =	smov.u32 s24;
	s24 =	sadd.s32 $0x400, s24;
	[tilespmem:v15+s16+$0x0] =	vst.idx.msk $0xffff, v16  }
0x146: {  	v19 =	vand.u32 $0xFFFFFFF8, v14;
	v17 =	vld [tilespmem:s26+$0x6400]  }
0x147: {  	v16 =	vand.u32 $0x4, v14;
	v15 =	vadd.s32 v0, v19  }
0x148: {  	v18 =	vor.u32 v16, v15;
	_ =	sdelay $0x2  }
0x149: {  	v17 =	vmul.f32 $8.000000000e+00, v17;
	_ =	sdelay $0x1  }
0x14a: {  	[tilespmem:v18+s16+$0x0] =	vst.idx.msk $0xffff, v17  }
0x14b: {  	v18 =	vld [tilespmem:s26+$0x6410]  }
0x14c: {  	v17 =	vadd.s32 v1, v19  }
0x14d: {  	v20 =	vor.u32 v16, v17;
	_ =	sdelay $0x2  }
0x14e: {  	v18 =	vmul.f32 $8.000000000e+00, v18;
	_ =	sdelay $0x1  }
0x14f: {  	[tilespmem:v20+s16+$0x0] =	vst.idx.msk $0xffff, v18  }
0x150: {  	v20 =	vld [tilespmem:s26+$0x6420]  }
0x151: {  	v18 =	vadd.s32 v2, v19  }
0x152: {  	v21 =	vor.u32 v16, v18;
	_ =	sdelay $0x2  }
0x153: {  	v20 =	vmul.f32 $8.000000000e+00, v20;
	_ =	sdelay $0x1  }
0x154: {  	[tilespmem:v21+s16+$0x0] =	vst.idx.msk $0xffff, v20  }
0x155: {  	v20 =	vld [tilespmem:s26+$0x6430]  }
0x156: {  	v19 =	vadd.s32 v3, v19  }
0x157: {  	v21 =	vor.u32 v16, v19;
	_ =	sdelay $0x2  }
0x158: {  	v20 =	vmul.f32 $8.000000000e+00, v20;
	_ =	sdelay $0x1  }
0x159: {  	[tilespmem:v21+s16+$0x0] =	vst.idx.msk $0xffff, v20  }
0x15a: {  	v20 =	vld [tilespmem:s26+$0x6440]  }
0x15b: {  	v21 =	vor.u32 $0x1, v16  }
0x15c: {  	v22 =	vor.u32 v21, v15;
	v23 =	vor.u32 v21, v19;
	_ =	sdelay $0x2  }
0x15d: {  	v20 =	vmul.f32 $8.000000000e+00, v20;
	_ =	sdelay $0x1  }
0x15e: {  	[tilespmem:v22+s16+$0x0] =	vst.idx.msk $0xffff, v20  }
0x15f: {  	v20 =	vld [tilespmem:s26+$0x6450];
	_ =	sdelay $0x1  }
0x160: {  	v22 =	vor.u32 v21, v17;
	_ =	sdelay $0x2  }
0x161: {  	v20 =	vmul.f32 $8.000000000e+00, v20;
	_ =	sdelay $0x1  }
0x162: {  	[tilespmem:v22+s16+$0x0] =	vst.idx.msk $0xffff, v20  }
0x163: {  	v20 =	vld [tilespmem:s26+$0x6460];
	_ =	sdelay $0x1  }
0x164: {  	v21 =	vor.u32 v21, v18;
	_ =	sdelay $0x2  }
0x165: {  	v20 =	vmul.f32 $8.000000000e+00, v20;
	_ =	sdelay $0x1  }
0x166: {  	[tilespmem:v21+s16+$0x0] =	vst.idx.msk $0xffff, v20  }
0x167: {  	v20 =	vld [tilespmem:s26+$0x6470];
	_ =	sdelay $0x4  }
0x168: {  	v20 =	vmul.f32 $8.000000000e+00, v20;
	_ =	sdelay $0x1  }
0x169: {  	[tilespmem:v23+s16+$0x0] =	vst.idx.msk $0xffff, v20  }
0x16a: {  	v20 =	vld [tilespmem:s26+$0x6480]  }
0x16b: {  	v21 =	vor.u32 $0x2, v16  }
0x16c: {  	v22 =	vor.u32 v21, v15;
	_ =	sdelay $0x2  }
0x16d: {  	v20 =	vmul.f32 $8.000000000e+00, v20;
	_ =	sdelay $0x1  }
0x16e: {  	[tilespmem:v22+s16+$0x0] =	vst.idx.msk $0xffff, v20  }
0x16f: {  	v20 =	vld [tilespmem:s26+$0x6490];
	_ =	sdelay $0x1  }
0x170: {  	v22 =	vor.u32 v21, v17;
	_ =	sdelay $0x2  }
0x171: {  	v20 =	vmul.f32 $8.000000000e+00, v20;
	_ =	sdelay $0x1  }
0x172: {  	[tilespmem:v22+s16+$0x0] =	vst.idx.msk $0xffff, v20  }
0x173: {  	v20 =	vld [tilespmem:s26+$0x64A0];
	_ =	sdelay $0x1  }
0x174: {  	v22 =	vor.u32 v21, v18;
	_ =	sdelay $0x2  }
0x175: {  	v20 =	vmul.f32 $8.000000000e+00, v20;
	_ =	sdelay $0x1  }
0x176: {  	[tilespmem:v22+s16+$0x0] =	vst.idx.msk $0xffff, v20  }
0x177: {  	v20 =	vld [tilespmem:s26+$0x64B0];
	_ =	sdelay $0x1  }
0x178: {  	v21 =	vor.u32 v21, v19;
	_ =	sdelay $0x2  }
0x179: {  	v20 =	vmul.f32 $8.000000000e+00, v20;
	_ =	sdelay $0x1  }
0x17a: {  	[tilespmem:v21+s16+$0x0] =	vst.idx.msk $0xffff, v20  }
0x17b: {  	v20 =	vld [tilespmem:s26+$0x64C0]  }
0x17c: {  	v16 =	vor.u32 $0x3, v16  }
0x17d: {  	v15 =	vor.u32 v16, v15;
	_ =	sdelay $0x2  }
0x17e: {  	v20 =	vmul.f32 $8.000000000e+00, v20;
	_ =	sdelay $0x1  }
0x17f: {  	[tilespmem:v15+s16+$0x0] =	vst.idx.msk $0xffff, v20  }
0x180: {  	v15 =	vld [tilespmem:s26+$0x64D0];
	_ =	sdelay $0x1  }
0x181: {  	v17 =	vor.u32 v16, v17;
	_ =	sdelay $0x2  }
0x182: {  	v15 =	vmul.f32 $8.000000000e+00, v15;
	_ =	sdelay $0x1  }
0x183: {  	[tilespmem:v17+s16+$0x0] =	vst.idx.msk $0xffff, v15  }
0x184: {  	v15 =	vld [tilespmem:s26+$0x64E0];
	_ =	sdelay $0x1  }
0x185: {  	v17 =	vor.u32 v16, v18;
	_ =	sdelay $0x2  }
0x186: {  	v15 =	vmul.f32 $8.000000000e+00, v15;
	_ =	sdelay $0x1  }
0x187: {  	[tilespmem:v17+s16+$0x0] =	vst.idx.msk $0xffff, v15  }
0x188: {  	v17 =	vld [tilespmem:s26+$0x64F0]  }
.Ltmp2:
0x189: {  	(pc) =	sbr.rel @p0 .LBB2_7-.Ltmp2, $2  }
0x18a: {  	v15 =	vor.u32 v16, v19;
	_ =	sdelay $0x2  }
0x18b: {  	v16 =	vmul.f32 $8.000000000e+00, v17  }
0x18c: {  	_ =	sdelay $0x3  }
0x18d: {  	s24 =	sshra.s32 s25, $0x2;
	v14 =	vadd.s32 $0x4, v14;
	[tilespmem:v15+s16+$0x0] =	vst.idx.msk $0xffff, v16  }
0x18e: {  	v42 =	vand.u32 $0xFFFFFFF8, v14;
	v15 =	vld [tilespmem:s24+$0x6400]  }
0x18f: {  	v14 =	vand.u32 $0x4, v14;
	v17 =	vadd.s32 v0, v42  }
0x190: {  	v18 =	vor.u32 v14, v17;
	_ =	sdelay $0x2  }
0x191: {  	v15 =	vmul.f32 $8.000000000e+00, v15;
	_ =	sdelay $0x1  }
0x192: {  	[tilespmem:v18+s16+$0x0] =	vst.idx.msk $0xffff, v15  }
0x193: {  	v15 =	vld [tilespmem:s24+$0x6410]  }
0x194: {  	v43 =	vadd.s32 v1, v42  }
0x195: {  	v19 =	vor.u32 v14, v43;
	_ =	sdelay $0x2  }
0x196: {  	v15 =	vmul.f32 $8.000000000e+00, v15;
	_ =	sdelay $0x1  }
0x197: {  	[tilespmem:v19+s16+$0x0] =	vst.idx.msk $0xffff, v15  }
0x198: {  	v15 =	vld [tilespmem:s24+$0x6420]  }
0x199: {  	v44 =	vadd.s32 v2, v42  }
0x19a: {  	v20 =	vor.u32 v14, v44;
	_ =	sdelay $0x2  }
0x19b: {  	v15 =	vmul.f32 $8.000000000e+00, v15;
	_ =	sdelay $0x1  }
0x19c: {  	[tilespmem:v20+s16+$0x0] =	vst.idx.msk $0xffff, v15  }
0x19d: {  	v15 =	vld [tilespmem:s24+$0x6430]  }
0x19e: {  	v16 =	vadd.s32 v3, v42  }
0x19f: {  	v45 =	vor.u32 v14, v16;
	_ =	sdelay $0x2  }
0x1a0: {  	v15 =	vmul.f32 $8.000000000e+00, v15;
	_ =	sdelay $0x1  }
0x1a1: {  	[tilespmem:v45+s16+$0x0] =	vst.idx.msk $0xffff, v15  }
0x1a2: {  	v15 =	vld [tilespmem:s24+$0x6440]  }
0x1a3: {  	v46 =	vor.u32 $0x1, v14  }
0x1a4: {  	v21 =	vor.u32 v46, v17;
	_ =	sdelay $0x2  }
0x1a5: {  	v15 =	vmul.f32 $8.000000000e+00, v15;
	_ =	sdelay $0x1  }
0x1a6: {  	[tilespmem:v21+s16+$0x0] =	vst.idx.msk $0xffff, v15  }
0x1a7: {  	v15 =	vld [tilespmem:s24+$0x6450];
	_ =	sdelay $0x1  }
0x1a8: {  	v47 =	vor.u32 v46, v43;
	_ =	sdelay $0x2  }
0x1a9: {  	v15 =	vmul.f32 $8.000000000e+00, v15;
	_ =	sdelay $0x1  }
0x1aa: {  	[tilespmem:v47+s16+$0x0] =	vst.idx.msk $0xffff, v15  }
0x1ab: {  	v15 =	vld [tilespmem:s24+$0x6460];
	_ =	sdelay $0x1  }
0x1ac: {  	v48 =	vor.u32 v46, v44;
	_ =	sdelay $0x2  }
0x1ad: {  	v15 =	vmul.f32 $8.000000000e+00, v15;
	_ =	sdelay $0x1  }
0x1ae: {  	[tilespmem:v48+s16+$0x0] =	vst.idx.msk $0xffff, v15  }
0x1af: {  	v15 =	vld [tilespmem:s24+$0x6470];
	_ =	sdelay $0x1  }
0x1b0: {  	v20 =	vor.u32 v46, v16;
	_ =	sdelay $0x2  }
0x1b1: {  	v15 =	vmul.f32 $8.000000000e+00, v15;
	_ =	sdelay $0x1  }
0x1b2: {  	[tilespmem:v20+s16+$0x0] =	vst.idx.msk $0xffff, v15  }
0x1b3: {  	v15 =	vld [tilespmem:s24+$0x6480]  }
0x1b4: {  	v49 =	vor.u32 $0x2, v14  }
0x1b5: {  	v50 =	vor.u32 v49, v17;
	_ =	sdelay $0x2  }
0x1b6: {  	v15 =	vmul.f32 $8.000000000e+00, v15;
	_ =	sdelay $0x1  }
0x1b7: {  	[tilespmem:v50+s16+$0x0] =	vst.idx.msk $0xffff, v15  }
0x1b8: {  	v15 =	vld [tilespmem:s24+$0x6490];
	_ =	sdelay $0x1  }
0x1b9: {  	v51 =	vor.u32 v49, v43;
	_ =	sdelay $0x2  }
0x1ba: {  	v15 =	vmul.f32 $8.000000000e+00, v15;
	_ =	sdelay $0x1  }
0x1bb: {  	[tilespmem:v51+s16+$0x0] =	vst.idx.msk $0xffff, v15  }
0x1bc: {  	v15 =	vld [tilespmem:s24+$0x64A0];
	_ =	sdelay $0x1  }
0x1bd: {  	v52 =	vor.u32 v49, v44;
	_ =	sdelay $0x2  }
0x1be: {  	v15 =	vmul.f32 $8.000000000e+00, v15;
	_ =	sdelay $0x1  }
0x1bf: {  	[tilespmem:v52+s16+$0x0] =	vst.idx.msk $0xffff, v15  }
0x1c0: {  	v15 =	vld [tilespmem:s24+$0x64B0];
	_ =	sdelay $0x1  }
0x1c1: {  	v20 =	vor.u32 v49, v16;
	_ =	sdelay $0x2  }
0x1c2: {  	v15 =	vmul.f32 $8.000000000e+00, v15;
	_ =	sdelay $0x1  }
0x1c3: {  	[tilespmem:v20+s16+$0x0] =	vst.idx.msk $0xffff, v15  }
0x1c4: {  	v15 =	vld [tilespmem:s24+$0x64C0]  }
0x1c5: {  	v14 =	vor.u32 $0x3, v14  }
0x1c6: {  	v17 =	vor.u32 v14, v17;
	_ =	sdelay $0x2  }
0x1c7: {  	v15 =	vmul.f32 $8.000000000e+00, v15;
	_ =	sdelay $0x1  }
0x1c8: {  	[tilespmem:v17+s16+$0x0] =	vst.idx.msk $0xffff, v15  }
0x1c9: {  	v15 =	vld [tilespmem:s24+$0x64D0];
	_ =	sdelay $0x1  }
0x1ca: {  	v53 =	vor.u32 v14, v43;
	_ =	sdelay $0x2  }
0x1cb: {  	v15 =	vmul.f32 $8.000000000e+00, v15;
	_ =	sdelay $0x1  }
0x1cc: {  	[tilespmem:v53+s16+$0x0] =	vst.idx.msk $0xffff, v15  }
0x1cd: {  	v15 =	vld [tilespmem:s24+$0x64E0];
	_ =	sdelay $0x1  }
0x1ce: {  	v54 =	vor.u32 v14, v44;
	_ =	sdelay $0x2  }
0x1cf: {  	v15 =	vmul.f32 $8.000000000e+00, v15;
	_ =	sdelay $0x1  }
0x1d0: {  	[tilespmem:v54+s16+$0x0] =	vst.idx.msk $0xffff, v15  }
0x1d1: {  	v15 =	vld [tilespmem:s24+$0x64F0];
	_ =	sdelay $0x1  }
0x1d2: {  	v14 =	vor.u32 v14, v16;
	_ =	sdelay $0x2  }
0x1d3: {  	v15 =	vmul.f32 $8.000000000e+00, v15;
	_ =	sdelay $0x1  }
0x1d4: {  	[tilespmem:v14+s16+$0x0] =	vst.idx.msk $0xffff, v15  }
0x1d5: {  	v14 =	vld [tilespmem:s23+$0x8400]  }
0x1d6: {  	v55 =	vadd.s32 v4, v9  }
0x1d7: {  	v56 =	vor.u32 v10, v55;
	_ =	sdelay $0x2  }
0x1d8: {  	v14 =	vmul.f32 $8.000000000e+00, v14;
	_ =	sdelay $0x1  }
0x1d9: {  	[tilespmem:v56+s16+$0x0] =	vst.idx.msk $0xffff, v14  }
0x1da: {  	v14 =	vld [tilespmem:s23+$0x8410]  }
0x1db: {  	v57 =	vadd.s32 v5, v9  }
0x1dc: {  	v58 =	vor.u32 v10, v57;
	_ =	sdelay $0x2  }
0x1dd: {  	v14 =	vmul.f32 $8.000000000e+00, v14;
	_ =	sdelay $0x1  }
0x1de: {  	[tilespmem:v58+s16+$0x0] =	vst.idx.msk $0xffff, v14  }
0x1df: {  	v14 =	vld [tilespmem:s23+$0x8420]  }
0x1e0: {  	v59 =	vadd.s32 v6, v9  }
0x1e1: {  	v60 =	vor.u32 v10, v59;
	_ =	sdelay $0x2  }
0x1e2: {  	v14 =	vmul.f32 $8.000000000e+00, v14;
	_ =	sdelay $0x1  }
0x1e3: {  	[tilespmem:v60+s16+$0x0] =	vst.idx.msk $0xffff, v14  }
0x1e4: {  	v14 =	vld [tilespmem:s23+$0x8430]  }
0x1e5: {  	v9 =	vadd.s32 v7, v9  }
0x1e6: {  	v10 =	vor.u32 v10, v9;
	_ =	sdelay $0x2  }
0x1e7: {  	v14 =	vmul.f32 $8.000000000e+00, v14;
	_ =	sdelay $0x1  }
0x1e8: {  	[tilespmem:v10+s16+$0x0] =	vst.idx.msk $0xffff, v14  }
0x1e9: {  	v10 =	vld [tilespmem:s23+$0x8440];
	_ =	sdelay $0x1  }
0x1ea: {  	v61 =	vor.u32 v11, v55;
	_ =	sdelay $0x2  }
0x1eb: {  	v10 =	vmul.f32 $8.000000000e+00, v10;
	_ =	sdelay $0x1  }
0x1ec: {  	[tilespmem:v61+s16+$0x0] =	vst.idx.msk $0xffff, v10  }
0x1ed: {  	v10 =	vld [tilespmem:s23+$0x8450];
	_ =	sdelay $0x1  }
0x1ee: {  	v62 =	vor.u32 v11, v57;
	_ =	sdelay $0x2  }
0x1ef: {  	v10 =	vmul.f32 $8.000000000e+00, v10;
	_ =	sdelay $0x1  }
0x1f0: {  	[tilespmem:v62+s16+$0x0] =	vst.idx.msk $0xffff, v10  }
0x1f1: {  	v10 =	vld [tilespmem:s23+$0x8460];
	_ =	sdelay $0x1  }
0x1f2: {  	v63 =	vor.u32 v11, v59;
	_ =	sdelay $0x2  }
0x1f3: {  	v10 =	vmul.f32 $8.000000000e+00, v10;
	_ =	sdelay $0x1  }
0x1f4: {  	[tilespmem:v63+s16+$0x0] =	vst.idx.msk $0xffff, v10  }
0x1f5: {  	v10 =	vld [tilespmem:s23+$0x8470];
	_ =	sdelay $0x1  }
0x1f6: {  	v11 =	vor.u32 v11, v9;
	_ =	sdelay $0x2  }
0x1f7: {  	v10 =	vmul.f32 $8.000000000e+00, v10;
	_ =	sdelay $0x1  }
0x1f8: {  	[tilespmem:v11+s16+$0x0] =	vst.idx.msk $0xffff, v10  }
0x1f9: {  	v10 =	vld [tilespmem:s23+$0x8480];
	_ =	sdelay $0x1  }
0x1fa: {  	v11 =	vor.u32 v12, v55;
	_ =	sdelay $0x2  }
0x1fb: {  	v10 =	vmul.f32 $8.000000000e+00, v10;
	_ =	sdelay $0x1  }
0x1fc: {  	[tilespmem:v11+s16+$0x0] =	vst.idx.msk $0xffff, v10  }
0x1fd: {  	v10 =	vld [tilespmem:s23+$0x8490];
	_ =	sdelay $0x1  }
0x1fe: {  	v11 =	vor.u32 v12, v57;
	_ =	sdelay $0x2  }
0x1ff: {  	v10 =	vmul.f32 $8.000000000e+00, v10;
	_ =	sdelay $0x1  }
0x200: {  	[tilespmem:v11+s16+$0x0] =	vst.idx.msk $0xffff, v10  }
0x201: {  	v10 =	vld [tilespmem:s23+$0x84A0];
	_ =	sdelay $0x1  }
0x202: {  	v11 =	vor.u32 v12, v59;
	_ =	sdelay $0x2  }
0x203: {  	v10 =	vmul.f32 $8.000000000e+00, v10;
	_ =	sdelay $0x1  }
0x204: {  	[tilespmem:v11+s16+$0x0] =	vst.idx.msk $0xffff, v10  }
0x205: {  	v10 =	vld [tilespmem:s23+$0x84B0];
	_ =	sdelay $0x1  }
0x206: {  	v11 =	vor.u32 v12, v9;
	_ =	sdelay $0x2  }
0x207: {  	v10 =	vmul.f32 $8.000000000e+00, v10;
	_ =	sdelay $0x1  }
0x208: {  	[tilespmem:v11+s16+$0x0] =	vst.idx.msk $0xffff, v10  }
0x209: {  	v10 =	vld [tilespmem:s23+$0x84C0];
	_ =	sdelay $0x1  }
0x20a: {  	v11 =	vor.u32 v13, v55;
	_ =	sdelay $0x2  }
0x20b: {  	v10 =	vmul.f32 $8.000000000e+00, v10;
	_ =	sdelay $0x1  }
0x20c: {  	[tilespmem:v11+s16+$0x0] =	vst.idx.msk $0xffff, v10  }
0x20d: {  	v10 =	vld [tilespmem:s23+$0x84D0];
	_ =	sdelay $0x1  }
0x20e: {  	v11 =	vor.u32 v13, v57;
	_ =	sdelay $0x2  }
0x20f: {  	v10 =	vmul.f32 $8.000000000e+00, v10;
	_ =	sdelay $0x1  }
0x210: {  	[tilespmem:v11+s16+$0x0] =	vst.idx.msk $0xffff, v10  }
0x211: {  	v10 =	vld [tilespmem:s23+$0x84E0];
	_ =	sdelay $0x1  }
0x212: {  	v11 =	vor.u32 v13, v59;
	_ =	sdelay $0x2  }
0x213: {  	v10 =	vmul.f32 $8.000000000e+00, v10;
	_ =	sdelay $0x1  }
0x214: {  	[tilespmem:v11+s16+$0x0] =	vst.idx.msk $0xffff, v10  }
0x215: {  	v10 =	vld [tilespmem:s23+$0x84F0];
	_ =	sdelay $0x1  }
0x216: {  	v9 =	vor.u32 v13, v9;
	_ =	sdelay $0x2  }
0x217: {  	s23 =	simm.s32 $0x800;
	v10 =	vmul.f32 $8.000000000e+00, v10  }
.LBB2_9:
0x218: {  	p0 =	sne.s32 s23, $0x7C00  }
0x219: {  	s24 =	sshra.s32 s22, $0x2;
	v8 =	vadd.s32 $0x4, v8;
	s22 =	smov.u32 s23;
	s23 =	sadd.s32 $0x400, s23;
	[tilespmem:v9+s16+$0x0] =	vst.idx.msk $0xffff, v10  }
0x21a: {  	v13 =	vand.u32 $0xFFFFFFF8, v8;
	v11 =	vld [tilespmem:s24+$0x8400]  }
0x21b: {  	v10 =	vand.u32 $0x4, v8;
	v9 =	vadd.s32 v4, v13  }
0x21c: {  	v12 =	vor.u32 v10, v9;
	_ =	sdelay $0x2  }
0x21d: {  	v11 =	vmul.f32 $8.000000000e+00, v11;
	_ =	sdelay $0x1  }
0x21e: {  	[tilespmem:v12+s16+$0x0] =	vst.idx.msk $0xffff, v11  }
0x21f: {  	v12 =	vld [tilespmem:s24+$0x8410]  }
0x220: {  	v11 =	vadd.s32 v5, v13  }
0x221: {  	v14 =	vor.u32 v10, v11;
	_ =	sdelay $0x2  }
0x222: {  	v12 =	vmul.f32 $8.000000000e+00, v12;
	_ =	sdelay $0x1  }
0x223: {  	[tilespmem:v14+s16+$0x0] =	vst.idx.msk $0xffff, v12  }
0x224: {  	v14 =	vld [tilespmem:s24+$0x8420]  }
0x225: {  	v12 =	vadd.s32 v6, v13  }
0x226: {  	v15 =	vor.u32 v10, v12;
	_ =	sdelay $0x2  }
0x227: {  	v14 =	vmul.f32 $8.000000000e+00, v14;
	_ =	sdelay $0x1  }
0x228: {  	[tilespmem:v15+s16+$0x0] =	vst.idx.msk $0xffff, v14  }
0x229: {  	v14 =	vld [tilespmem:s24+$0x8430]  }
0x22a: {  	v13 =	vadd.s32 v7, v13  }
0x22b: {  	v15 =	vor.u32 v10, v13;
	_ =	sdelay $0x2  }
0x22c: {  	v14 =	vmul.f32 $8.000000000e+00, v14;
	_ =	sdelay $0x1  }
0x22d: {  	[tilespmem:v15+s16+$0x0] =	vst.idx.msk $0xffff, v14  }
0x22e: {  	v14 =	vld [tilespmem:s24+$0x8440]  }
0x22f: {  	v15 =	vor.u32 $0x1, v10  }
0x230: {  	v16 =	vor.u32 v15, v9;
	v17 =	vor.u32 v15, v13;
	_ =	sdelay $0x2  }
0x231: {  	v14 =	vmul.f32 $8.000000000e+00, v14;
	_ =	sdelay $0x1  }
0x232: {  	[tilespmem:v16+s16+$0x0] =	vst.idx.msk $0xffff, v14  }
0x233: {  	v14 =	vld [tilespmem:s24+$0x8450];
	_ =	sdelay $0x1  }
0x234: {  	v16 =	vor.u32 v15, v11;
	_ =	sdelay $0x2  }
0x235: {  	v14 =	vmul.f32 $8.000000000e+00, v14;
	_ =	sdelay $0x1  }
0x236: {  	[tilespmem:v16+s16+$0x0] =	vst.idx.msk $0xffff, v14  }
0x237: {  	v14 =	vld [tilespmem:s24+$0x8460];
	_ =	sdelay $0x1  }
0x238: {  	v15 =	vor.u32 v15, v12;
	_ =	sdelay $0x2  }
0x239: {  	v14 =	vmul.f32 $8.000000000e+00, v14;
	_ =	sdelay $0x1  }
0x23a: {  	[tilespmem:v15+s16+$0x0] =	vst.idx.msk $0xffff, v14  }
0x23b: {  	v14 =	vld [tilespmem:s24+$0x8470];
	_ =	sdelay $0x4  }
0x23c: {  	v14 =	vmul.f32 $8.000000000e+00, v14;
	_ =	sdelay $0x1  }
0x23d: {  	[tilespmem:v17+s16+$0x0] =	vst.idx.msk $0xffff, v14  }
0x23e: {  	v14 =	vld [tilespmem:s24+$0x8480]  }
0x23f: {  	v15 =	vor.u32 $0x2, v10  }
0x240: {  	v16 =	vor.u32 v15, v9;
	_ =	sdelay $0x2  }
0x241: {  	v14 =	vmul.f32 $8.000000000e+00, v14;
	_ =	sdelay $0x1  }
0x242: {  	[tilespmem:v16+s16+$0x0] =	vst.idx.msk $0xffff, v14  }
0x243: {  	v14 =	vld [tilespmem:s24+$0x8490];
	_ =	sdelay $0x1  }
0x244: {  	v16 =	vor.u32 v15, v11;
	_ =	sdelay $0x2  }
0x245: {  	v14 =	vmul.f32 $8.000000000e+00, v14;
	_ =	sdelay $0x1  }
0x246: {  	[tilespmem:v16+s16+$0x0] =	vst.idx.msk $0xffff, v14  }
0x247: {  	v14 =	vld [tilespmem:s24+$0x84A0];
	_ =	sdelay $0x1  }
0x248: {  	v16 =	vor.u32 v15, v12;
	_ =	sdelay $0x2  }
0x249: {  	v14 =	vmul.f32 $8.000000000e+00, v14;
	_ =	sdelay $0x1  }
0x24a: {  	[tilespmem:v16+s16+$0x0] =	vst.idx.msk $0xffff, v14  }
0x24b: {  	v14 =	vld [tilespmem:s24+$0x84B0];
	_ =	sdelay $0x1  }
0x24c: {  	v15 =	vor.u32 v15, v13;
	_ =	sdelay $0x2  }
0x24d: {  	v14 =	vmul.f32 $8.000000000e+00, v14;
	_ =	sdelay $0x1  }
0x24e: {  	[tilespmem:v15+s16+$0x0] =	vst.idx.msk $0xffff, v14  }
0x24f: {  	v14 =	vld [tilespmem:s24+$0x84C0]  }
0x250: {  	v10 =	vor.u32 $0x3, v10  }
0x251: {  	v9 =	vor.u32 v10, v9;
	_ =	sdelay $0x2  }
0x252: {  	v14 =	vmul.f32 $8.000000000e+00, v14;
	_ =	sdelay $0x1  }
0x253: {  	[tilespmem:v9+s16+$0x0] =	vst.idx.msk $0xffff, v14  }
0x254: {  	v9 =	vld [tilespmem:s24+$0x84D0];
	_ =	sdelay $0x1  }
0x255: {  	v11 =	vor.u32 v10, v11;
	_ =	sdelay $0x2  }
0x256: {  	v9 =	vmul.f32 $8.000000000e+00, v9;
	_ =	sdelay $0x1  }
0x257: {  	[tilespmem:v11+s16+$0x0] =	vst.idx.msk $0xffff, v9  }
0x258: {  	v9 =	vld [tilespmem:s24+$0x84E0];
	_ =	sdelay $0x1  }
0x259: {  	v11 =	vor.u32 v10, v12;
	_ =	sdelay $0x2  }
0x25a: {  	v9 =	vmul.f32 $8.000000000e+00, v9;
	_ =	sdelay $0x1  }
0x25b: {  	[tilespmem:v11+s16+$0x0] =	vst.idx.msk $0xffff, v9  }
0x25c: {  	v11 =	vld [tilespmem:s24+$0x84F0]  }
.Ltmp3:
0x25d: {  	(pc) =	sbr.rel @p0 .LBB2_9-.Ltmp3, $2  }
0x25e: {  	v9 =	vor.u32 v10, v13;
	_ =	sdelay $0x2  }
0x25f: {  	v10 =	vmul.f32 $8.000000000e+00, v11  }
0x260: {  	_ =	sdelay $0x3  }
0x261: {  	s22 =	sshra.s32 s22, $0x2;
	v8 =	vadd.s32 $0x4, v8;
	[tilespmem:v9+s16+$0x0] =	vst.idx.msk $0xffff, v10  }
0x262: {  	v51 =	vand.u32 $0xFFFFFFF8, v8;
	v9 =	vld [tilespmem:s22+$0x8400]  }
0x263: {  	v8 =	vand.u32 $0x4, v8;
	v11 =	vadd.s32 v4, v51  }
0x264: {  	v12 =	vor.u32 v8, v11;
	_ =	sdelay $0x2  }
0x265: {  	v9 =	vmul.f32 $8.000000000e+00, v9;
	_ =	sdelay $0x1  }
0x266: {  	[tilespmem:v12+s16+$0x0] =	vst.idx.msk $0xffff, v9  }
0x267: {  	v9 =	vld [tilespmem:s22+$0x8410]  }
0x268: {  	v52 =	vadd.s32 v5, v51  }
0x269: {  	v13 =	vor.u32 v8, v52;
	_ =	sdelay $0x2  }
0x26a: {  	v9 =	vmul.f32 $8.000000000e+00, v9;
	_ =	sdelay $0x1  }
0x26b: {  	[tilespmem:v13+s16+$0x0] =	vst.idx.msk $0xffff, v9  }
0x26c: {  	v9 =	vld [tilespmem:s22+$0x8420]  }
0x26d: {  	v53 =	vadd.s32 v6, v51  }
0x26e: {  	v14 =	vor.u32 v8, v53;
	_ =	sdelay $0x2  }
0x26f: {  	v9 =	vmul.f32 $8.000000000e+00, v9;
	_ =	sdelay $0x1  }
0x270: {  	[tilespmem:v14+s16+$0x0] =	vst.idx.msk $0xffff, v9  }
0x271: {  	v9 =	vld [tilespmem:s22+$0x8430]  }
0x272: {  	v10 =	vadd.s32 v7, v51  }
0x273: {  	v54 =	vor.u32 v8, v10;
	_ =	sdelay $0x2  }
0x274: {  	v9 =	vmul.f32 $8.000000000e+00, v9;
	_ =	sdelay $0x1  }
0x275: {  	[tilespmem:v54+s16+$0x0] =	vst.idx.msk $0xffff, v9  }
0x276: {  	v9 =	vld [tilespmem:s22+$0x8440]  }
0x277: {  	v55 =	vor.u32 $0x1, v8  }
0x278: {  	v15 =	vor.u32 v55, v11;
	_ =	sdelay $0x2  }
0x279: {  	v9 =	vmul.f32 $8.000000000e+00, v9;
	_ =	sdelay $0x1  }
0x27a: {  	[tilespmem:v15+s16+$0x0] =	vst.idx.msk $0xffff, v9  }
0x27b: {  	v9 =	vld [tilespmem:s22+$0x8450];
	_ =	sdelay $0x1  }
0x27c: {  	v56 =	vor.u32 v55, v52;
	_ =	sdelay $0x2  }
0x27d: {  	v9 =	vmul.f32 $8.000000000e+00, v9;
	_ =	sdelay $0x1  }
0x27e: {  	[tilespmem:v56+s16+$0x0] =	vst.idx.msk $0xffff, v9  }
0x27f: {  	v9 =	vld [tilespmem:s22+$0x8460];
	_ =	sdelay $0x1  }
0x280: {  	v57 =	vor.u32 v55, v53;
	_ =	sdelay $0x2  }
0x281: {  	v9 =	vmul.f32 $8.000000000e+00, v9;
	_ =	sdelay $0x1  }
0x282: {  	[tilespmem:v57+s16+$0x0] =	vst.idx.msk $0xffff, v9  }
0x283: {  	v9 =	vld [tilespmem:s22+$0x8470];
	_ =	sdelay $0x1  }
0x284: {  	v14 =	vor.u32 v55, v10;
	_ =	sdelay $0x2  }
0x285: {  	v9 =	vmul.f32 $8.000000000e+00, v9;
	_ =	sdelay $0x1  }
0x286: {  	[tilespmem:v14+s16+$0x0] =	vst.idx.msk $0xffff, v9  }
0x287: {  	v9 =	vld [tilespmem:s22+$0x8480]  }
0x288: {  	v58 =	vor.u32 $0x2, v8  }
0x289: {  	v59 =	vor.u32 v58, v11;
	_ =	sdelay $0x2  }
0x28a: {  	v9 =	vmul.f32 $8.000000000e+00, v9;
	_ =	sdelay $0x1  }
0x28b: {  	[tilespmem:v59+s16+$0x0] =	vst.idx.msk $0xffff, v9  }
0x28c: {  	v9 =	vld [tilespmem:s22+$0x8490];
	_ =	sdelay $0x1  }
0x28d: {  	v60 =	vor.u32 v58, v52;
	_ =	sdelay $0x2  }
0x28e: {  	v9 =	vmul.f32 $8.000000000e+00, v9;
	_ =	sdelay $0x1  }
0x28f: {  	[tilespmem:v60+s16+$0x0] =	vst.idx.msk $0xffff, v9  }
0x290: {  	v9 =	vld [tilespmem:s22+$0x84A0];
	_ =	sdelay $0x1  }
0x291: {  	v61 =	vor.u32 v58, v53;
	_ =	sdelay $0x2  }
0x292: {  	v9 =	vmul.f32 $8.000000000e+00, v9;
	_ =	sdelay $0x1  }
0x293: {  	[tilespmem:v61+s16+$0x0] =	vst.idx.msk $0xffff, v9  }
0x294: {  	v9 =	vld [tilespmem:s22+$0x84B0];
	_ =	sdelay $0x1  }
0x295: {  	v14 =	vor.u32 v58, v10;
	_ =	sdelay $0x2  }
0x296: {  	v9 =	vmul.f32 $8.000000000e+00, v9;
	_ =	sdelay $0x1  }
0x297: {  	[tilespmem:v14+s16+$0x0] =	vst.idx.msk $0xffff, v9  }
0x298: {  	v9 =	vld [tilespmem:s22+$0x84C0]  }
0x299: {  	v8 =	vor.u32 $0x3, v8  }
0x29a: {  	v11 =	vor.u32 v8, v11;
	_ =	sdelay $0x2  }
0x29b: {  	v9 =	vmul.f32 $8.000000000e+00, v9;
	_ =	sdelay $0x1  }
0x29c: {  	[tilespmem:v11+s16+$0x0] =	vst.idx.msk $0xffff, v9  }
0x29d: {  	v9 =	vld [tilespmem:s22+$0x84D0];
	_ =	sdelay $0x1  }
0x29e: {  	v62 =	vor.u32 v8, v52;
	_ =	sdelay $0x2  }
0x29f: {  	v9 =	vmul.f32 $8.000000000e+00, v9;
	_ =	sdelay $0x1  }
0x2a0: {  	[tilespmem:v62+s16+$0x0] =	vst.idx.msk $0xffff, v9  }
0x2a1: {  	v9 =	vld [tilespmem:s22+$0x84E0];
	_ =	sdelay $0x1  }
0x2a2: {  	v63 =	vor.u32 v8, v53;
	_ =	sdelay $0x2  }
0x2a3: {  	v9 =	vmul.f32 $8.000000000e+00, v9;
	_ =	sdelay $0x1  }
0x2a4: {  	[tilespmem:v63+s16+$0x0] =	vst.idx.msk $0xffff, v9  }
0x2a5: {  	v9 =	vld [tilespmem:s22+$0x84F0];
	_ =	sdelay $0x1  }
0x2a6: {  	v8 =	vor.u32 v8, v10;
	s22 =	sshll.u32 s21, $0x1  }
0x2a7: {  	s23 =	sadd.s32 s7, s22  }
0x2a8: {  	s24 =	sshll.u32 s23, $0x8  }
0x2a9: {  	s23 =	sshll.u32 s23, $0xB;
	s24 =	sand.u32 $0xE00, s24;
	v9 =	vmul.f32 $8.000000000e+00, v9  }
0x2aa: {  	s23 =	sand.u32 $0xFFF8000, s23;
	s24 =	sadd.s32 s2, s24  }
0x2ab: {  	s25 =	simm.s32 $0xE400;
	s24 =	sadd.s32 s23, s24;
	[tilespmem:v8+s16+$0x0] =	vst.idx.msk $0xffff, v9  }
0x2ac: {  	[hbm4b:s24+s3] =	stream.linear.scatter [tilespmem:s25], [sflag:$0x3], $0x80, $0x38;
	[tilespmem:$0x16C00] =	vst v63  }
0x2ad: {  	s26 =	simm.s32 $0xE488;
	s25 =	sadd.s32 $0x10, s24  }
0x2ae: {  	[hbm4b:s25+s3] =	stream.linear.scatter [tilespmem:s26], [sflag:$0x3], $0x80, $0x38;
	[tilespmem:$0x16C00] =	vst v63  }
0x2af: {  	s30 =	simm.s32 $0xE510;
	s31 =	sadd.s32 $0x20, s24  }
0x2b0: {  	[hbm4b:s31+s3] =	stream.linear.scatter [tilespmem:s30], [sflag:$0x3], $0x80, $0x38;
	[tilespmem:$0x16C00] =	vst v63  }
0x2b1: {  	s25 =	simm.s32 $0xE598;
	s26 =	sadd.s32 $0x30, s24  }
0x2b2: {  	[hbm4b:s26+s3] =	stream.linear.scatter [tilespmem:s25], [sflag:$0x3], $0x80, $0x38;
	[tilespmem:$0x16C00] =	vst v63  }
0x2b3: {  	s30 =	simm.s32 $0xE620;
	s31 =	sadd.s32 $0x40, s24  }
0x2b4: {  	[hbm4b:s31+s3] =	stream.linear.scatter [tilespmem:s30], [sflag:$0x3], $0x80, $0x38;
	[tilespmem:$0x16C00] =	vst v63  }
0x2b5: {  	s25 =	simm.s32 $0xE6A8;
	s26 =	sadd.s32 $0x50, s24  }
0x2b6: {  	[hbm4b:s26+s3] =	stream.linear.scatter [tilespmem:s25], [sflag:$0x3], $0x80, $0x38;
	[tilespmem:$0x16C00] =	vst v63  }
0x2b7: {  	s30 =	simm.s32 $0xE730;
	s31 =	sadd.s32 $0x60, s24  }
0x2b8: {  	[hbm4b:s31+s3] =	stream.linear.scatter [tilespmem:s30], [sflag:$0x3], $0x80, $0x38;
	[tilespmem:$0x16C00] =	vst v63  }
0x2b9: {  	s25 =	simm.s32 $0xE7B8;
	s26 =	sadd.s32 $0x70, s24  }
0x2ba: {  	[hbm4b:s26+s3] =	stream.linear.scatter [tilespmem:s25], [sflag:$0x3], $0x80, $0x38;
	[tilespmem:$0x16C00] =	vst v63  }
0x2bb: {  	s30 =	simm.s32 $0xE840;
	s31 =	sadd.s32 $0x80, s24  }
0x2bc: {  	[hbm4b:s31+s3] =	stream.linear.scatter [tilespmem:s30], [sflag:$0x3], $0x80, $0x38;
	[tilespmem:$0x16C00] =	vst v63  }
0x2bd: {  	s25 =	simm.s32 $0xE8C8;
	s26 =	sadd.s32 $0x90, s24  }
0x2be: {  	[hbm4b:s26+s3] =	stream.linear.scatter [tilespmem:s25], [sflag:$0x3], $0x80, $0x38;
	[tilespmem:$0x16C00] =	vst v63  }
0x2bf: {  	s28 =	simm.s32 $0x4400;
	s30 =	simm.s32 $0xE950;
	s31 =	sadd.s32 $0xA0, s24  }
0x2c0: {  	[hbm4b:s31+s3] =	stream.linear.scatter [tilespmem:s30], [sflag:$0x3], $0x80, $0x38;
	[tilespmem:$0x16C00] =	vst v63  }
0x2c1: {  	s23 =	simm.s32 $0x880;
	s25 =	simm.s32 $0xE9D8;
	s26 =	sadd.s32 $0xB0, s24  }
0x2c2: {  	[hbm4b:s26+s3] =	stream.linear.scatter [tilespmem:s25], [sflag:$0x3], $0x80, $0x38;
	[tilespmem:$0x16C00] =	vst v63  }
0x2c3: {  	s29 =	sadd.s32 $0xF0, s24;
	s30 =	simm.s32 $0xEA60;
	s31 =	sadd.s32 $0xC0, s24  }
0x2c4: {  	[hbm4b:s31+s3] =	stream.linear.scatter [tilespmem:s30], [sflag:$0x3], $0x80, $0x38;
	[tilespmem:$0x16C00] =	vst v63  }
0x2c5: {  	s25 =	simm.s32 $0xEAE8;
	s26 =	sadd.s32 $0xD0, s24;
	s30 =	simm.s32 $0xEB70  }
0x2c6: {  	[hbm4b:s26+s3] =	stream.linear.scatter [tilespmem:s25], [sflag:$0x3], $0x80, $0x38;
	[tilespmem:$0x16C00] =	vst v63  }
0x2c7: {  	s31 =	sadd.s32 $0xE0, s24;
	s24 =	sadd.s32 $0x1000, s24;
	s25 =	simm.s32 $0xEBF8  }
0x2c8: {  	[hbm4b:s31+s3] =	stream.linear.scatter [tilespmem:s30], [sflag:$0x3], $0x80, $0x38;
	[tilespmem:$0x16C00] =	vst v63  }
.LBB2_11:
0x2c9: {  	[hbm4b:s29+s3] =	stream.linear.scatter [tilespmem:s25], [sflag:$0x3], $0x80, $0x38;
	[tilespmem:$0x16C00] =	vst v63  }
0x2ca: {  	s25 =	smov.u32 s23;
	s23 =	smov.u32 s28  }
0x2cb: {  	s26 =	sadd.s32 $0x2200, s28;
	s23 =	sshra.s32 s23, $0x2;
	s29 =	sadd.s32 $0xE400, s25  }
0x2cc: {  	[hbm4b:s24+s3] =	stream.linear.scatter [tilespmem:s29], [sflag:$0x3], $0x80, $0x38;
	[tilespmem:$0x16C00] =	vst v63  }
0x2cd: {  	p0 =	sne.s32 s28, $0xEE00;
	s28 =	sadd.s32 $0xE488, s25;
	s29 =	sadd.s32 $0x10, s24  }
0x2ce: {  	[hbm4b:s29+s3] =	stream.linear.scatter [tilespmem:s28], [sflag:$0x3], $0x80, $0x38;
	[tilespmem:$0x16C00] =	vst v63  }
0x2cf: {  	s28 =	sadd.s32 $0xE510, s25;
	s29 =	sadd.s32 $0x20, s24  }
0x2d0: {  	[hbm4b:s29+s3] =	stream.linear.scatter [tilespmem:s28], [sflag:$0x3], $0x80, $0x38;
	[tilespmem:$0x16C00] =	vst v63  }
0x2d1: {  	s28 =	sadd.s32 $0xE598, s25;
	s29 =	sadd.s32 $0x30, s24  }
0x2d2: {  	[hbm4b:s29+s3] =	stream.linear.scatter [tilespmem:s28], [sflag:$0x3], $0x80, $0x38;
	[tilespmem:$0x16C00] =	vst v63  }
0x2d3: {  	s28 =	sadd.s32 $0xE620, s25;
	s29 =	sadd.s32 $0x40, s24  }
0x2d4: {  	[hbm4b:s29+s3] =	stream.linear.scatter [tilespmem:s28], [sflag:$0x3], $0x80, $0x38;
	[tilespmem:$0x16C00] =	vst v63  }
0x2d5: {  	s28 =	sadd.s32 $0xE6A8, s25;
	s29 =	sadd.s32 $0x50, s24  }
0x2d6: {  	[hbm4b:s29+s3] =	stream.linear.scatter [tilespmem:s28], [sflag:$0x3], $0x80, $0x38;
	[tilespmem:$0x16C00] =	vst v63  }
0x2d7: {  	s28 =	sadd.s32 $0xE730, s25;
	s29 =	sadd.s32 $0x60, s24  }
0x2d8: {  	[hbm4b:s29+s3] =	stream.linear.scatter [tilespmem:s28], [sflag:$0x3], $0x80, $0x38;
	[tilespmem:$0x16C00] =	vst v63  }
0x2d9: {  	s28 =	sadd.s32 $0xE7B8, s25;
	s29 =	sadd.s32 $0x70, s24  }
0x2da: {  	[hbm4b:s29+s3] =	stream.linear.scatter [tilespmem:s28], [sflag:$0x3], $0x80, $0x38;
	[tilespmem:$0x16C00] =	vst v63  }
0x2db: {  	s28 =	sadd.s32 $0xE840, s25;
	s29 =	sadd.s32 $0x80, s24  }
0x2dc: {  	[hbm4b:s29+s3] =	stream.linear.scatter [tilespmem:s28], [sflag:$0x3], $0x80, $0x38;
	[tilespmem:$0x16C00] =	vst v63  }
0x2dd: {  	s28 =	sadd.s32 $0xE8C8, s25;
	s29 =	sadd.s32 $0x90, s24  }
0x2de: {  	[hbm4b:s29+s3] =	stream.linear.scatter [tilespmem:s28], [sflag:$0x3], $0x80, $0x38;
	[tilespmem:$0x16C00] =	vst v63  }
0x2df: {  	s28 =	sadd.s32 $0xE950, s25;
	s29 =	sadd.s32 $0xA0, s24  }
0x2e0: {  	[hbm4b:s29+s3] =	stream.linear.scatter [tilespmem:s28], [sflag:$0x3], $0x80, $0x38;
	[tilespmem:$0x16C00] =	vst v63  }
0x2e1: {  	s28 =	sadd.s32 $0xE9D8, s25;
	s29 =	sadd.s32 $0xB0, s24  }
0x2e2: {  	[hbm4b:s29+s3] =	stream.linear.scatter [tilespmem:s28], [sflag:$0x3], $0x80, $0x38;
	[tilespmem:$0x16C00] =	vst v63  }
0x2e3: {  	s28 =	sadd.s32 $0xEA60, s25;
	s29 =	sadd.s32 $0xC0, s24  }
0x2e4: {  	[hbm4b:s29+s3] =	stream.linear.scatter [tilespmem:s28], [sflag:$0x3], $0x80, $0x38;
	[tilespmem:$0x16C00] =	vst v63  }
.Ltmp4:
0x2e5: {  	s28 =	sadd.s32 $0xEAE8, s25;
	s29 =	sadd.s32 $0xD0, s24;
	(pc) =	sbr.rel @p0 .LBB2_11-.Ltmp4, $4  }
0x2e6: {  	[hbm4b:s29+s3] =	stream.linear.scatter [tilespmem:s28], [sflag:$0x3], $0x80, $0x38;
	[tilespmem:$0x16C00] =	vst v63  }
0x2e7: {  	s28 =	sadd.s32 $0xEB70, s25;
	s29 =	sadd.s32 $0xE0, s24;
	s25 =	sadd.s32 $0xEBF8, s25  }
0x2e8: {  	[hbm4b:s29+s3] =	stream.linear.scatter [tilespmem:s28], [sflag:$0x3], $0x80, $0x38;
	[tilespmem:$0x16C00] =	vst v63  }
0x2e9: {  	s29 =	sadd.s32 $0xF0, s24;
	s24 =	sadd.s32 $0x1000, s24;
	s28 =	smov.u32 s26  }
0x2ea: {  	[hbm4b:s29+s3] =	stream.linear.scatter [tilespmem:s25], [sflag:$0x3], $0x80, $0x38;
	[tilespmem:$0x16C00] =	vst v63  }
0x2eb: {  	s26 =	sadd.s32 $0xE400, s23  }
0x2ec: {  	[hbm4b:s24+s3] =	stream.linear.scatter [tilespmem:s26], [sflag:$0x3], $0x80, $0x38;
	[tilespmem:$0x16C00] =	vst v63  }
0x2ed: {  	s29 =	sadd.s32 $0xE488, s23;
	s26 =	sadd.s32 $0x10, s24  }
0x2ee: {  	[hbm4b:s26+s3] =	stream.linear.scatter [tilespmem:s29], [sflag:$0x3], $0x80, $0x38;
	[tilespmem:$0x16C00] =	vst v63  }
0x2ef: {  	s30 =	sadd.s32 $0xE510, s23;
	s31 =	sadd.s32 $0x20, s24  }
0x2f0: {  	[hbm4b:s31+s3] =	stream.linear.scatter [tilespmem:s30], [sflag:$0x3], $0x80, $0x38;
	[tilespmem:$0x16C00] =	vst v63  }
0x2f1: {  	s26 =	sadd.s32 $0xE598, s23;
	s29 =	sadd.s32 $0x30, s24  }
0x2f2: {  	[hbm4b:s29+s3] =	stream.linear.scatter [tilespmem:s26], [sflag:$0x3], $0x80, $0x38;
	[tilespmem:$0x16C00] =	vst v63  }
0x2f3: {  	s30 =	sadd.s32 $0xE620, s23;
	s31 =	sadd.s32 $0x40, s24  }
0x2f4: {  	[hbm4b:s31+s3] =	stream.linear.scatter [tilespmem:s30], [sflag:$0x3], $0x80, $0x38;
	[tilespmem:$0x16C00] =	vst v63  }
0x2f5: {  	s26 =	sadd.s32 $0xE6A8, s23;
	s29 =	sadd.s32 $0x50, s24  }
0x2f6: {  	[hbm4b:s29+s3] =	stream.linear.scatter [tilespmem:s26], [sflag:$0x3], $0x80, $0x38;
	[tilespmem:$0x16C00] =	vst v63  }
0x2f7: {  	s30 =	sadd.s32 $0xE730, s23;
	s31 =	sadd.s32 $0x60, s24  }
0x2f8: {  	[hbm4b:s31+s3] =	stream.linear.scatter [tilespmem:s30], [sflag:$0x3], $0x80, $0x38;
	[tilespmem:$0x16C00] =	vst v63  }
0x2f9: {  	s26 =	sadd.s32 $0xE7B8, s23;
	s29 =	sadd.s32 $0x70, s24  }
0x2fa: {  	[hbm4b:s29+s3] =	stream.linear.scatter [tilespmem:s26], [sflag:$0x3], $0x80, $0x38;
	[tilespmem:$0x16C00] =	vst v63  }
0x2fb: {  	s30 =	sadd.s32 $0xE840, s23;
	s31 =	sadd.s32 $0x80, s24  }
0x2fc: {  	[hbm4b:s31+s3] =	stream.linear.scatter [tilespmem:s30], [sflag:$0x3], $0x80, $0x38;
	[tilespmem:$0x16C00] =	vst v63  }
0x2fd: {  	s26 =	sadd.s32 $0xE8C8, s23;
	s29 =	sadd.s32 $0x90, s24  }
0x2fe: {  	[hbm4b:s29+s3] =	stream.linear.scatter [tilespmem:s26], [sflag:$0x3], $0x80, $0x38;
	[tilespmem:$0x16C00] =	vst v63  }
0x2ff: {  	s30 =	sadd.s32 $0xE950, s23;
	s31 =	sadd.s32 $0xA0, s24  }
0x300: {  	[hbm4b:s31+s3] =	stream.linear.scatter [tilespmem:s30], [sflag:$0x3], $0x80, $0x38;
	[tilespmem:$0x16C00] =	vst v63  }
0x301: {  	s26 =	sadd.s32 $0xE9D8, s23;
	s29 =	sadd.s32 $0xB0, s24  }
0x302: {  	[hbm4b:s29+s3] =	stream.linear.scatter [tilespmem:s26], [sflag:$0x3], $0x80, $0x38;
	[tilespmem:$0x16C00] =	vst v63  }
0x303: {  	s30 =	sadd.s32 $0xEA60, s23;
	s31 =	sadd.s32 $0xC0, s24  }
0x304: {  	[hbm4b:s31+s3] =	stream.linear.scatter [tilespmem:s30], [sflag:$0x3], $0x80, $0x38;
	[tilespmem:$0x16C00] =	vst v63  }
0x305: {  	s26 =	sadd.s32 $0xEAE8, s23;
	s29 =	sadd.s32 $0xD0, s24  }
0x306: {  	[hbm4b:s29+s3] =	stream.linear.scatter [tilespmem:s26], [sflag:$0x3], $0x80, $0x38;
	[tilespmem:$0x16C00] =	vst v63  }
0x307: {  	s30 =	sadd.s32 $0xEB70, s23;
	s31 =	sadd.s32 $0xE0, s24  }
0x308: {  	[hbm4b:s31+s3] =	stream.linear.scatter [tilespmem:s30], [sflag:$0x3], $0x80, $0x38;
	[tilespmem:$0x16C00] =	vst v63  }
0x309: {  	s30 =	smin.u32 s22, $0x60  }
0x30a: {  	s26 =	sadd.s32 $0xEBF8, s23;
	s29 =	sadd.s32 $0xF0, s24;
	s23 =	sshll.u32 s30, $0x8  }
0x30b: {  	[hbm4b:s29+s3] =	stream.linear.scatter [tilespmem:s26], [sflag:$0x3], $0x80, $0x38;
	[tilespmem:$0x16C00] =	vst v63  }
0x30c: {  	s31 =	sadd.s32 $0x200, s23  }
0x30d: {  	[tilespmem:s12], [sflag:$0x1] =	stream.indirect.gather [hbm4b:s4+s11], $0x40, s31, s11, $0xb8;
	[tilespmem:$0x16C00] =	vst v63  }
0x30e: {  	_ =	swait.ge [sflag:s17], $0x4000  }
0x30f: {  	[sflag:s17] =	ssyncset.done $0x0  }
0x310: {  	[sflag:s17] =	ssyncadd.s32 $0xFFFFC000  }
0x311: {  	_ =	swait.ge [sflag:s18], $0x4000  }
0x312: {  	[sflag:s18] =	ssyncset.done $0x0  }
0x313: {  	v8 =	vimm.s32 $0x0;
	s25 =	simm.s32 $0x0;
	[sflag:s18] =	ssyncadd.s32 $0xFFFFC000  }
0x314: {  	v9 =	vand.u32 $0xFFFFFFF8, v8;
	v11 =	vld [tilespmem:s25+$0xA400]  }
0x315: {  	v10 =	vand.u32 $0x4, v8;
	v14 =	vadd.s32 v0, v9  }
0x316: {  	v12 =	vor.u32 v10, v14;
	_ =	sdelay $0x2  }
0x317: {  	v11 =	vmul.f32 $8.000000000e+00, v11;
	_ =	sdelay $0x1  }
0x318: {  	[tilespmem:v12+s19+$0x0] =	vst.idx.msk $0xffff, v11  }
0x319: {  	v11 =	vld [tilespmem:s25+$0xA410]  }
0x31a: {  	v15 =	vadd.s32 v1, v9  }
0x31b: {  	v12 =	vor.u32 v10, v15;
	_ =	sdelay $0x2  }
0x31c: {  	v11 =	vmul.f32 $8.000000000e+00, v11;
	_ =	sdelay $0x1  }
0x31d: {  	[tilespmem:v12+s19+$0x0] =	vst.idx.msk $0xffff, v11  }
0x31e: {  	v11 =	vld [tilespmem:s25+$0xA420]  }
0x31f: {  	v16 =	vadd.s32 v2, v9  }
0x320: {  	v12 =	vor.u32 v10, v16;
	_ =	sdelay $0x2  }
0x321: {  	v11 =	vmul.f32 $8.000000000e+00, v11;
	_ =	sdelay $0x1  }
0x322: {  	[tilespmem:v12+s19+$0x0] =	vst.idx.msk $0xffff, v11  }
0x323: {  	v11 =	vld [tilespmem:s25+$0xA430]  }
0x324: {  	v17 =	vadd.s32 v3, v9  }
0x325: {  	v12 =	vor.u32 v10, v17;
	_ =	sdelay $0x2  }
0x326: {  	v11 =	vmul.f32 $8.000000000e+00, v11;
	_ =	sdelay $0x1  }
0x327: {  	[tilespmem:v12+s19+$0x0] =	vst.idx.msk $0xffff, v11  }
0x328: {  	v12 =	vld [tilespmem:s25+$0xA440]  }
0x329: {  	v11 =	vor.u32 $0x1, v10  }
0x32a: {  	v13 =	vor.u32 v11, v14;
	_ =	sdelay $0x2  }
0x32b: {  	v12 =	vmul.f32 $8.000000000e+00, v12;
	_ =	sdelay $0x1  }
0x32c: {  	[tilespmem:v13+s19+$0x0] =	vst.idx.msk $0xffff, v12  }
0x32d: {  	v12 =	vld [tilespmem:s25+$0xA450];
	_ =	sdelay $0x1  }
0x32e: {  	v13 =	vor.u32 v11, v15;
	_ =	sdelay $0x2  }
0x32f: {  	v12 =	vmul.f32 $8.000000000e+00, v12;
	_ =	sdelay $0x1  }
0x330: {  	[tilespmem:v13+s19+$0x0] =	vst.idx.msk $0xffff, v12  }
0x331: {  	v12 =	vld [tilespmem:s25+$0xA460];
	_ =	sdelay $0x1  }
0x332: {  	v13 =	vor.u32 v11, v16;
	_ =	sdelay $0x2  }
0x333: {  	v12 =	vmul.f32 $8.000000000e+00, v12;
	_ =	sdelay $0x1  }
0x334: {  	[tilespmem:v13+s19+$0x0] =	vst.idx.msk $0xffff, v12  }
0x335: {  	v12 =	vld [tilespmem:s25+$0xA470];
	_ =	sdelay $0x1  }
0x336: {  	v13 =	vor.u32 v11, v17;
	_ =	sdelay $0x2  }
0x337: {  	v12 =	vmul.f32 $8.000000000e+00, v12;
	_ =	sdelay $0x1  }
0x338: {  	[tilespmem:v13+s19+$0x0] =	vst.idx.msk $0xffff, v12  }
0x339: {  	v13 =	vld [tilespmem:s25+$0xA480]  }
0x33a: {  	v12 =	vor.u32 $0x2, v10  }
0x33b: {  	v18 =	vor.u32 v12, v14;
	_ =	sdelay $0x2  }
0x33c: {  	v13 =	vmul.f32 $8.000000000e+00, v13;
	_ =	sdelay $0x1  }
0x33d: {  	[tilespmem:v18+s19+$0x0] =	vst.idx.msk $0xffff, v13  }
0x33e: {  	v13 =	vld [tilespmem:s25+$0xA490];
	_ =	sdelay $0x1  }
0x33f: {  	v18 =	vor.u32 v12, v15;
	_ =	sdelay $0x2  }
0x340: {  	v13 =	vmul.f32 $8.000000000e+00, v13;
	_ =	sdelay $0x1  }
0x341: {  	[tilespmem:v18+s19+$0x0] =	vst.idx.msk $0xffff, v13  }
0x342: {  	v13 =	vld [tilespmem:s25+$0xA4A0];
	_ =	sdelay $0x1  }
0x343: {  	v18 =	vor.u32 v12, v16;
	_ =	sdelay $0x2  }
0x344: {  	v13 =	vmul.f32 $8.000000000e+00, v13;
	_ =	sdelay $0x1  }
0x345: {  	[tilespmem:v18+s19+$0x0] =	vst.idx.msk $0xffff, v13  }
0x346: {  	v13 =	vld [tilespmem:s25+$0xA4B0];
	_ =	sdelay $0x1  }
0x347: {  	v18 =	vor.u32 v12, v17;
	_ =	sdelay $0x2  }
0x348: {  	v13 =	vmul.f32 $8.000000000e+00, v13;
	_ =	sdelay $0x1  }
0x349: {  	[tilespmem:v18+s19+$0x0] =	vst.idx.msk $0xffff, v13  }
0x34a: {  	v18 =	vld [tilespmem:s25+$0xA4C0]  }
0x34b: {  	v13 =	vor.u32 $0x3, v10  }
0x34c: {  	v14 =	vor.u32 v13, v14;
	_ =	sdelay $0x2  }
0x34d: {  	v18 =	vmul.f32 $8.000000000e+00, v18;
	_ =	sdelay $0x1  }
0x34e: {  	[tilespmem:v14+s19+$0x0] =	vst.idx.msk $0xffff, v18  }
0x34f: {  	v14 =	vld [tilespmem:s25+$0xA4D0];
	_ =	sdelay $0x1  }
0x350: {  	v15 =	vor.u32 v13, v15;
	_ =	sdelay $0x2  }
0x351: {  	v14 =	vmul.f32 $8.000000000e+00, v14;
	_ =	sdelay $0x1  }
0x352: {  	[tilespmem:v15+s19+$0x0] =	vst.idx.msk $0xffff, v14  }
0x353: {  	v14 =	vld [tilespmem:s25+$0xA4E0];
	_ =	sdelay $0x1  }
0x354: {  	v15 =	vor.u32 v13, v16;
	_ =	sdelay $0x2  }
0x355: {  	v14 =	vmul.f32 $8.000000000e+00, v14;
	_ =	sdelay $0x1  }
0x356: {  	[tilespmem:v15+s19+$0x0] =	vst.idx.msk $0xffff, v14  }
0x357: {  	v14 =	vld [tilespmem:s25+$0xA4F0];
	_ =	sdelay $0x1  }
0x358: {  	v15 =	vor.u32 v13, v17;
	_ =	sdelay $0x2  }
0x359: {  	s28 =	simm.s32 $0x400;
	s24 =	simm.s32 $0x400;
	s26 =	simm.s32 $0x800;
	v16 =	vmul.f32 $8.000000000e+00, v14;
	v14 =	vimm.s32 $0x0  }
.LBB2_13:
0x35a: {  	p0 =	sne.s32 s26, $0x7C00  }
0x35b: {  	s29 =	sshra.s32 s28, $0x2;
	v14 =	vadd.s32 $0x4, v14;
	s28 =	smov.u32 s26;
	s26 =	sadd.s32 $0x400, s26;
	[tilespmem:v15+s19+$0x0] =	vst.idx.msk $0xffff, v16  }
0x35c: {  	v19 =	vand.u32 $0xFFFFFFF8, v14;
	v17 =	vld [tilespmem:s29+$0xA400]  }
0x35d: {  	v16 =	vand.u32 $0x4, v14;
	v15 =	vadd.s32 v0, v19  }
0x35e: {  	v18 =	vor.u32 v16, v15;
	_ =	sdelay $0x2  }
0x35f: {  	v17 =	vmul.f32 $8.000000000e+00, v17;
	_ =	sdelay $0x1  }
0x360: {  	[tilespmem:v18+s19+$0x0] =	vst.idx.msk $0xffff, v17  }
0x361: {  	v18 =	vld [tilespmem:s29+$0xA410]  }
0x362: {  	v17 =	vadd.s32 v1, v19  }
0x363: {  	v20 =	vor.u32 v16, v17;
	_ =	sdelay $0x2  }
0x364: {  	v18 =	vmul.f32 $8.000000000e+00, v18;
	_ =	sdelay $0x1  }
0x365: {  	[tilespmem:v20+s19+$0x0] =	vst.idx.msk $0xffff, v18  }
0x366: {  	v20 =	vld [tilespmem:s29+$0xA420]  }
0x367: {  	v18 =	vadd.s32 v2, v19  }
0x368: {  	v21 =	vor.u32 v16, v18;
	_ =	sdelay $0x2  }
0x369: {  	v20 =	vmul.f32 $8.000000000e+00, v20;
	_ =	sdelay $0x1  }
0x36a: {  	[tilespmem:v21+s19+$0x0] =	vst.idx.msk $0xffff, v20  }
0x36b: {  	v20 =	vld [tilespmem:s29+$0xA430]  }
0x36c: {  	v19 =	vadd.s32 v3, v19  }
0x36d: {  	v21 =	vor.u32 v16, v19;
	_ =	sdelay $0x2  }
0x36e: {  	v20 =	vmul.f32 $8.000000000e+00, v20;
	_ =	sdelay $0x1  }
0x36f: {  	[tilespmem:v21+s19+$0x0] =	vst.idx.msk $0xffff, v20  }
0x370: {  	v20 =	vld [tilespmem:s29+$0xA440]  }
0x371: {  	v21 =	vor.u32 $0x1, v16  }
0x372: {  	v22 =	vor.u32 v21, v15;
	v23 =	vor.u32 v21, v19;
	_ =	sdelay $0x2  }
0x373: {  	v20 =	vmul.f32 $8.000000000e+00, v20;
	_ =	sdelay $0x1  }
0x374: {  	[tilespmem:v22+s19+$0x0] =	vst.idx.msk $0xffff, v20  }
0x375: {  	v20 =	vld [tilespmem:s29+$0xA450];
	_ =	sdelay $0x1  }
0x376: {  	v22 =	vor.u32 v21, v17;
	_ =	sdelay $0x2  }
0x377: {  	v20 =	vmul.f32 $8.000000000e+00, v20;
	_ =	sdelay $0x1  }
0x378: {  	[tilespmem:v22+s19+$0x0] =	vst.idx.msk $0xffff, v20  }
0x379: {  	v20 =	vld [tilespmem:s29+$0xA460];
	_ =	sdelay $0x1  }
0x37a: {  	v21 =	vor.u32 v21, v18;
	_ =	sdelay $0x2  }
0x37b: {  	v20 =	vmul.f32 $8.000000000e+00, v20;
	_ =	sdelay $0x1  }
0x37c: {  	[tilespmem:v21+s19+$0x0] =	vst.idx.msk $0xffff, v20  }
0x37d: {  	v20 =	vld [tilespmem:s29+$0xA470];
	_ =	sdelay $0x4  }
0x37e: {  	v20 =	vmul.f32 $8.000000000e+00, v20;
	_ =	sdelay $0x1  }
0x37f: {  	[tilespmem:v23+s19+$0x0] =	vst.idx.msk $0xffff, v20  }
0x380: {  	v20 =	vld [tilespmem:s29+$0xA480]  }
0x381: {  	v21 =	vor.u32 $0x2, v16  }
0x382: {  	v22 =	vor.u32 v21, v15;
	_ =	sdelay $0x2  }
0x383: {  	v20 =	vmul.f32 $8.000000000e+00, v20;
	_ =	sdelay $0x1  }
0x384: {  	[tilespmem:v22+s19+$0x0] =	vst.idx.msk $0xffff, v20  }
0x385: {  	v20 =	vld [tilespmem:s29+$0xA490];
	_ =	sdelay $0x1  }
0x386: {  	v22 =	vor.u32 v21, v17;
	_ =	sdelay $0x2  }
0x387: {  	v20 =	vmul.f32 $8.000000000e+00, v20;
	_ =	sdelay $0x1  }
0x388: {  	[tilespmem:v22+s19+$0x0] =	vst.idx.msk $0xffff, v20  }
0x389: {  	v20 =	vld [tilespmem:s29+$0xA4A0];
	_ =	sdelay $0x1  }
0x38a: {  	v22 =	vor.u32 v21, v18;
	_ =	sdelay $0x2  }
0x38b: {  	v20 =	vmul.f32 $8.000000000e+00, v20;
	_ =	sdelay $0x1  }
0x38c: {  	[tilespmem:v22+s19+$0x0] =	vst.idx.msk $0xffff, v20  }
0x38d: {  	v20 =	vld [tilespmem:s29+$0xA4B0];
	_ =	sdelay $0x1  }
0x38e: {  	v21 =	vor.u32 v21, v19;
	_ =	sdelay $0x2  }
0x38f: {  	v20 =	vmul.f32 $8.000000000e+00, v20;
	_ =	sdelay $0x1  }
0x390: {  	[tilespmem:v21+s19+$0x0] =	vst.idx.msk $0xffff, v20  }
0x391: {  	v20 =	vld [tilespmem:s29+$0xA4C0]  }
0x392: {  	v16 =	vor.u32 $0x3, v16  }
0x393: {  	v15 =	vor.u32 v16, v15;
	_ =	sdelay $0x2  }
0x394: {  	v20 =	vmul.f32 $8.000000000e+00, v20;
	_ =	sdelay $0x1  }
0x395: {  	[tilespmem:v15+s19+$0x0] =	vst.idx.msk $0xffff, v20  }
0x396: {  	v15 =	vld [tilespmem:s29+$0xA4D0];
	_ =	sdelay $0x1  }
0x397: {  	v17 =	vor.u32 v16, v17;
	_ =	sdelay $0x2  }
0x398: {  	v15 =	vmul.f32 $8.000000000e+00, v15;
	_ =	sdelay $0x1  }
0x399: {  	[tilespmem:v17+s19+$0x0] =	vst.idx.msk $0xffff, v15  }
0x39a: {  	v15 =	vld [tilespmem:s29+$0xA4E0];
	_ =	sdelay $0x1  }
0x39b: {  	v17 =	vor.u32 v16, v18;
	_ =	sdelay $0x2  }
0x39c: {  	v15 =	vmul.f32 $8.000000000e+00, v15;
	_ =	sdelay $0x1  }
0x39d: {  	[tilespmem:v17+s19+$0x0] =	vst.idx.msk $0xffff, v15  }
0x39e: {  	v17 =	vld [tilespmem:s29+$0xA4F0]  }
.Ltmp5:
0x39f: {  	(pc) =	sbr.rel @p0 .LBB2_13-.Ltmp5, $2  }
0x3a0: {  	v15 =	vor.u32 v16, v19;
	_ =	sdelay $0x2  }
0x3a1: {  	v16 =	vmul.f32 $8.000000000e+00, v17  }
0x3a2: {  	_ =	sdelay $0x3  }
0x3a3: {  	s26 =	sshra.s32 s28, $0x2;
	v14 =	vadd.s32 $0x4, v14;
	[tilespmem:v15+s19+$0x0] =	vst.idx.msk $0xffff, v16  }
0x3a4: {  	v42 =	vand.u32 $0xFFFFFFF8, v14;
	v15 =	vld [tilespmem:s26+$0xA400]  }
0x3a5: {  	v14 =	vand.u32 $0x4, v14;
	v17 =	vadd.s32 v0, v42  }
0x3a6: {  	v18 =	vor.u32 v14, v17;
	_ =	sdelay $0x2  }
0x3a7: {  	v15 =	vmul.f32 $8.000000000e+00, v15;
	_ =	sdelay $0x1  }
0x3a8: {  	[tilespmem:v18+s19+$0x0] =	vst.idx.msk $0xffff, v15  }
0x3a9: {  	v15 =	vld [tilespmem:s26+$0xA410]  }
0x3aa: {  	v43 =	vadd.s32 v1, v42  }
0x3ab: {  	v19 =	vor.u32 v14, v43;
	_ =	sdelay $0x2  }
0x3ac: {  	v15 =	vmul.f32 $8.000000000e+00, v15;
	_ =	sdelay $0x1  }
0x3ad: {  	[tilespmem:v19+s19+$0x0] =	vst.idx.msk $0xffff, v15  }
0x3ae: {  	v15 =	vld [tilespmem:s26+$0xA420]  }
0x3af: {  	v44 =	vadd.s32 v2, v42  }
0x3b0: {  	v20 =	vor.u32 v14, v44;
	_ =	sdelay $0x2  }
0x3b1: {  	v15 =	vmul.f32 $8.000000000e+00, v15;
	_ =	sdelay $0x1  }
0x3b2: {  	[tilespmem:v20+s19+$0x0] =	vst.idx.msk $0xffff, v15  }
0x3b3: {  	v15 =	vld [tilespmem:s26+$0xA430]  }
0x3b4: {  	v16 =	vadd.s32 v3, v42  }
0x3b5: {  	v45 =	vor.u32 v14, v16;
	_ =	sdelay $0x2  }
0x3b6: {  	v15 =	vmul.f32 $8.000000000e+00, v15;
	_ =	sdelay $0x1  }
0x3b7: {  	[tilespmem:v45+s19+$0x0] =	vst.idx.msk $0xffff, v15  }
0x3b8: {  	v15 =	vld [tilespmem:s26+$0xA440]  }
0x3b9: {  	v46 =	vor.u32 $0x1, v14  }
0x3ba: {  	v21 =	vor.u32 v46, v17;
	_ =	sdelay $0x2  }
0x3bb: {  	v15 =	vmul.f32 $8.000000000e+00, v15;
	_ =	sdelay $0x1  }
0x3bc: {  	[tilespmem:v21+s19+$0x0] =	vst.idx.msk $0xffff, v15  }
0x3bd: {  	v15 =	vld [tilespmem:s26+$0xA450];
	_ =	sdelay $0x1  }
0x3be: {  	v47 =	vor.u32 v46, v43;
	_ =	sdelay $0x2  }
0x3bf: {  	v15 =	vmul.f32 $8.000000000e+00, v15;
	_ =	sdelay $0x1  }
0x3c0: {  	[tilespmem:v47+s19+$0x0] =	vst.idx.msk $0xffff, v15  }
0x3c1: {  	v15 =	vld [tilespmem:s26+$0xA460];
	_ =	sdelay $0x1  }
0x3c2: {  	v48 =	vor.u32 v46, v44;
	_ =	sdelay $0x2  }
0x3c3: {  	v15 =	vmul.f32 $8.000000000e+00, v15;
	_ =	sdelay $0x1  }
0x3c4: {  	[tilespmem:v48+s19+$0x0] =	vst.idx.msk $0xffff, v15  }
0x3c5: {  	v15 =	vld [tilespmem:s26+$0xA470];
	_ =	sdelay $0x1  }
0x3c6: {  	v20 =	vor.u32 v46, v16;
	_ =	sdelay $0x2  }
0x3c7: {  	v15 =	vmul.f32 $8.000000000e+00, v15;
	_ =	sdelay $0x1  }
0x3c8: {  	[tilespmem:v20+s19+$0x0] =	vst.idx.msk $0xffff, v15  }
0x3c9: {  	v15 =	vld [tilespmem:s26+$0xA480]  }
0x3ca: {  	v49 =	vor.u32 $0x2, v14  }
0x3cb: {  	v50 =	vor.u32 v49, v17;
	_ =	sdelay $0x2  }
0x3cc: {  	v15 =	vmul.f32 $8.000000000e+00, v15;
	_ =	sdelay $0x1  }
0x3cd: {  	[tilespmem:v50+s19+$0x0] =	vst.idx.msk $0xffff, v15  }
0x3ce: {  	v15 =	vld [tilespmem:s26+$0xA490];
	_ =	sdelay $0x1  }
0x3cf: {  	v51 =	vor.u32 v49, v43;
	_ =	sdelay $0x2  }
0x3d0: {  	v15 =	vmul.f32 $8.000000000e+00, v15;
	_ =	sdelay $0x1  }
0x3d1: {  	[tilespmem:v51+s19+$0x0] =	vst.idx.msk $0xffff, v15  }
0x3d2: {  	v15 =	vld [tilespmem:s26+$0xA4A0];
	_ =	sdelay $0x1  }
0x3d3: {  	v52 =	vor.u32 v49, v44;
	_ =	sdelay $0x2  }
0x3d4: {  	v15 =	vmul.f32 $8.000000000e+00, v15;
	_ =	sdelay $0x1  }
0x3d5: {  	[tilespmem:v52+s19+$0x0] =	vst.idx.msk $0xffff, v15  }
0x3d6: {  	v15 =	vld [tilespmem:s26+$0xA4B0];
	_ =	sdelay $0x1  }
0x3d7: {  	v20 =	vor.u32 v49, v16;
	_ =	sdelay $0x2  }
0x3d8: {  	v15 =	vmul.f32 $8.000000000e+00, v15;
	_ =	sdelay $0x1  }
0x3d9: {  	[tilespmem:v20+s19+$0x0] =	vst.idx.msk $0xffff, v15  }
0x3da: {  	v15 =	vld [tilespmem:s26+$0xA4C0]  }
0x3db: {  	v14 =	vor.u32 $0x3, v14  }
0x3dc: {  	v17 =	vor.u32 v14, v17;
	_ =	sdelay $0x2  }
0x3dd: {  	v15 =	vmul.f32 $8.000000000e+00, v15;
	_ =	sdelay $0x1  }
0x3de: {  	[tilespmem:v17+s19+$0x0] =	vst.idx.msk $0xffff, v15  }
0x3df: {  	v15 =	vld [tilespmem:s26+$0xA4D0];
	_ =	sdelay $0x1  }
0x3e0: {  	v53 =	vor.u32 v14, v43;
	_ =	sdelay $0x2  }
0x3e1: {  	v15 =	vmul.f32 $8.000000000e+00, v15;
	_ =	sdelay $0x1  }
0x3e2: {  	[tilespmem:v53+s19+$0x0] =	vst.idx.msk $0xffff, v15  }
0x3e3: {  	v15 =	vld [tilespmem:s26+$0xA4E0];
	_ =	sdelay $0x1  }
0x3e4: {  	v54 =	vor.u32 v14, v44;
	_ =	sdelay $0x2  }
0x3e5: {  	v15 =	vmul.f32 $8.000000000e+00, v15;
	_ =	sdelay $0x1  }
0x3e6: {  	[tilespmem:v54+s19+$0x0] =	vst.idx.msk $0xffff, v15  }
0x3e7: {  	v15 =	vld [tilespmem:s26+$0xA4F0];
	_ =	sdelay $0x1  }
0x3e8: {  	v14 =	vor.u32 v14, v16;
	_ =	sdelay $0x2  }
0x3e9: {  	v15 =	vmul.f32 $8.000000000e+00, v15;
	_ =	sdelay $0x1  }
0x3ea: {  	[tilespmem:v14+s19+$0x0] =	vst.idx.msk $0xffff, v15  }
0x3eb: {  	v14 =	vld [tilespmem:s25+$0xC400]  }
0x3ec: {  	v55 =	vadd.s32 v4, v9  }
0x3ed: {  	v56 =	vor.u32 v10, v55;
	_ =	sdelay $0x2  }
0x3ee: {  	v14 =	vmul.f32 $8.000000000e+00, v14;
	_ =	sdelay $0x1  }
0x3ef: {  	[tilespmem:v56+s19+$0x0] =	vst.idx.msk $0xffff, v14  }
0x3f0: {  	v14 =	vld [tilespmem:s25+$0xC410]  }
0x3f1: {  	v57 =	vadd.s32 v5, v9  }
0x3f2: {  	v58 =	vor.u32 v10, v57;
	_ =	sdelay $0x2  }
0x3f3: {  	v14 =	vmul.f32 $8.000000000e+00, v14;
	_ =	sdelay $0x1  }
0x3f4: {  	[tilespmem:v58+s19+$0x0] =	vst.idx.msk $0xffff, v14  }
0x3f5: {  	v14 =	vld [tilespmem:s25+$0xC420]  }
0x3f6: {  	v59 =	vadd.s32 v6, v9  }
0x3f7: {  	v60 =	vor.u32 v10, v59;
	_ =	sdelay $0x2  }
0x3f8: {  	v14 =	vmul.f32 $8.000000000e+00, v14;
	_ =	sdelay $0x1  }
0x3f9: {  	[tilespmem:v60+s19+$0x0] =	vst.idx.msk $0xffff, v14  }
0x3fa: {  	v14 =	vld [tilespmem:s25+$0xC430]  }
0x3fb: {  	v9 =	vadd.s32 v7, v9  }
0x3fc: {  	v10 =	vor.u32 v10, v9;
	_ =	sdelay $0x2  }
0x3fd: {  	v14 =	vmul.f32 $8.000000000e+00, v14;
	_ =	sdelay $0x1  }
0x3fe: {  	[tilespmem:v10+s19+$0x0] =	vst.idx.msk $0xffff, v14  }
0x3ff: {  	v10 =	vld [tilespmem:s25+$0xC440];
	_ =	sdelay $0x1  }
0x400: {  	v61 =	vor.u32 v11, v55;
	_ =	sdelay $0x2  }
0x401: {  	v10 =	vmul.f32 $8.000000000e+00, v10;
	_ =	sdelay $0x1  }
0x402: {  	[tilespmem:v61+s19+$0x0] =	vst.idx.msk $0xffff, v10  }
0x403: {  	v10 =	vld [tilespmem:s25+$0xC450];
	_ =	sdelay $0x1  }
0x404: {  	v62 =	vor.u32 v11, v57;
	_ =	sdelay $0x2  }
0x405: {  	v10 =	vmul.f32 $8.000000000e+00, v10;
	_ =	sdelay $0x1  }
0x406: {  	[tilespmem:v62+s19+$0x0] =	vst.idx.msk $0xffff, v10  }
0x407: {  	v10 =	vld [tilespmem:s25+$0xC460];
	_ =	sdelay $0x1  }
0x408: {  	v63 =	vor.u32 v11, v59;
	_ =	sdelay $0x2  }
0x409: {  	v10 =	vmul.f32 $8.000000000e+00, v10;
	_ =	sdelay $0x1  }
0x40a: {  	[tilespmem:v63+s19+$0x0] =	vst.idx.msk $0xffff, v10  }
0x40b: {  	v10 =	vld [tilespmem:s25+$0xC470];
	_ =	sdelay $0x1  }
0x40c: {  	v11 =	vor.u32 v11, v9;
	_ =	sdelay $0x2  }
0x40d: {  	v10 =	vmul.f32 $8.000000000e+00, v10;
	_ =	sdelay $0x1  }
0x40e: {  	[tilespmem:v11+s19+$0x0] =	vst.idx.msk $0xffff, v10  }
0x40f: {  	v10 =	vld [tilespmem:s25+$0xC480];
	_ =	sdelay $0x1  }
0x410: {  	v11 =	vor.u32 v12, v55;
	_ =	sdelay $0x2  }
0x411: {  	v10 =	vmul.f32 $8.000000000e+00, v10;
	_ =	sdelay $0x1  }
0x412: {  	[tilespmem:v11+s19+$0x0] =	vst.idx.msk $0xffff, v10  }
0x413: {  	v10 =	vld [tilespmem:s25+$0xC490];
	_ =	sdelay $0x1  }
0x414: {  	v11 =	vor.u32 v12, v57;
	_ =	sdelay $0x2  }
0x415: {  	v10 =	vmul.f32 $8.000000000e+00, v10;
	_ =	sdelay $0x1  }
0x416: {  	[tilespmem:v11+s19+$0x0] =	vst.idx.msk $0xffff, v10  }
0x417: {  	v10 =	vld [tilespmem:s25+$0xC4A0];
	_ =	sdelay $0x1  }
0x418: {  	v11 =	vor.u32 v12, v59;
	_ =	sdelay $0x2  }
0x419: {  	v10 =	vmul.f32 $8.000000000e+00, v10;
	_ =	sdelay $0x1  }
0x41a: {  	[tilespmem:v11+s19+$0x0] =	vst.idx.msk $0xffff, v10  }
0x41b: {  	v10 =	vld [tilespmem:s25+$0xC4B0];
	_ =	sdelay $0x1  }
0x41c: {  	v11 =	vor.u32 v12, v9;
	_ =	sdelay $0x2  }
0x41d: {  	v10 =	vmul.f32 $8.000000000e+00, v10;
	_ =	sdelay $0x1  }
0x41e: {  	[tilespmem:v11+s19+$0x0] =	vst.idx.msk $0xffff, v10  }
0x41f: {  	v10 =	vld [tilespmem:s25+$0xC4C0];
	_ =	sdelay $0x1  }
0x420: {  	v11 =	vor.u32 v13, v55;
	_ =	sdelay $0x2  }
0x421: {  	v10 =	vmul.f32 $8.000000000e+00, v10;
	_ =	sdelay $0x1  }
0x422: {  	[tilespmem:v11+s19+$0x0] =	vst.idx.msk $0xffff, v10  }
0x423: {  	v10 =	vld [tilespmem:s25+$0xC4D0];
	_ =	sdelay $0x1  }
0x424: {  	v11 =	vor.u32 v13, v57;
	_ =	sdelay $0x2  }
0x425: {  	v10 =	vmul.f32 $8.000000000e+00, v10;
	_ =	sdelay $0x1  }
0x426: {  	[tilespmem:v11+s19+$0x0] =	vst.idx.msk $0xffff, v10  }
0x427: {  	v10 =	vld [tilespmem:s25+$0xC4E0];
	_ =	sdelay $0x1  }
0x428: {  	v11 =	vor.u32 v13, v59;
	_ =	sdelay $0x2  }
0x429: {  	v10 =	vmul.f32 $8.000000000e+00, v10;
	_ =	sdelay $0x1  }
0x42a: {  	[tilespmem:v11+s19+$0x0] =	vst.idx.msk $0xffff, v10  }
0x42b: {  	v10 =	vld [tilespmem:s25+$0xC4F0];
	_ =	sdelay $0x1  }
0x42c: {  	v9 =	vor.u32 v13, v9;
	_ =	sdelay $0x2  }
0x42d: {  	s25 =	simm.s32 $0x800;
	v10 =	vmul.f32 $8.000000000e+00, v10  }
.LBB2_15:
0x42e: {  	p0 =	sne.s32 s25, $0x7C00  }
0x42f: {  	s26 =	sshra.s32 s24, $0x2;
	v8 =	vadd.s32 $0x4, v8;
	s24 =	smov.u32 s25;
	s25 =	sadd.s32 $0x400, s25;
	[tilespmem:v9+s19+$0x0] =	vst.idx.msk $0xffff, v10  }
0x430: {  	v13 =	vand.u32 $0xFFFFFFF8, v8;
	v11 =	vld [tilespmem:s26+$0xC400]  }
0x431: {  	v10 =	vand.u32 $0x4, v8;
	v9 =	vadd.s32 v4, v13  }
0x432: {  	v12 =	vor.u32 v10, v9;
	_ =	sdelay $0x2  }
0x433: {  	v11 =	vmul.f32 $8.000000000e+00, v11;
	_ =	sdelay $0x1  }
0x434: {  	[tilespmem:v12+s19+$0x0] =	vst.idx.msk $0xffff, v11  }
0x435: {  	v12 =	vld [tilespmem:s26+$0xC410]  }
0x436: {  	v11 =	vadd.s32 v5, v13  }
0x437: {  	v14 =	vor.u32 v10, v11;
	_ =	sdelay $0x2  }
0x438: {  	v12 =	vmul.f32 $8.000000000e+00, v12;
	_ =	sdelay $0x1  }
0x439: {  	[tilespmem:v14+s19+$0x0] =	vst.idx.msk $0xffff, v12  }
0x43a: {  	v14 =	vld [tilespmem:s26+$0xC420]  }
0x43b: {  	v12 =	vadd.s32 v6, v13  }
0x43c: {  	v15 =	vor.u32 v10, v12;
	_ =	sdelay $0x2  }
0x43d: {  	v14 =	vmul.f32 $8.000000000e+00, v14;
	_ =	sdelay $0x1  }
0x43e: {  	[tilespmem:v15+s19+$0x0] =	vst.idx.msk $0xffff, v14  }
0x43f: {  	v14 =	vld [tilespmem:s26+$0xC430]  }
0x440: {  	v13 =	vadd.s32 v7, v13  }
0x441: {  	v15 =	vor.u32 v10, v13;
	_ =	sdelay $0x2  }
0x442: {  	v14 =	vmul.f32 $8.000000000e+00, v14;
	_ =	sdelay $0x1  }
0x443: {  	[tilespmem:v15+s19+$0x0] =	vst.idx.msk $0xffff, v14  }
0x444: {  	v14 =	vld [tilespmem:s26+$0xC440]  }
0x445: {  	v15 =	vor.u32 $0x1, v10  }
0x446: {  	v16 =	vor.u32 v15, v9;
	v17 =	vor.u32 v15, v13;
	_ =	sdelay $0x2  }
0x447: {  	v14 =	vmul.f32 $8.000000000e+00, v14;
	_ =	sdelay $0x1  }
0x448: {  	[tilespmem:v16+s19+$0x0] =	vst.idx.msk $0xffff, v14  }
0x449: {  	v14 =	vld [tilespmem:s26+$0xC450];
	_ =	sdelay $0x1  }
0x44a: {  	v16 =	vor.u32 v15, v11;
	_ =	sdelay $0x2  }
0x44b: {  	v14 =	vmul.f32 $8.000000000e+00, v14;
	_ =	sdelay $0x1  }
0x44c: {  	[tilespmem:v16+s19+$0x0] =	vst.idx.msk $0xffff, v14  }
0x44d: {  	v14 =	vld [tilespmem:s26+$0xC460];
	_ =	sdelay $0x1  }
0x44e: {  	v15 =	vor.u32 v15, v12;
	_ =	sdelay $0x2  }
0x44f: {  	v14 =	vmul.f32 $8.000000000e+00, v14;
	_ =	sdelay $0x1  }
0x450: {  	[tilespmem:v15+s19+$0x0] =	vst.idx.msk $0xffff, v14  }
0x451: {  	v14 =	vld [tilespmem:s26+$0xC470];
	_ =	sdelay $0x4  }
0x452: {  	v14 =	vmul.f32 $8.000000000e+00, v14;
	_ =	sdelay $0x1  }
0x453: {  	[tilespmem:v17+s19+$0x0] =	vst.idx.msk $0xffff, v14  }
0x454: {  	v14 =	vld [tilespmem:s26+$0xC480]  }
0x455: {  	v15 =	vor.u32 $0x2, v10  }
0x456: {  	v16 =	vor.u32 v15, v9;
	_ =	sdelay $0x2  }
0x457: {  	v14 =	vmul.f32 $8.000000000e+00, v14;
	_ =	sdelay $0x1  }
0x458: {  	[tilespmem:v16+s19+$0x0] =	vst.idx.msk $0xffff, v14  }
0x459: {  	v14 =	vld [tilespmem:s26+$0xC490];
	_ =	sdelay $0x1  }
0x45a: {  	v16 =	vor.u32 v15, v11;
	_ =	sdelay $0x2  }
0x45b: {  	v14 =	vmul.f32 $8.000000000e+00, v14;
	_ =	sdelay $0x1  }
0x45c: {  	[tilespmem:v16+s19+$0x0] =	vst.idx.msk $0xffff, v14  }
0x45d: {  	v14 =	vld [tilespmem:s26+$0xC4A0];
	_ =	sdelay $0x1  }
0x45e: {  	v16 =	vor.u32 v15, v12;
	_ =	sdelay $0x2  }
0x45f: {  	v14 =	vmul.f32 $8.000000000e+00, v14;
	_ =	sdelay $0x1  }
0x460: {  	[tilespmem:v16+s19+$0x0] =	vst.idx.msk $0xffff, v14  }
0x461: {  	v14 =	vld [tilespmem:s26+$0xC4B0];
	_ =	sdelay $0x1  }
0x462: {  	v15 =	vor.u32 v15, v13;
	_ =	sdelay $0x2  }
0x463: {  	v14 =	vmul.f32 $8.000000000e+00, v14;
	_ =	sdelay $0x1  }
0x464: {  	[tilespmem:v15+s19+$0x0] =	vst.idx.msk $0xffff, v14  }
0x465: {  	v14 =	vld [tilespmem:s26+$0xC4C0]  }
0x466: {  	v10 =	vor.u32 $0x3, v10  }
0x467: {  	v9 =	vor.u32 v10, v9;
	_ =	sdelay $0x2  }
0x468: {  	v14 =	vmul.f32 $8.000000000e+00, v14;
	_ =	sdelay $0x1  }
0x469: {  	[tilespmem:v9+s19+$0x0] =	vst.idx.msk $0xffff, v14  }
0x46a: {  	v9 =	vld [tilespmem:s26+$0xC4D0];
	_ =	sdelay $0x1  }
0x46b: {  	v11 =	vor.u32 v10, v11;
	_ =	sdelay $0x2  }
0x46c: {  	v9 =	vmul.f32 $8.000000000e+00, v9;
	_ =	sdelay $0x1  }
0x46d: {  	[tilespmem:v11+s19+$0x0] =	vst.idx.msk $0xffff, v9  }
0x46e: {  	v9 =	vld [tilespmem:s26+$0xC4E0];
	_ =	sdelay $0x1  }
0x46f: {  	v11 =	vor.u32 v10, v12;
	_ =	sdelay $0x2  }
0x470: {  	v9 =	vmul.f32 $8.000000000e+00, v9;
	_ =	sdelay $0x1  }
0x471: {  	[tilespmem:v11+s19+$0x0] =	vst.idx.msk $0xffff, v9  }
0x472: {  	v11 =	vld [tilespmem:s26+$0xC4F0]  }
.Ltmp6:
0x473: {  	(pc) =	sbr.rel @p0 .LBB2_15-.Ltmp6, $2  }
0x474: {  	v9 =	vor.u32 v10, v13;
	_ =	sdelay $0x2  }
0x475: {  	v10 =	vmul.f32 $8.000000000e+00, v11  }
0x476: {  	_ =	sdelay $0x3  }
0x477: {  	s24 =	sshra.s32 s24, $0x2;
	v8 =	vadd.s32 $0x4, v8;
	[tilespmem:v9+s19+$0x0] =	vst.idx.msk $0xffff, v10  }
0x478: {  	v51 =	vand.u32 $0xFFFFFFF8, v8;
	v9 =	vld [tilespmem:s24+$0xC400]  }
0x479: {  	v8 =	vand.u32 $0x4, v8;
	v11 =	vadd.s32 v4, v51  }
0x47a: {  	v12 =	vor.u32 v8, v11;
	_ =	sdelay $0x2  }
0x47b: {  	v9 =	vmul.f32 $8.000000000e+00, v9;
	_ =	sdelay $0x1  }
0x47c: {  	[tilespmem:v12+s19+$0x0] =	vst.idx.msk $0xffff, v9  }
0x47d: {  	v9 =	vld [tilespmem:s24+$0xC410]  }
0x47e: {  	v52 =	vadd.s32 v5, v51  }
0x47f: {  	v13 =	vor.u32 v8, v52;
	_ =	sdelay $0x2  }
0x480: {  	v9 =	vmul.f32 $8.000000000e+00, v9;
	_ =	sdelay $0x1  }
0x481: {  	[tilespmem:v13+s19+$0x0] =	vst.idx.msk $0xffff, v9  }
0x482: {  	v9 =	vld [tilespmem:s24+$0xC420]  }
0x483: {  	v53 =	vadd.s32 v6, v51  }
0x484: {  	v14 =	vor.u32 v8, v53;
	_ =	sdelay $0x2  }
0x485: {  	v9 =	vmul.f32 $8.000000000e+00, v9;
	_ =	sdelay $0x1  }
0x486: {  	[tilespmem:v14+s19+$0x0] =	vst.idx.msk $0xffff, v9  }
0x487: {  	v9 =	vld [tilespmem:s24+$0xC430]  }
0x488: {  	v10 =	vadd.s32 v7, v51  }
0x489: {  	v54 =	vor.u32 v8, v10;
	_ =	sdelay $0x2  }
0x48a: {  	v9 =	vmul.f32 $8.000000000e+00, v9;
	_ =	sdelay $0x1  }
0x48b: {  	[tilespmem:v54+s19+$0x0] =	vst.idx.msk $0xffff, v9  }
0x48c: {  	v9 =	vld [tilespmem:s24+$0xC440]  }
0x48d: {  	v55 =	vor.u32 $0x1, v8  }
0x48e: {  	v15 =	vor.u32 v55, v11;
	_ =	sdelay $0x2  }
0x48f: {  	v9 =	vmul.f32 $8.000000000e+00, v9;
	_ =	sdelay $0x1  }
0x490: {  	[tilespmem:v15+s19+$0x0] =	vst.idx.msk $0xffff, v9  }
0x491: {  	v9 =	vld [tilespmem:s24+$0xC450];
	_ =	sdelay $0x1  }
0x492: {  	v56 =	vor.u32 v55, v52;
	_ =	sdelay $0x2  }
0x493: {  	v9 =	vmul.f32 $8.000000000e+00, v9;
	_ =	sdelay $0x1  }
0x494: {  	[tilespmem:v56+s19+$0x0] =	vst.idx.msk $0xffff, v9  }
0x495: {  	v9 =	vld [tilespmem:s24+$0xC460];
	_ =	sdelay $0x1  }
0x496: {  	v57 =	vor.u32 v55, v53;
	_ =	sdelay $0x2  }
0x497: {  	v9 =	vmul.f32 $8.000000000e+00, v9;
	_ =	sdelay $0x1  }
0x498: {  	[tilespmem:v57+s19+$0x0] =	vst.idx.msk $0xffff, v9  }
0x499: {  	v9 =	vld [tilespmem:s24+$0xC470];
	_ =	sdelay $0x1  }
0x49a: {  	v14 =	vor.u32 v55, v10;
	_ =	sdelay $0x2  }
0x49b: {  	v9 =	vmul.f32 $8.000000000e+00, v9;
	_ =	sdelay $0x1  }
0x49c: {  	[tilespmem:v14+s19+$0x0] =	vst.idx.msk $0xffff, v9  }
0x49d: {  	v9 =	vld [tilespmem:s24+$0xC480]  }
0x49e: {  	v58 =	vor.u32 $0x2, v8  }
0x49f: {  	v59 =	vor.u32 v58, v11;
	_ =	sdelay $0x2  }
0x4a0: {  	v9 =	vmul.f32 $8.000000000e+00, v9;
	_ =	sdelay $0x1  }
0x4a1: {  	[tilespmem:v59+s19+$0x0] =	vst.idx.msk $0xffff, v9  }
0x4a2: {  	v9 =	vld [tilespmem:s24+$0xC490];
	_ =	sdelay $0x1  }
0x4a3: {  	v60 =	vor.u32 v58, v52;
	_ =	sdelay $0x2  }
0x4a4: {  	v9 =	vmul.f32 $8.000000000e+00, v9;
	_ =	sdelay $0x1  }
0x4a5: {  	[tilespmem:v60+s19+$0x0] =	vst.idx.msk $0xffff, v9  }
0x4a6: {  	v9 =	vld [tilespmem:s24+$0xC4A0];
	_ =	sdelay $0x1  }
0x4a7: {  	v61 =	vor.u32 v58, v53;
	_ =	sdelay $0x2  }
0x4a8: {  	v9 =	vmul.f32 $8.000000000e+00, v9;
	_ =	sdelay $0x1  }
0x4a9: {  	[tilespmem:v61+s19+$0x0] =	vst.idx.msk $0xffff, v9  }
0x4aa: {  	v9 =	vld [tilespmem:s24+$0xC4B0];
	_ =	sdelay $0x1  }
0x4ab: {  	v14 =	vor.u32 v58, v10;
	_ =	sdelay $0x2  }
0x4ac: {  	v9 =	vmul.f32 $8.000000000e+00, v9;
	_ =	sdelay $0x1  }
0x4ad: {  	[tilespmem:v14+s19+$0x0] =	vst.idx.msk $0xffff, v9  }
0x4ae: {  	v9 =	vld [tilespmem:s24+$0xC4C0]  }
0x4af: {  	v8 =	vor.u32 $0x3, v8  }
0x4b0: {  	v11 =	vor.u32 v8, v11;
	_ =	sdelay $0x2  }
0x4b1: {  	v9 =	vmul.f32 $8.000000000e+00, v9;
	_ =	sdelay $0x1  }
0x4b2: {  	[tilespmem:v11+s19+$0x0] =	vst.idx.msk $0xffff, v9  }
0x4b3: {  	v9 =	vld [tilespmem:s24+$0xC4D0];
	_ =	sdelay $0x1  }
0x4b4: {  	v62 =	vor.u32 v8, v52;
	_ =	sdelay $0x2  }
0x4b5: {  	v9 =	vmul.f32 $8.000000000e+00, v9;
	_ =	sdelay $0x1  }
0x4b6: {  	[tilespmem:v62+s19+$0x0] =	vst.idx.msk $0xffff, v9  }
0x4b7: {  	v9 =	vld [tilespmem:s24+$0xC4E0];
	_ =	sdelay $0x1  }
0x4b8: {  	v63 =	vor.u32 v8, v53;
	_ =	sdelay $0x2  }
0x4b9: {  	v9 =	vmul.f32 $8.000000000e+00, v9;
	_ =	sdelay $0x1  }
0x4ba: {  	[tilespmem:v63+s19+$0x0] =	vst.idx.msk $0xffff, v9  }
0x4bb: {  	v9 =	vld [tilespmem:s24+$0xC4F0];
	_ =	sdelay $0x1  }
0x4bc: {  	s22 =	sadd.s32 s22, s7;
	v8 =	vor.u32 v8, v10  }
0x4bd: {  	s22 =	sadd.s32 $0x1, s22  }
0x4be: {  	s31 =	sshll.u32 s22, $0x8  }
0x4bf: {  	s22 =	sshll.u32 s22, $0xB;
	s24 =	sand.u32 $0xF00, s31;
	v9 =	vmul.f32 $8.000000000e+00, v9  }
0x4c0: {  	s22 =	sand.u32 $0xFFF8000, s22;
	s24 =	sadd.s32 s2, s24  }
0x4c1: {  	s25 =	simm.s32 $0x12800;
	s24 =	sadd.s32 s22, s24;
	[tilespmem:v8+s19+$0x0] =	vst.idx.msk $0xffff, v9  }
0x4c2: {  	[hbm4b:s24+s3] =	stream.linear.scatter [tilespmem:s25], [sflag:$0x4], $0x80, $0x38;
	[tilespmem:$0x16C00] =	vst v63  }
0x4c3: {  	s26 =	simm.s32 $0x12888;
	s25 =	sadd.s32 $0x10, s24  }
0x4c4: {  	[hbm4b:s25+s3] =	stream.linear.scatter [tilespmem:s26], [sflag:$0x4], $0x80, $0x38;
	[tilespmem:$0x16C00] =	vst v63  }
0x4c5: {  	s30 =	simm.s32 $0x12910;
	s31 =	sadd.s32 $0x20, s24  }
0x4c6: {  	[hbm4b:s31+s3] =	stream.linear.scatter [tilespmem:s30], [sflag:$0x4], $0x80, $0x38;
	[tilespmem:$0x16C00] =	vst v63  }
0x4c7: {  	s25 =	simm.s32 $0x12998;
	s26 =	sadd.s32 $0x30, s24  }
0x4c8: {  	[hbm4b:s26+s3] =	stream.linear.scatter [tilespmem:s25], [sflag:$0x4], $0x80, $0x38;
	[tilespmem:$0x16C00] =	vst v63  }
0x4c9: {  	s30 =	simm.s32 $0x12A20;
	s31 =	sadd.s32 $0x40, s24  }
0x4ca: {  	[hbm4b:s31+s3] =	stream.linear.scatter [tilespmem:s30], [sflag:$0x4], $0x80, $0x38;
	[tilespmem:$0x16C00] =	vst v63  }
0x4cb: {  	s25 =	simm.s32 $0x12AA8;
	s26 =	sadd.s32 $0x50, s24  }
0x4cc: {  	[hbm4b:s26+s3] =	stream.linear.scatter [tilespmem:s25], [sflag:$0x4], $0x80, $0x38;
	[tilespmem:$0x16C00] =	vst v63  }
0x4cd: {  	s30 =	simm.s32 $0x12B30;
	s31 =	sadd.s32 $0x60, s24  }
0x4ce: {  	[hbm4b:s31+s3] =	stream.linear.scatter [tilespmem:s30], [sflag:$0x4], $0x80, $0x38;
	[tilespmem:$0x16C00] =	vst v63  }
0x4cf: {  	s25 =	simm.s32 $0x12BB8;
	s26 =	sadd.s32 $0x70, s24  }
0x4d0: {  	[hbm4b:s26+s3] =	stream.linear.scatter [tilespmem:s25], [sflag:$0x4], $0x80, $0x38;
	[tilespmem:$0x16C00] =	vst v63  }
0x4d1: {  	s30 =	simm.s32 $0x12C40;
	s31 =	sadd.s32 $0x80, s24  }
0x4d2: {  	[hbm4b:s31+s3] =	stream.linear.scatter [tilespmem:s30], [sflag:$0x4], $0x80, $0x38;
	[tilespmem:$0x16C00] =	vst v63  }
0x4d3: {  	s25 =	simm.s32 $0x12CC8;
	s26 =	sadd.s32 $0x90, s24  }
0x4d4: {  	[hbm4b:s26+s3] =	stream.linear.scatter [tilespmem:s25], [sflag:$0x4], $0x80, $0x38;
	[tilespmem:$0x16C00] =	vst v63  }
0x4d5: {  	s28 =	simm.s32 $0x4400;
	s30 =	simm.s32 $0x12D50;
	s31 =	sadd.s32 $0xA0, s24  }
0x4d6: {  	[hbm4b:s31+s3] =	stream.linear.scatter [tilespmem:s30], [sflag:$0x4], $0x80, $0x38;
	[tilespmem:$0x16C00] =	vst v63  }
0x4d7: {  	s22 =	simm.s32 $0x880;
	s25 =	simm.s32 $0x12DD8;
	s26 =	sadd.s32 $0xB0, s24  }
0x4d8: {  	[hbm4b:s26+s3] =	stream.linear.scatter [tilespmem:s25], [sflag:$0x4], $0x80, $0x38;
	[tilespmem:$0x16C00] =	vst v63  }
0x4d9: {  	s29 =	sadd.s32 $0xF0, s24;
	s30 =	simm.s32 $0x12E60;
	s31 =	sadd.s32 $0xC0, s24  }
0x4da: {  	[hbm4b:s31+s3] =	stream.linear.scatter [tilespmem:s30], [sflag:$0x4], $0x80, $0x38;
	[tilespmem:$0x16C00] =	vst v63  }
0x4db: {  	s25 =	simm.s32 $0x12EE8;
	s26 =	sadd.s32 $0xD0, s24;
	s30 =	simm.s32 $0x12F70  }
0x4dc: {  	[hbm4b:s26+s3] =	stream.linear.scatter [tilespmem:s25], [sflag:$0x4], $0x80, $0x38;
	[tilespmem:$0x16C00] =	vst v63  }
0x4dd: {  	s31 =	sadd.s32 $0xE0, s24;
	s24 =	sadd.s32 $0x1000, s24;
	s25 =	simm.s32 $0x12FF8  }
0x4de: {  	[hbm4b:s31+s3] =	stream.linear.scatter [tilespmem:s30], [sflag:$0x4], $0x80, $0x38;
	[tilespmem:$0x16C00] =	vst v63  }
.LBB2_17:
0x4df: {  	[hbm4b:s29+s3] =	stream.linear.scatter [tilespmem:s25], [sflag:$0x4], $0x80, $0x38;
	[tilespmem:$0x16C00] =	vst v63  }
0x4e0: {  	s25 =	smov.u32 s22;
	s22 =	smov.u32 s28  }
0x4e1: {  	s26 =	sadd.s32 $0x2200, s28;
	s22 =	sshra.s32 s22, $0x2;
	s29 =	sadd.s32 $0x12800, s25  }
0x4e2: {  	[hbm4b:s24+s3] =	stream.linear.scatter [tilespmem:s29], [sflag:$0x4], $0x80, $0x38;
	[tilespmem:$0x16C00] =	vst v63  }
0x4e3: {  	p0 =	sne.s32 s28, $0xEE00;
	s28 =	sadd.s32 $0x12888, s25;
	s29 =	sadd.s32 $0x10, s24  }
0x4e4: {  	[hbm4b:s29+s3] =	stream.linear.scatter [tilespmem:s28], [sflag:$0x4], $0x80, $0x38;
	[tilespmem:$0x16C00] =	vst v63  }
0x4e5: {  	s28 =	sadd.s32 $0x12910, s25;
	s29 =	sadd.s32 $0x20, s24  }
0x4e6: {  	[hbm4b:s29+s3] =	stream.linear.scatter [tilespmem:s28], [sflag:$0x4], $0x80, $0x38;
	[tilespmem:$0x16C00] =	vst v63  }
0x4e7: {  	s28 =	sadd.s32 $0x12998, s25;
	s29 =	sadd.s32 $0x30, s24  }
0x4e8: {  	[hbm4b:s29+s3] =	stream.linear.scatter [tilespmem:s28], [sflag:$0x4], $0x80, $0x38;
	[tilespmem:$0x16C00] =	vst v63  }
0x4e9: {  	s28 =	sadd.s32 $0x12A20, s25;
	s29 =	sadd.s32 $0x40, s24  }
0x4ea: {  	[hbm4b:s29+s3] =	stream.linear.scatter [tilespmem:s28], [sflag:$0x4], $0x80, $0x38;
	[tilespmem:$0x16C00] =	vst v63  }
0x4eb: {  	s28 =	sadd.s32 $0x12AA8, s25;
	s29 =	sadd.s32 $0x50, s24  }
0x4ec: {  	[hbm4b:s29+s3] =	stream.linear.scatter [tilespmem:s28], [sflag:$0x4], $0x80, $0x38;
	[tilespmem:$0x16C00] =	vst v63  }
0x4ed: {  	s28 =	sadd.s32 $0x12B30, s25;
	s29 =	sadd.s32 $0x60, s24  }
0x4ee: {  	[hbm4b:s29+s3] =	stream.linear.scatter [tilespmem:s28], [sflag:$0x4], $0x80, $0x38;
	[tilespmem:$0x16C00] =	vst v63  }
0x4ef: {  	s28 =	sadd.s32 $0x12BB8, s25;
	s29 =	sadd.s32 $0x70, s24  }
0x4f0: {  	[hbm4b:s29+s3] =	stream.linear.scatter [tilespmem:s28], [sflag:$0x4], $0x80, $0x38;
	[tilespmem:$0x16C00] =	vst v63  }
0x4f1: {  	s28 =	sadd.s32 $0x12C40, s25;
	s29 =	sadd.s32 $0x80, s24  }
0x4f2: {  	[hbm4b:s29+s3] =	stream.linear.scatter [tilespmem:s28], [sflag:$0x4], $0x80, $0x38;
	[tilespmem:$0x16C00] =	vst v63  }
0x4f3: {  	s28 =	sadd.s32 $0x12CC8, s25;
	s29 =	sadd.s32 $0x90, s24  }
0x4f4: {  	[hbm4b:s29+s3] =	stream.linear.scatter [tilespmem:s28], [sflag:$0x4], $0x80, $0x38;
	[tilespmem:$0x16C00] =	vst v63  }
0x4f5: {  	s28 =	sadd.s32 $0x12D50, s25;
	s29 =	sadd.s32 $0xA0, s24  }
0x4f6: {  	[hbm4b:s29+s3] =	stream.linear.scatter [tilespmem:s28], [sflag:$0x4], $0x80, $0x38;
	[tilespmem:$0x16C00] =	vst v63  }
0x4f7: {  	s28 =	sadd.s32 $0x12DD8, s25;
	s29 =	sadd.s32 $0xB0, s24  }
0x4f8: {  	[hbm4b:s29+s3] =	stream.linear.scatter [tilespmem:s28], [sflag:$0x4], $0x80, $0x38;
	[tilespmem:$0x16C00] =	vst v63  }
0x4f9: {  	s28 =	sadd.s32 $0x12E60, s25;
	s29 =	sadd.s32 $0xC0, s24  }
0x4fa: {  	[hbm4b:s29+s3] =	stream.linear.scatter [tilespmem:s28], [sflag:$0x4], $0x80, $0x38;
	[tilespmem:$0x16C00] =	vst v63  }
.Ltmp7:
0x4fb: {  	s28 =	sadd.s32 $0x12EE8, s25;
	s29 =	sadd.s32 $0xD0, s24;
	(pc) =	sbr.rel @p0 .LBB2_17-.Ltmp7, $4  }
0x4fc: {  	[hbm4b:s29+s3] =	stream.linear.scatter [tilespmem:s28], [sflag:$0x4], $0x80, $0x38;
	[tilespmem:$0x16C00] =	vst v63  }
0x4fd: {  	s28 =	sadd.s32 $0x12F70, s25;
	s29 =	sadd.s32 $0xE0, s24;
	s25 =	sadd.s32 $0x12FF8, s25  }
0x4fe: {  	[hbm4b:s29+s3] =	stream.linear.scatter [tilespmem:s28], [sflag:$0x4], $0x80, $0x38;
	[tilespmem:$0x16C00] =	vst v63  }
0x4ff: {  	s29 =	sadd.s32 $0xF0, s24;
	s24 =	sadd.s32 $0x1000, s24;
	s28 =	smov.u32 s26  }
0x500: {  	[hbm4b:s29+s3] =	stream.linear.scatter [tilespmem:s25], [sflag:$0x4], $0x80, $0x38;
	[tilespmem:$0x16C00] =	vst v63  }
0x501: {  	s30 =	sadd.s32 $0x12800, s22  }
0x502: {  	[hbm4b:s24+s3] =	stream.linear.scatter [tilespmem:s30], [sflag:$0x4], $0x80, $0x38;
	[tilespmem:$0x16C00] =	vst v63  }
0x503: {  	s31 =	sadd.s32 $0x12888, s22;
	s26 =	sadd.s32 $0x10, s24  }
0x504: {  	[hbm4b:s26+s3] =	stream.linear.scatter [tilespmem:s31], [sflag:$0x4], $0x80, $0x38;
	[tilespmem:$0x16C00] =	vst v63  }
0x505: {  	s28 =	sadd.s32 $0x12910, s22;
	s29 =	sadd.s32 $0x20, s24  }
0x506: {  	[hbm4b:s29+s3] =	stream.linear.scatter [tilespmem:s28], [sflag:$0x4], $0x80, $0x38;
	[tilespmem:$0x16C00] =	vst v63  }
0x507: {  	s30 =	sadd.s32 $0x12998, s22;
	s31 =	sadd.s32 $0x30, s24  }
0x508: {  	[hbm4b:s31+s3] =	stream.linear.scatter [tilespmem:s30], [sflag:$0x4], $0x80, $0x38;
	[tilespmem:$0x16C00] =	vst v63  }
0x509: {  	s28 =	sadd.s32 $0x12A20, s22;
	s29 =	sadd.s32 $0x40, s24  }
0x50a: {  	[hbm4b:s29+s3] =	stream.linear.scatter [tilespmem:s28], [sflag:$0x4], $0x80, $0x38;
	[tilespmem:$0x16C00] =	vst v63  }
0x50b: {  	s30 =	sadd.s32 $0x12AA8, s22;
	s31 =	sadd.s32 $0x50, s24  }
0x50c: {  	[hbm4b:s31+s3] =	stream.linear.scatter [tilespmem:s30], [sflag:$0x4], $0x80, $0x38;
	[tilespmem:$0x16C00] =	vst v63  }
0x50d: {  	s28 =	sadd.s32 $0x12B30, s22;
	s29 =	sadd.s32 $0x60, s24  }
0x50e: {  	[hbm4b:s29+s3] =	stream.linear.scatter [tilespmem:s28], [sflag:$0x4], $0x80, $0x38;
	[tilespmem:$0x16C00] =	vst v63  }
0x50f: {  	s30 =	sadd.s32 $0x12BB8, s22;
	s31 =	sadd.s32 $0x70, s24  }
0x510: {  	[hbm4b:s31+s3] =	stream.linear.scatter [tilespmem:s30], [sflag:$0x4], $0x80, $0x38;
	[tilespmem:$0x16C00] =	vst v63  }
0x511: {  	s28 =	sadd.s32 $0x12C40, s22;
	s29 =	sadd.s32 $0x80, s24  }
0x512: {  	[hbm4b:s29+s3] =	stream.linear.scatter [tilespmem:s28], [sflag:$0x4], $0x80, $0x38;
	[tilespmem:$0x16C00] =	vst v63  }
0x513: {  	s30 =	sadd.s32 $0x12CC8, s22;
	s31 =	sadd.s32 $0x90, s24  }
0x514: {  	[hbm4b:s31+s3] =	stream.linear.scatter [tilespmem:s30], [sflag:$0x4], $0x80, $0x38;
	[tilespmem:$0x16C00] =	vst v63  }
0x515: {  	s28 =	sadd.s32 $0x12D50, s22;
	s29 =	sadd.s32 $0xA0, s24  }
0x516: {  	[hbm4b:s29+s3] =	stream.linear.scatter [tilespmem:s28], [sflag:$0x4], $0x80, $0x38;
	[tilespmem:$0x16C00] =	vst v63  }
0x517: {  	s30 =	sadd.s32 $0x12DD8, s22;
	s31 =	sadd.s32 $0xB0, s24  }
0x518: {  	[hbm4b:s31+s3] =	stream.linear.scatter [tilespmem:s30], [sflag:$0x4], $0x80, $0x38;
	[tilespmem:$0x16C00] =	vst v63  }
0x519: {  	s28 =	sadd.s32 $0x12E60, s22;
	s29 =	sadd.s32 $0xC0, s24  }
0x51a: {  	[hbm4b:s29+s3] =	stream.linear.scatter [tilespmem:s28], [sflag:$0x4], $0x80, $0x38;
	[tilespmem:$0x16C00] =	vst v63  }
0x51b: {  	s21 =	sadd.s32 $0x1, s21;
	s30 =	sadd.s32 $0x12EE8, s22;
	s31 =	sadd.s32 $0xD0, s24  }
0x51c: {  	[hbm4b:s31+s3] =	stream.linear.scatter [tilespmem:s30], [sflag:$0x4], $0x80, $0x38;
	[tilespmem:$0x16C00] =	vst v63  }
0x51d: {  	p0 =	sne.s32 s21, $0x32;
	s26 =	sadd.s32 $0x12F70, s22;
	s28 =	sadd.s32 $0xE0, s24  }
0x51e: {  	[hbm4b:s28+s3] =	stream.linear.scatter [tilespmem:s26], [sflag:$0x4], $0x80, $0x38;
	[tilespmem:$0x16C00] =	vst v63  }
.Ltmp8:
0x51f: {  	_ = 	snop;
	(pc) =	sbr.rel @p0 .LBB2_6-.Ltmp8, $4  }
0x520: {  	s29 =	sadd.s32 $0x12FF8, s22;
	s30 =	sadd.s32 $0xF0, s24  }
0x521: {  	[hbm4b:s30+s3] =	stream.linear.scatter [tilespmem:s29], [sflag:$0x4], $0x80, $0x38;
	[tilespmem:$0x16C00] =	vst v63  }
0x522: {  	s31 =	sadd.s32 $0x300, s23  }
0x523: {  	[tilespmem:s13], [sflag:$0x2] =	stream.indirect.gather [hbm4b:s4+s11], $0x40, s31, s11, $0xb8;
	[tilespmem:$0x16C00] =	vst v63  }
0x524: {  	_ =	swait.ge [sflag:s15], $0x4000  }
0x525: {  	[sflag:s15] =	ssyncset.done $0x0  }
0x526: {  	[sflag:s15] =	ssyncadd.s32 $0xFFFFC000  }
0x527: {  	_ =	swait.ge [sflag:s14], $0x4000  }
0x528: {  	[sflag:s14] =	ssyncset.done $0x0  }
0x529: {  	s20 =	sadd.s32 $0x1, s20;
	[sflag:s14] =	ssyncadd.s32 $0xFFFFC000  }
0x52a: {  	p0 =	sne.s32 s20, s9;
	_ =	swait.ge [sflag:s18], $0x4000  }
.Ltmp9:
0x52b: {  	[sflag:s18] =	ssyncset.done $0x0;
	(pc) =	sbr.rel @p0 .LBB2_1-.Ltmp9, $4  }
0x52c: {  	[sflag:s18] =	ssyncadd.s32 $0xFFFFC000  }
0x52d: {  	_ =	swait.ge [sflag:s17], $0x4000  }
0x52e: {  	[sflag:s17] =	ssyncset.done $0x0  }
0x52f: {  	[sflag:s17] =	ssyncadd.s32 $0xFFFFC000  }
0x530: {  	_ =	sfence.sel $0x180000  }
0x531: {  	[bflag:$0x0] =	sbarrier.arrive $0xFFFF  }
0x532: {  	p0 =	sne.s32 s0, $0x0;
	_ =	strace $0x90000047  }
0x533: {  	s0 =	sadd.s32 @!p0 $0x100000, s1;
	[bflag:$0x2] =	sbarrier.arrive $0xFFFF  }
0x534: {  	[sflag:s0] =	ssyncadd.tile.s32 @!p0 $0x1;
	_ =	shalt  }
.Lfunc_end2:
_tile_overlayer_lowered:
.L_overlay_start_2:
0x535: {  	(tag) =	ssettag $0x2  }
0x536: {  	s0 =	rddreg [dreg:$0x0];
	s2 =	stileid.u32  }
0x537: {  	s1 =	rddreg [dreg:$0x1];
	p0 =	sne.s32 s2, $0x0  }
0x538: {  	s3 =	rddreg [dreg:$0x2];
	[bflag:$0x3] =	sbarrier.arrive $0xFFFF;
	s2 =	simm.s32 @!p0 $0x1C05  }
0x539: {  	[timem:s3], [sflag:s2] =	dma.local @!p0 [hbm:s0], s1  }
0x53a: {  	s0 =	simm.s32 @!p0 $0x5  }
0x53b: {  	_ =	swait.ge @!p0 [sflag:s0], s1  }
0x53c: {  	s1 =	ssub.s32 @!p0 $0x0, s1;
	[sflag:s0] =	ssyncset.done @!p0 $0x0  }
0x53d: {  	[sflag:s0] =	ssyncadd.s32 @!p0 s1  }
0x53e: {  	[bflag:$0x3] =	sbarrier.arrive $0xFFFF  }
0x53f: {  	_ =	shalt  }

</sc_bundles>
